<compile_context>
chip_gen: v7x
topology: tpu7x:2x2x1
jax: 0.10.2.dev20260603
libtpu: 0.0.44.dev20260713+nightly
codegen_flags: <defaults>
</compile_context>

<pallas_src>
import functools

import jax
import jax.numpy as jnp
from jax import lax
from jax.experimental import pallas as pl
from jax.experimental.pallas import tpu as pltpu
from jax.experimental.pallas import tpu_sc as plsc

ALPHA = 0.1
K = 10
ROWB = 512

F32 = jnp.float32


def _mlp_body(x_ref, w1_ref, b1_ref, w2_ref, b2_ref, dinv_ref, out_ref):
    xb = x_ref[...]
    h = jnp.maximum(
        jnp.dot(xb, w1_ref[...], preferred_element_type=F32) + b1_ref[...], 0.0)
    h2 = jnp.dot(h, w2_ref[...], preferred_element_type=F32) + b2_ref[...]
    scaled = h2 * (dinv_ref[...] * ALPHA)
    pad = jnp.zeros((ROWB, 64 - scaled.shape[1]), F32)
    full = jnp.concatenate([scaled, pad], axis=1)
    out_ref[0] = full[:, :32]
    out_ref[1] = full[:, 32:]


def _mlp(x, W1, b1, W2, b2, dinv, Np):
    nblk = Np // ROWB
    feat = x.shape[1]
    hid = W1.shape[1]
    cls = W2.shape[1]
    return pl.pallas_call(
        _mlp_body,
        grid=(nblk,),
        in_specs=[
            pl.BlockSpec((ROWB, feat), lambda i: (i, 0)),
            pl.BlockSpec((feat, hid), lambda i: (0, 0)),
            pl.BlockSpec((1, hid), lambda i: (0, 0)),
            pl.BlockSpec((hid, cls), lambda i: (0, 0)),
            pl.BlockSpec((1, cls), lambda i: (0, 0)),
            pl.BlockSpec((ROWB, 1), lambda i: (i, 0)),
        ],
        out_specs=pl.BlockSpec((2, ROWB, 32), lambda i: (0, i, 0)),
        out_shape=jax.ShapeDtypeStruct((2, Np, 32), F32),
    )(x, W1, b1.reshape(1, hid), W2, b2.reshape(1, cls), dinv)


def _dinv_body(part_ref, dinv_ref, dinv2_ref):
    d = jnp.sum(part_ref[...], axis=0) + 1.0
    dinv_ref[...] = lax.rsqrt(d)
    dinv2_ref[...] = (1.0 - ALPHA) / d


def _dinv(deg_part, Np):
    nblk = Np // ROWB
    return pl.pallas_call(
        _dinv_body,
        grid=(nblk,),
        in_specs=[pl.BlockSpec((32, ROWB, 1), lambda i: (0, i, 0))],
        out_specs=[pl.BlockSpec((ROWB, 1), lambda i: (i, 0)),
                   pl.BlockSpec((ROWB, 1), lambda i: (i, 0))],
        out_shape=[jax.ShapeDtypeStruct((Np, 1), F32),
                   jax.ShapeDtypeStruct((Np, 1), F32)],
    )(deg_part.reshape(32, Np, 1))


def _fin_body(g_ref, dinv_ref, out_ref, *, cls):
    h64 = jnp.concatenate([g_ref[0], g_ref[1]], axis=1) / dinv_ref[...]
    h = h64[:, :cls]
    m = jnp.max(h, axis=1, keepdims=True)
    e = jnp.exp(h - m)
    s = jnp.sum(e, axis=1, keepdims=True)
    out_ref[...] = h - m - jnp.log(s)


def _fin(g, dinv, N, Np, cls):
    nblk = Np // ROWB
    return pl.pallas_call(
        functools.partial(_fin_body, cls=cls),
        grid=(nblk,),
        in_specs=[pl.BlockSpec((2, ROWB, 32), lambda i: (0, i, 0)),
                  pl.BlockSpec((ROWB, 1), lambda i: (i, 0))],
        out_specs=pl.BlockSpec((ROWB, cls), lambda i: (i, 0)),
        out_shape=jax.ShapeDtypeStruct((N, cls), F32),
    )(g.reshape(2, Np, 32), dinv)


def _make_deg(Np, Ep):
    mesh = plsc.VectorSubcoreMesh(core_axis_name="c", subcore_axis_name="s")
    rows_all = Ep // 128
    rows_w = rows_all // 32
    n_chunks = rows_w // 8
    seg = Np // 16

    @functools.partial(
        pl.kernel,
        out_type=jax.ShapeDtypeStruct((32 * Np,), F32),
        mesh=mesh,
        scratch_types=[
            pltpu.VMEM((Np,), F32),
            pltpu.VMEM((8, 128), jnp.int32),
        ],
        compiler_params=pltpu.CompilerParams(needs_layout_passes=False, use_tc_tiling_on_sc=False),
    )
    def deg_kernel(dst_hbm, out_hbm, hist, dstbuf):
        c = lax.axis_index("c")
        sid = lax.axis_index("s")
        wid = c * 16 + sid
        ones = jnp.ones((16,), F32)

        def zero_body(i, _):
            hist[pl.ds(i * 16, 16)] = jnp.zeros((16,), F32)
            return 0
        lax.fori_loop(0, Np // 16, zero_body, 0)

        def chunk_body(j, _):
            pltpu.sync_copy(dst_hbm.at[pl.ds(wid * rows_w + j * 8, 8), :],
                            dstbuf)
            for r in range(8):
                for q in range(8):
                    idx = dstbuf[r, pl.ds(q * 16, 16)]
                    plsc.addupdate_scatter(hist, [idx], ones)
            return 0
        lax.fori_loop(0, n_chunks, chunk_body, 0)

        pltpu.sync_copy(hist, out_hbm.at[pl.ds(wid * Np, Np)])

    return deg_kernel


def _make_prop(Np, Ep):
    mesh = plsc.VectorSubcoreMesh(core_axis_name="c", subcore_axis_name="s")
    rows_all = Ep // 128
    rows_t = rows_all // 16
    BR = 2
    NB = rows_t // BR
    seg = Np // 16
    RC = seg // 64
    NC = seg // RC
    beta = 1.0 - ALPHA

    @functools.partial(
        pl.kernel,
        out_type=jax.ShapeDtypeStruct((2 * Np, 32), F32),
        mesh=mesh,
        scratch_types=[
            [pltpu.VMEM((BR, 2, 128), jnp.int32) for _ in range(3)],
            [pltpu.VMEM((BR * 128, 32), F32) for _ in range(2)],
            [pltpu.VMEM((RC, 32), F32) for _ in range(2)],
            [pltpu.VMEM((RC, 32), F32) for _ in range(2)],
            pltpu.VMEM((seg,), F32),
            pltpu.VMEM_SHARED((Np, 32), F32),
            pltpu.SemaphoreType.DMA,
            pltpu.SemaphoreType.DMA,
            pltpu.SemaphoreType.DMA,
            pltpu.SemaphoreType.DMA,
            pltpu.SemaphoreType.DMA,
        ],
        compiler_params=pltpu.CompilerParams(needs_layout_passes=False, use_tc_tiling_on_sc=False),
    )
    def prop_kernel(g0_hbm, eidx_hbm, dinv2_hbm, g_hbm,
                    idxI, rows, aggbufs, g0bufs, d2buf, agg,
                    isem, gsem, ssem, csem, wsem):
        c = lax.axis_index("c")
        sid = lax.axis_index("s")
        nbase = sid * seg
        ebase = sid * rows_t
        coff = c * Np

        def idx_fire(b, ibuf):
            er = pl.ds(ebase + b * BR, BR)
            pltpu.async_copy(eidx_hbm.at[c, er, :, :], ibuf, isem)

        def idx_wait(b, ibuf):
            er = pl.ds(ebase + b * BR, BR)
            pltpu.make_async_copy(eidx_hbm.at[c, er, :, :], ibuf,
                                  isem).wait()

        def gather_fire(ibuf, rbuf):
            for r in range(BR):
                pltpu.async_copy(g_hbm.at[ibuf.at[r, 0]],
                                 rbuf.at[pl.ds(r * 128, 128)], gsem)

        def gather_wait(rbuf):
            pltpu.make_async_copy(g_hbm.at[pl.ds(0, BR * 128)], rbuf,
                                  gsem).wait()

        def scatter_fire(ibuf, rbuf):
            for r in range(BR):
                pltpu.async_copy(rbuf.at[pl.ds(r * 128, 128)],
                                 agg.at[ibuf.at[r, 1]], ssem, add=True)

        def scatter_drain(rbuf):
            pltpu.make_async_copy(rbuf, agg.at[pl.ds(0, BR * 128)],
                                  ssem).wait()

        pltpu.sync_copy(dinv2_hbm.at[pl.ds(nbase, seg)], d2buf)

        def init_body(cc, _):
            loc0 = nbase + cc * RC
            rs = pl.ds(coff + loc0, RC)
            pltpu.sync_copy(g0_hbm.at[rs], aggbufs[0])

            def unscale(i, _):
                for v in range(2):
                    s = pl.ds(v * 16, 16)
                    aggbufs[0][i, s] = aggbufs[0][i, s] * (1.0 / ALPHA)
                return 0
            lax.fori_loop(0, RC, unscale, 0)
            pltpu.sync_copy(aggbufs[0], g_hbm.at[rs])
            pltpu.sync_copy(aggbufs[0], agg.at[pl.ds(loc0, RC)])
            return 0
        lax.fori_loop(0, NC, init_body, 0)
        plsc.subcore_barrier()

        def iter_body(t, _):
            with jax.named_scope("phaseB"):
                idx_fire(0, idxI[0])
                idx_wait(0, idxI[0])
                gather_fire(idxI[0], rows[0])
                idx_fire(1, idxI[1])

            def step(b, rcur, rnxt, icur, inxt, innxt):
                @pl.when(b + 1 < NB)
                def _():
                    idx_wait(b + 1, inxt)

                @pl.when(b >= 1)
                def _():
                    scatter_drain(rnxt)

                @pl.when(b + 1 < NB)
                def _():
                    gather_fire(inxt, rnxt)

                @pl.when(b + 2 < NB)
                def _():
                    idx_fire(b + 2, innxt)

                gather_wait(rcur)
                scatter_fire(icur, rcur)

            def pb_body(b, _):
                m = b % 6
                for k in range(6):
                    @pl.when(m == k)
                    def _(k=k):
                        step(b, rows[k % 2], rows[(k + 1) % 2],
                             idxI[k % 3], idxI[(k + 1) % 3],
                             idxI[(k + 2) % 3])
                return 0
            with jax.named_scope("phaseB2"):
                lax.fori_loop(0, NB, pb_body, 0)
                scatter_drain(rows[(NB - 1) % 2])
                plsc.subcore_barrier()

            def comb_loads(cc, gb):
                loc0 = nbase + cc * RC
                pltpu.async_copy(g0_hbm.at[pl.ds(coff + loc0, RC)], gb, csem)

            def comb_loads_wait(gb):
                pltpu.make_async_copy(g0_hbm.at[pl.ds(0, RC)], gb,
                                      csem).wait()

            def comb_wb(cc, ab):
                loc0 = nbase + cc * RC
                pltpu.async_copy(ab, g_hbm.at[pl.ds(coff + loc0, RC)], wsem)

            def comb_wb_drain(ab):
                pltpu.make_async_copy(ab, g_hbm.at[pl.ds(0, RC)], wsem).wait()

            def comb_step(cc, ab, gb, abo, gbo):
                @pl.when(cc >= 1)
                def _():
                    comb_wb_drain(abo)

                @pl.when(cc + 1 < NC)
                def _():
                    comb_loads(cc + 1, gbo)
                loc0 = nbase + cc * RC
                pltpu.sync_copy(agg.at[pl.ds(loc0, RC)], ab)
                comb_loads_wait(gb)

                def row_body(i, _):
                    idxv = jnp.zeros((16,), jnp.int32) + (cc * RC + i)
                    d2v = plsc.load_gather(d2buf, [idxv])
                    for v in range(2):
                        s = pl.ds(v * 16, 16)
                        ab[i, s] = d2v * ab[i, s] + gb[i, s]
                    return 0
                lax.fori_loop(0, RC, row_body, 0)
                pltpu.sync_copy(ab, agg.at[pl.ds(loc0, RC)])
                comb_wb(cc, ab)

            with jax.named_scope("phaseC"):
                comb_loads(0, g0bufs[0])

                def comb_body(cc, _):
                    @pl.when(cc % 2 == 0)
                    def _():
                        comb_step(cc, aggbufs[0], g0bufs[0],
                                  aggbufs[1], g0bufs[1])

                    @pl.when(cc % 2 == 1)
                    def _():
                        comb_step(cc, aggbufs[1], g0bufs[1],
                                  aggbufs[0], g0bufs[0])
                    return 0
                lax.fori_loop(0, NC, comb_body, 0)
                comb_wb_drain(aggbufs[(NC - 1) % 2])
                plsc.subcore_barrier()
            return 0

        lax.fori_loop(0, K, iter_body, 0)

    return prop_kernel


def kernel(x, edge_index, W1, b1, W2, b2):
    N, feat = x.shape
    cls = W2.shape[1]
    E = edge_index.shape[1]

    Np = ((N + ROWB - 1) // ROWB) * ROWB
    while Np % (16 * 16) != 0:
        Np += ROWB
    Ep = ((E + 32 * 1024 - 1) // (32 * 1024)) * (32 * 1024)

    src = edge_index[0]
    dst = edge_index[1]
    if Ep != E:
        fill = jnp.full((Ep - E,), N, jnp.int32)
        src = jnp.concatenate([src, fill])
        dst = jnp.concatenate([dst, fill])
    src_adj = jnp.stack([src, src + Np]).reshape(2, Ep // 128, 128)
    dst3 = dst.reshape(Ep // 128, 128)
    eidx = jnp.concatenate(
        [src_adj[:, :, None, :],
         jnp.broadcast_to(dst3[None, :, None, :], (2, Ep // 128, 1, 128))],
        axis=2)

    deg_part = _make_deg(Np, Ep)(dst3)
    dinv, dinv2 = _dinv(deg_part, Np)

    g0 = _mlp(x, W1, b1, W2, b2, dinv, Np).reshape(2 * Np, 32)
    gK = _make_prop(Np, Ep)(g0, eidx, dinv2.reshape(Np))
    return _fin(gK, dinv, N, Np, cls)

# --- scband reference (transcript-rebuilt; emitter-appended) ---
"""Pipeline reference for scband-net-6227702579590 (READ-ONLY COPY).

The authoritative reference and input builder live on the scoring server;
editing this copy changes nothing except your own understanding.
"""

import jax, jax.numpy as jnp
import numpy as np

N = 50000
E = 800000
FEAT = 128
HID = 64
CLS = 40
K = 10
ALPHA = 0.1


def setup_inputs(seed: int = 0) -> dict:
    key = jax.random.key(seed)
    k1, k2, k3, k4, k5, k6 = jax.random.split(key, 6)
    x = jax.random.normal(k1, (N, FEAT), dtype=jnp.float32)
    edge_index = jax.random.randint(k2, (2, E), 0, N, dtype=jnp.int32)
    W1 = jax.random.normal(k3, (FEAT, HID), dtype=jnp.float32) * 0.05
    b1 = jnp.zeros((HID,), dtype=jnp.float32)
    W2 = jax.random.normal(k4, (HID, CLS), dtype=jnp.float32) * 0.05
    b2 = jnp.zeros((CLS,), dtype=jnp.float32)
    return {"x": x, "edge_index": edge_index, "W1": W1, "b1": b1, "W2": W2, "b2": b2}


def reference(x, edge_index, W1, b1, W2, b2):
    # MLP part: lin1 -> relu -> (dropout is identity in eval) -> lin2
    h = jnp.maximum(x @ W1 + b1, 0.0)
    h = h @ W2 + b2

    # APPNP propagation with GCN normalization + self loops
    loop = jnp.arange(N, dtype=edge_index.dtype)
    src = jnp.concatenate([edge_index[0], loop])
    dst = jnp.concatenate([edge_index[1], loop])
    ones = jnp.ones(src.shape[0], dtype=h.dtype)
    deg = jax.ops.segment_sum(ones, dst, num_segments=N)
    dinv = jnp.where(deg > 0, 1.0 / jnp.sqrt(deg), 0.0)
    norm = dinv[src] * dinv[dst]

    x0 = h
    for _ in range(K):
        msg = h[src] * norm[:, None]
        agg = jax.ops.segment_sum(msg, dst, num_segments=N)
        h = (1.0 - ALPHA) * agg + ALPHA * x0

    return jax.nn.log_softmax(h, axis=1)

if __name__ == "__main__":
    import jax
    _d = setup_inputs()
    print(jax.jit(kernel)(*tuple(_d.values())))

</pallas_src>

<mosaic_0001>
#map = affine_map<(d0, d1) -> (0, 0)>
#map1 = affine_map<(d0, d1) -> (0)>
module attributes {stable_mosaic.version = 14 : i64} {
  func.func @deg_kernel(%arg0: i32, %arg1: i32, %arg2: memref<6400x128xi32, #tpu.memory_space<hbm>>, %arg3: memref<1605632xf32, #tpu.memory_space<hbm>>, %arg4: memref<50176xf32, #tpu.memory_space<vmem>>, %arg5: memref<8x128xi32, #tpu.memory_space<vmem>>) attributes {dimension_semantics = [#tpu.dimension_semantics<core_parallel>, #tpu.dimension_semantics<subcore_parallel>], iteration_bounds = array<i64: 2, 16>, scalar_prefetch = 0 : i64, scratch_operands = 2 : i64, tpu.core_type = #tpu.core_type<sc_vector_subcore>, window_params = [{transform_indices = #map}, {transform_indices = #map1}]} {
    %mul3A = arith.constant 16 : i32
    %mul3A_0 = arith.muli %arg0, %mul3A : i32
    %add3A = arith.addi %mul3A_0, %arg1 : i32
    %broadcast_in_dim3A = arith.constant 1.000000e+00 : f32
    %broadcast_in_dim3A_1 = vector.broadcast %broadcast_in_dim3A : f32 to vector<16xf32>
    %scan3A = arith.constant 0 : i32
    %scan3A_2 = arith.constant 0 : i32
    %scan3A_3 = arith.constant 3136 : i32
    %scan3A_4 = arith.addi %scan3A_2, %scan3A_3 : i32
    %scan3A_5 = arith.constant 1 : i32
    %scan3A_6 = scf.for %scan3A_17 = %scan3A_2 to %scan3A_4 step %scan3A_5 iter_args(%scan3A_18 = %scan3A) -> (i32)  : i32 {
      %broadcast_in_dim3A_19 = arith.constant 0.000000e+00 : f32
      %broadcast_in_dim3A_20 = vector.broadcast %broadcast_in_dim3A_19 : f32 to vector<16xf32>
      %mul3A_21 = arith.constant 16 : i32
      %mul3A_22 = arith.muli %scan3A_17, %mul3A_21 : i32
      %swap3A = arith.index_cast %mul3A_22 : i32 to index
      %swap3A_23 = tpu.vector_load %arg4[%swap3A] {strides = array<i32>} : memref<50176xf32, #tpu.memory_space<vmem>>, vector<16xf32>,
      tpu.vector_store %arg4[%swap3A], %broadcast_in_dim3A_20 {strides = array<i32>} : memref<50176xf32, #tpu.memory_space<vmem>>, vector<16xf32>,
      %scan3A_24 = arith.constant 0 : i32
      scf.yield %scan3A_24 : i32
    }
    %scan3A_7 = arith.constant 3136 : i32
    %scan3A_8 = arith.constant 0 : i32
    %scan3A_9 = arith.constant 0 : i32
    %scan3A_10 = arith.constant 25 : i32
    %scan3A_11 = arith.addi %scan3A_9, %scan3A_10 : i32
    %scan3A_12 = arith.constant 1 : i32
    %scan3A_13 = scf.for %scan3A_17 = %scan3A_9 to %scan3A_11 step %scan3A_12 iter_args(%scan3A_18 = %scan3A_8) -> (i32)  : i32 {
      %mul3A_19 = arith.constant 200 : i32
      %mul3A_20 = arith.muli %add3A, %mul3A_19 : i32
      %mul3A_21 = arith.constant 8 : i32
      %mul3A_22 = arith.muli %scan3A_17, %mul3A_21 : i32
      %add3A_23 = arith.addi %mul3A_20, %mul3A_22 : i32
      "tpu.region"() ({
        %run_scoped3A = tpu.sem_alloc : memref<!tpu.dma_semaphore, #tpu.memory_space<semaphore_mem>>
        %dma_start3A = arith.constant 0 : i32
        %dma_start3A_280 = tpu.memref_slice %arg2[%add3A_23, %dma_start3A] : memref<6400x128xi32, #tpu.memory_space<hbm>> -> memref<8x128xi32, #tpu.memory_space<hbm>>
        %dma_start3A_281 = arith.constant 0 : i32
        %dma_start3A_282 = tpu.memref_slice %arg2[%add3A_23, %dma_start3A_281] : memref<6400x128xi32, #tpu.memory_space<hbm>> -> memref<8x128xi32, #tpu.memory_space<hbm>>
        tpu.enqueue_dma source(%dma_start3A_282 : memref<8x128xi32, #tpu.memory_space<hbm>>) target(%arg5 : memref<8x128xi32, #tpu.memory_space<vmem>>) target_semaphore(%run_scoped3A : memref<!tpu.dma_semaphore, #tpu.memory_space<semaphore_mem>>)
        %dma_wait3A = arith.constant 0 : i32
        %dma_wait3A_283 = tpu.memref_slice %arg2[%add3A_23, %dma_wait3A] : memref<6400x128xi32, #tpu.memory_space<hbm>> -> memref<8x128xi32, #tpu.memory_space<hbm>>
        %dma_wait3A_284 = arith.constant 0 : i32
        %dma_wait3A_285 = tpu.memref_slice %arg2[%add3A_23, %dma_wait3A_284] : memref<6400x128xi32, #tpu.memory_space<hbm>> -> memref<8x128xi32, #tpu.memory_space<hbm>>
        tpu.wait_dma2 semaphore(%run_scoped3A : memref<!tpu.dma_semaphore, #tpu.memory_space<semaphore_mem>>) src(%dma_wait3A_285 : memref<8x128xi32, #tpu.memory_space<hbm>>) dst(%arg5 : memref<8x128xi32, #tpu.memory_space<vmem>>)
        tpu.yield
      }) : () -> ()
      %get3A = arith.constant 0 : i32
      %get3A_24 = arith.index_cast %get3A : i32 to index
      %get3A_25 = arith.constant 0 : index
      %get3A_26 = tpu.vector_load %arg5[%get3A_24, %get3A_25] {strides = array<i32>} : memref<8x128xi32, #tpu.memory_space<vmem>>, vector<16xi32>,
      tpu.vector_store_idx %arg4[%get3A_26], %broadcast_in_dim3A_1 {add = true} : memref<50176xf32, #tpu.memory_space<vmem>>[vector<16xi32>], vector<16xf32>,
      %get3A_27 = arith.constant 0 : i32
      %get3A_28 = arith.index_cast %get3A_27 : i32 to index
      %get3A_29 = arith.constant 16 : index
      %get3A_30 = tpu.vector_load %arg5[%get3A_28, %get3A_29] {strides = array<i32>} : memref<8x128xi32, #tpu.memory_space<vmem>>, vector<16xi32>,
      tpu.vector_store_idx %arg4[%get3A_30], %broadcast_in_dim3A_1 {add = true} : memref<50176xf32, #tpu.memory_space<vmem>>[vector<16xi32>], vector<16xf32>,
      %get3A_31 = arith.constant 0 : i32
      %get3A_32 = arith.index_cast %get3A_31 : i32 to index
      %get3A_33 = arith.constant 32 : index
      %get3A_34 = tpu.vector_load %arg5[%get3A_32, %get3A_33] {strides = array<i32>} : memref<8x128xi32, #tpu.memory_space<vmem>>, vector<16xi32>,
      tpu.vector_store_idx %arg4[%get3A_34], %broadcast_in_dim3A_1 {add = true} : memref<50176xf32, #tpu.memory_space<vmem>>[vector<16xi32>], vector<16xf32>,
      %get3A_35 = arith.constant 0 : i32
      %get3A_36 = arith.index_cast %get3A_35 : i32 to index
      %get3A_37 = arith.constant 48 : index
      %get3A_38 = tpu.vector_load %arg5[%get3A_36, %get3A_37] {strides = array<i32>} : memref<8x128xi32, #tpu.memory_space<vmem>>, vector<16xi32>,
      tpu.vector_store_idx %arg4[%get3A_38], %broadcast_in_dim3A_1 {add = true} : memref<50176xf32, #tpu.memory_space<vmem>>[vector<16xi32>], vector<16xf32>,
      %get3A_39 = arith.constant 0 : i32
      %get3A_40 = arith.index_cast %get3A_39 : i32 to index
      %get3A_41 = arith.constant 64 : index
      %get3A_42 = tpu.vector_load %arg5[%get3A_40, %get3A_41] {strides = array<i32>} : memref<8x128xi32, #tpu.memory_space<vmem>>, vector<16xi32>,
      tpu.vector_store_idx %arg4[%get3A_42], %broadcast_in_dim3A_1 {add = true} : memref<50176xf32, #tpu.memory_space<vmem>>[vector<16xi32>], vector<16xf32>,
      %get3A_43 = arith.constant 0 : i32
      %get3A_44 = arith.index_cast %get3A_43 : i32 to index
      %get3A_45 = arith.constant 80 : index
      %get3A_46 = tpu.vector_load %arg5[%get3A_44, %get3A_45] {strides = array<i32>} : memref<8x128xi32, #tpu.memory_space<vmem>>, vector<16xi32>,
      tpu.vector_store_idx %arg4[%get3A_46], %broadcast_in_dim3A_1 {add = true} : memref<50176xf32, #tpu.memory_space<vmem>>[vector<16xi32>], vector<16xf32>,
      %get3A_47 = arith.constant 0 : i32
      %get3A_48 = arith.index_cast %get3A_47 : i32 to index
      %get3A_49 = arith.constant 96 : index
      %get3A_50 = tpu.vector_load %arg5[%get3A_48, %get3A_49] {strides = array<i32>} : memref<8x128xi32, #tpu.memory_space<vmem>>, vector<16xi32>,
      tpu.vector_store_idx %arg4[%get3A_50], %broadcast_in_dim3A_1 {add = true} : memref<50176xf32, #tpu.memory_space<vmem>>[vector<16xi32>], vector<16xf32>,
      %get3A_51 = arith.constant 0 : i32
      %get3A_52 = arith.index_cast %get3A_51 : i32 to index
      %get3A_53 = arith.constant 112 : index
      %get3A_54 = tpu.vector_load %arg5[%get3A_52, %get3A_53] {strides = array<i32>} : memref<8x128xi32, #tpu.memory_space<vmem>>, vector<16xi32>,
      tpu.vector_store_idx %arg4[%get3A_54], %broadcast_in_dim3A_1 {add = true} : memref<50176xf32, #tpu.memory_space<vmem>>[vector<16xi32>], vector<16xf32>,
      %get3A_55 = arith.constant 1 : i32
      %get3A_56 = arith.index_cast %get3A_55 : i32 to index
      %get3A_57 = arith.constant 0 : index
      %get3A_58 = tpu.vector_load %arg5[%get3A_56, %get3A_57] {strides = array<i32>} : memref<8x128xi32, #tpu.memory_space<vmem>>, vector<16xi32>,
      tpu.vector_store_idx %arg4[%get3A_58], %broadcast_in_dim3A_1 {add = true} : memref<50176xf32, #tpu.memory_space<vmem>>[vector<16xi32>], vector<16xf32>,
      %get3A_59 = arith.constant 1 : i32
      %get3A_60 = arith.index_cast %get3A_59 : i32 to index
      %get3A_61 = arith.constant 16 : index
      %get3A_62 = tpu.vector_load %arg5[%get3A_60, %get3A_61] {strides = array<i32>} : memref<8x128xi32, #tpu.memory_space<vmem>>, vector<16xi32>,
      tpu.vector_store_idx %arg4[%get3A_62], %broadcast_in_dim3A_1 {add = true} : memref<50176xf32, #tpu.memory_space<vmem>>[vector<16xi32>], vector<16xf32>,
      %get3A_63 = arith.constant 1 : i32
      %get3A_64 = arith.index_cast %get3A_63 : i32 to index
      %get3A_65 = arith.constant 32 : index
      %get3A_66 = tpu.vector_load %arg5[%get3A_64, %get3A_65] {strides = array<i32>} : memref<8x128xi32, #tpu.memory_space<vmem>>, vector<16xi32>,
      tpu.vector_store_idx %arg4[%get3A_66], %broadcast_in_dim3A_1 {add = true} : memref<50176xf32, #tpu.memory_space<vmem>>[vector<16xi32>], vector<16xf32>,
      %get3A_67 = arith.constant 1 : i32
      %get3A_68 = arith.index_cast %get3A_67 : i32 to index
      %get3A_69 = arith.constant 48 : index
      %get3A_70 = tpu.vector_load %arg5[%get3A_68, %get3A_69] {strides = array<i32>} : memref<8x128xi32, #tpu.memory_space<vmem>>, vector<16xi32>,
      tpu.vector_store_idx %arg4[%get3A_70], %broadcast_in_dim3A_1 {add = true} : memref<50176xf32, #tpu.memory_space<vmem>>[vector<16xi32>], vector<16xf32>,
      %get3A_71 = arith.constant 1 : i32
      %get3A_72 = arith.index_cast %get3A_71 : i32 to index
      %get3A_73 = arith.constant 64 : index
      %get3A_74 = tpu.vector_load %arg5[%get3A_72, %get3A_73] {strides = array<i32>} : memref<8x128xi32, #tpu.memory_space<vmem>>, vector<16xi32>,
      tpu.vector_store_idx %arg4[%get3A_74], %broadcast_in_dim3A_1 {add = true} : memref<50176xf32, #tpu.memory_space<vmem>>[vector<16xi32>], vector<16xf32>,
      %get3A_75 = arith.constant 1 : i32
      %get3A_76 = arith.index_cast %get3A_75 : i32 to index
      %get3A_77 = arith.constant 80 : index
      %get3A_78 = tpu.vector_load %arg5[%get3A_76, %get3A_77] {strides = array<i32>} : memref<8x128xi32, #tpu.memory_space<vmem>>, vector<16xi32>,
      tpu.vector_store_idx %arg4[%get3A_78], %broadcast_in_dim3A_1 {add = true} : memref<50176xf32, #tpu.memory_space<vmem>>[vector<16xi32>], vector<16xf32>,
      %get3A_79 = arith.constant 1 : i32
      %get3A_80 = arith.index_cast %get3A_79 : i32 to index
      %get3A_81 = arith.constant 96 : index
      %get3A_82 = tpu.vector_load %arg5[%get3A_80, %get3A_81] {strides = array<i32>} : memref<8x128xi32, #tpu.memory_space<vmem>>, vector<16xi32>,
      tpu.vector_store_idx %arg4[%get3A_82], %broadcast_in_dim3A_1 {add = true} : memref<50176xf32, #tpu.memory_space<vmem>>[vector<16xi32>], vector<16xf32>,
      %get3A_83 = arith.constant 1 : i32
      %get3A_84 = arith.index_cast %get3A_83 : i32 to index
      %get3A_85 = arith.constant 112 : index
      %get3A_86 = tpu.vector_load %arg5[%get3A_84, %get3A_85] {strides = array<i32>} : memref<8x128xi32, #tpu.memory_space<vmem>>, vector<16xi32>,
      tpu.vector_store_idx %arg4[%get3A_86], %broadcast_in_dim3A_1 {add = true} : memref<50176xf32, #tpu.memory_space<vmem>>[vector<16xi32>], vector<16xf32>,
      %get3A_87 = arith.constant 2 : i32
      %get3A_88 = arith.index_cast %get3A_87 : i32 to index
      %get3A_89 = arith.constant 0 : index
      %get3A_90 = tpu.vector_load %arg5[%get3A_88, %get3A_89] {strides = array<i32>} : memref<8x128xi32, #tpu.memory_space<vmem>>, vector<16xi32>,
      tpu.vector_store_idx %arg4[%get3A_90], %broadcast_in_dim3A_1 {add = true} : memref<50176xf32, #tpu.memory_space<vmem>>[vector<16xi32>], vector<16xf32>,
      %get3A_91 = arith.constant 2 : i32
      %get3A_92 = arith.index_cast %get3A_91 : i32 to index
      %get3A_93 = arith.constant 16 : index
      %get3A_94 = tpu.vector_load %arg5[%get3A_92, %get3A_93] {strides = array<i32>} : memref<8x128xi32, #tpu.memory_space<vmem>>, vector<16xi32>,
      tpu.vector_store_idx %arg4[%get3A_94], %broadcast_in_dim3A_1 {add = true} : memref<50176xf32, #tpu.memory_space<vmem>>[vector<16xi32>], vector<16xf32>,
      %get3A_95 = arith.constant 2 : i32
      %get3A_96 = arith.index_cast %get3A_95 : i32 to index
      %get3A_97 = arith.constant 32 : index
      %get3A_98 = tpu.vector_load %arg5[%get3A_96, %get3A_97] {strides = array<i32>} : memref<8x128xi32, #tpu.memory_space<vmem>>, vector<16xi32>,
      tpu.vector_store_idx %arg4[%get3A_98], %broadcast_in_dim3A_1 {add = true} : memref<50176xf32, #tpu.memory_space<vmem>>[vector<16xi32>], vector<16xf32>,
      %get3A_99 = arith.constant 2 : i32
      %get3A_100 = arith.index_cast %get3A_99 : i32 to index
      %get3A_101 = arith.constant 48 : index
      %get3A_102 = tpu.vector_load %arg5[%get3A_100, %get3A_101] {strides = array<i32>} : memref<8x128xi32, #tpu.memory_space<vmem>>, vector<16xi32>,
      tpu.vector_store_idx %arg4[%get3A_102], %broadcast_in_dim3A_1 {add = true} : memref<50176xf32, #tpu.memory_space<vmem>>[vector<16xi32>], vector<16xf32>,
      %get3A_103 = arith.constant 2 : i32
      %get3A_104 = arith.index_cast %get3A_103 : i32 to index
      %get3A_105 = arith.constant 64 : index
      %get3A_106 = tpu.vector_load %arg5[%get3A_104, %get3A_105] {strides = array<i32>} : memref<8x128xi32, #tpu.memory_space<vmem>>, vector<16xi32>,
      tpu.vector_store_idx %arg4[%get3A_106], %broadcast_in_dim3A_1 {add = true} : memref<50176xf32, #tpu.memory_space<vmem>>[vector<16xi32>], vector<16xf32>,
      %get3A_107 = arith.constant 2 : i32
      %get3A_108 = arith.index_cast %get3A_107 : i32 to index
      %get3A_109 = arith.constant 80 : index
      %get3A_110 = tpu.vector_load %arg5[%get3A_108, %get3A_109] {strides = array<i32>} : memref<8x128xi32, #tpu.memory_space<vmem>>, vector<16xi32>,
      tpu.vector_store_idx %arg4[%get3A_110], %broadcast_in_dim3A_1 {add = true} : memref<50176xf32, #tpu.memory_space<vmem>>[vector<16xi32>], vector<16xf32>,
      %get3A_111 = arith.constant 2 : i32
      %get3A_112 = arith.index_cast %get3A_111 : i32 to index
      %get3A_113 = arith.constant 96 : index
      %get3A_114 = tpu.vector_load %arg5[%get3A_112, %get3A_113] {strides = array<i32>} : memref<8x128xi32, #tpu.memory_space<vmem>>, vector<16xi32>,
      tpu.vector_store_idx %arg4[%get3A_114], %broadcast_in_dim3A_1 {add = true} : memref<50176xf32, #tpu.memory_space<vmem>>[vector<16xi32>], vector<16xf32>,
      %get3A_115 = arith.constant 2 : i32
      %get3A_116 = arith.index_cast %get3A_115 : i32 to index
      %get3A_117 = arith.constant 112 : index
      %get3A_118 = tpu.vector_load %arg5[%get3A_116, %get3A_117] {strides = array<i32>} : memref<8x128xi32, #tpu.memory_space<vmem>>, vector<16xi32>,
      tpu.vector_store_idx %arg4[%get3A_118], %broadcast_in_dim3A_1 {add = true} : memref<50176xf32, #tpu.memory_space<vmem>>[vector<16xi32>], vector<16xf32>,
      %get3A_119 = arith.constant 3 : i32
      %get3A_120 = arith.index_cast %get3A_119 : i32 to index
      %get3A_121 = arith.constant 0 : index
      %get3A_122 = tpu.vector_load %arg5[%get3A_120, %get3A_121] {strides = array<i32>} : memref<8x128xi32, #tpu.memory_space<vmem>>, vector<16xi32>,
      tpu.vector_store_idx %arg4[%get3A_122], %broadcast_in_dim3A_1 {add = true} : memref<50176xf32, #tpu.memory_space<vmem>>[vector<16xi32>], vector<16xf32>,
      %get3A_123 = arith.constant 3 : i32
      %get3A_124 = arith.index_cast %get3A_123 : i32 to index
      %get3A_125 = arith.constant 16 : index
      %get3A_126 = tpu.vector_load %arg5[%get3A_124, %get3A_125] {strides = array<i32>} : memref<8x128xi32, #tpu.memory_space<vmem>>, vector<16xi32>,
      tpu.vector_store_idx %arg4[%get3A_126], %broadcast_in_dim3A_1 {add = true} : memref<50176xf32, #tpu.memory_space<vmem>>[vector<16xi32>], vector<16xf32>,
      %get3A_127 = arith.constant 3 : i32
      %get3A_128 = arith.index_cast %get3A_127 : i32 to index
      %get3A_129 = arith.constant 32 : index
      %get3A_130 = tpu.vector_load %arg5[%get3A_128, %get3A_129] {strides = array<i32>} : memref<8x128xi32, #tpu.memory_space<vmem>>, vector<16xi32>,
      tpu.vector_store_idx %arg4[%get3A_130], %broadcast_in_dim3A_1 {add = true} : memref<50176xf32, #tpu.memory_space<vmem>>[vector<16xi32>], vector<16xf32>,
      %get3A_131 = arith.constant 3 : i32
      %get3A_132 = arith.index_cast %get3A_131 : i32 to index
      %get3A_133 = arith.constant 48 : index
      %get3A_134 = tpu.vector_load %arg5[%get3A_132, %get3A_133] {strides = array<i32>} : memref<8x128xi32, #tpu.memory_space<vmem>>, vector<16xi32>,
      tpu.vector_store_idx %arg4[%get3A_134], %broadcast_in_dim3A_1 {add = true} : memref<50176xf32, #tpu.memory_space<vmem>>[vector<16xi32>], vector<16xf32>,
      %get3A_135 = arith.constant 3 : i32
      %get3A_136 = arith.index_cast %get3A_135 : i32 to index
      %get3A_137 = arith.constant 64 : index
      %get3A_138 = tpu.vector_load %arg5[%get3A_136, %get3A_137] {strides = array<i32>} : memref<8x128xi32, #tpu.memory_space<vmem>>, vector<16xi32>,
      tpu.vector_store_idx %arg4[%get3A_138], %broadcast_in_dim3A_1 {add = true} : memref<50176xf32, #tpu.memory_space<vmem>>[vector<16xi32>], vector<16xf32>,
      %get3A_139 = arith.constant 3 : i32
      %get3A_140 = arith.index_cast %get3A_139 : i32 to index
      %get3A_141 = arith.constant 80 : index
      %get3A_142 = tpu.vector_load %arg5[%get3A_140, %get3A_141] {strides = array<i32>} : memref<8x128xi32, #tpu.memory_space<vmem>>, vector<16xi32>,
      tpu.vector_store_idx %arg4[%get3A_142], %broadcast_in_dim3A_1 {add = true} : memref<50176xf32, #tpu.memory_space<vmem>>[vector<16xi32>], vector<16xf32>,
      %get3A_143 = arith.constant 3 : i32
      %get3A_144 = arith.index_cast %get3A_143 : i32 to index
      %get3A_145 = arith.constant 96 : index
      %get3A_146 = tpu.vector_load %arg5[%get3A_144, %get3A_145] {strides = array<i32>} : memref<8x128xi32, #tpu.memory_space<vmem>>, vector<16xi32>,
      tpu.vector_store_idx %arg4[%get3A_146], %broadcast_in_dim3A_1 {add = true} : memref<50176xf32, #tpu.memory_space<vmem>>[vector<16xi32>], vector<16xf32>,
      %get3A_147 = arith.constant 3 : i32
      %get3A_148 = arith.index_cast %get3A_147 : i32 to index
      %get3A_149 = arith.constant 112 : index
      %get3A_150 = tpu.vector_load %arg5[%get3A_148, %get3A_149] {strides = array<i32>} : memref<8x128xi32, #tpu.memory_space<vmem>>, vector<16xi32>,
      tpu.vector_store_idx %arg4[%get3A_150], %broadcast_in_dim3A_1 {add = true} : memref<50176xf32, #tpu.memory_space<vmem>>[vector<16xi32>], vector<16xf32>,
      %get3A_151 = arith.constant 4 : i32
      %get3A_152 = arith.index_cast %get3A_151 : i32 to index
      %get3A_153 = arith.constant 0 : index
      %get3A_154 = tpu.vector_load %arg5[%get3A_152, %get3A_153] {strides = array<i32>} : memref<8x128xi32, #tpu.memory_space<vmem>>, vector<16xi32>,
      tpu.vector_store_idx %arg4[%get3A_154], %broadcast_in_dim3A_1 {add = true} : memref<50176xf32, #tpu.memory_space<vmem>>[vector<16xi32>], vector<16xf32>,
      %get3A_155 = arith.constant 4 : i32
      %get3A_156 = arith.index_cast %get3A_155 : i32 to index
      %get3A_157 = arith.constant 16 : index
      %get3A_158 = tpu.vector_load %arg5[%get3A_156, %get3A_157] {strides = array<i32>} : memref<8x128xi32, #tpu.memory_space<vmem>>, vector<16xi32>,
      tpu.vector_store_idx %arg4[%get3A_158], %broadcast_in_dim3A_1 {add = true} : memref<50176xf32, #tpu.memory_space<vmem>>[vector<16xi32>], vector<16xf32>,
      %get3A_159 = arith.constant 4 : i32
      %get3A_160 = arith.index_cast %get3A_159 : i32 to index
      %get3A_161 = arith.constant 32 : index
      %get3A_162 = tpu.vector_load %arg5[%get3A_160, %get3A_161] {strides = array<i32>} : memref<8x128xi32, #tpu.memory_space<vmem>>, vector<16xi32>,
      tpu.vector_store_idx %arg4[%get3A_162], %broadcast_in_dim3A_1 {add = true} : memref<50176xf32, #tpu.memory_space<vmem>>[vector<16xi32>], vector<16xf32>,
      %get3A_163 = arith.constant 4 : i32
      %get3A_164 = arith.index_cast %get3A_163 : i32 to index
      %get3A_165 = arith.constant 48 : index
      %get3A_166 = tpu.vector_load %arg5[%get3A_164, %get3A_165] {strides = array<i32>} : memref<8x128xi32, #tpu.memory_space<vmem>>, vector<16xi32>,
      tpu.vector_store_idx %arg4[%get3A_166], %broadcast_in_dim3A_1 {add = true} : memref<50176xf32, #tpu.memory_space<vmem>>[vector<16xi32>], vector<16xf32>,
      %get3A_167 = arith.constant 4 : i32
      %get3A_168 = arith.index_cast %get3A_167 : i32 to index
      %get3A_169 = arith.constant 64 : index
      %get3A_170 = tpu.vector_load %arg5[%get3A_168, %get3A_169] {strides = array<i32>} : memref<8x128xi32, #tpu.memory_space<vmem>>, vector<16xi32>,
      tpu.vector_store_idx %arg4[%get3A_170], %broadcast_in_dim3A_1 {add = true} : memref<50176xf32, #tpu.memory_space<vmem>>[vector<16xi32>], vector<16xf32>,
      %get3A_171 = arith.constant 4 : i32
      %get3A_172 = arith.index_cast %get3A_171 : i32 to index
      %get3A_173 = arith.constant 80 : index
      %get3A_174 = tpu.vector_load %arg5[%get3A_172, %get3A_173] {strides = array<i32>} : memref<8x128xi32, #tpu.memory_space<vmem>>, vector<16xi32>,
      tpu.vector_store_idx %arg4[%get3A_174], %broadcast_in_dim3A_1 {add = true} : memref<50176xf32, #tpu.memory_space<vmem>>[vector<16xi32>], vector<16xf32>,
      %get3A_175 = arith.constant 4 : i32
      %get3A_176 = arith.index_cast %get3A_175 : i32 to index
      %get3A_177 = arith.constant 96 : index
      %get3A_178 = tpu.vector_load %arg5[%get3A_176, %get3A_177] {strides = array<i32>} : memref<8x128xi32, #tpu.memory_space<vmem>>, vector<16xi32>,
      tpu.vector_store_idx %arg4[%get3A_178], %broadcast_in_dim3A_1 {add = true} : memref<50176xf32, #tpu.memory_space<vmem>>[vector<16xi32>], vector<16xf32>,
      %get3A_179 = arith.constant 4 : i32
      %get3A_180 = arith.index_cast %get3A_179 : i32 to index
      %get3A_181 = arith.constant 112 : index
      %get3A_182 = tpu.vector_load %arg5[%get3A_180, %get3A_181] {strides = array<i32>} : memref<8x128xi32, #tpu.memory_space<vmem>>, vector<16xi32>,
      tpu.vector_store_idx %arg4[%get3A_182], %broadcast_in_dim3A_1 {add = true} : memref<50176xf32, #tpu.memory_space<vmem>>[vector<16xi32>], vector<16xf32>,
      %get3A_183 = arith.constant 5 : i32
      %get3A_184 = arith.index_cast %get3A_183 : i32 to index
      %get3A_185 = arith.constant 0 : index
      %get3A_186 = tpu.vector_load %arg5[%get3A_184, %get3A_185] {strides = array<i32>} : memref<8x128xi32, #tpu.memory_space<vmem>>, vector<16xi32>,
      tpu.vector_store_idx %arg4[%get3A_186], %broadcast_in_dim3A_1 {add = true} : memref<50176xf32, #tpu.memory_space<vmem>>[vector<16xi32>], vector<16xf32>,
      %get3A_187 = arith.constant 5 : i32
      %get3A_188 = arith.index_cast %get3A_187 : i32 to index
      %get3A_189 = arith.constant 16 : index
      %get3A_190 = tpu.vector_load %arg5[%get3A_188, %get3A_189] {strides = array<i32>} : memref<8x128xi32, #tpu.memory_space<vmem>>, vector<16xi32>,
      tpu.vector_store_idx %arg4[%get3A_190], %broadcast_in_dim3A_1 {add = true} : memref<50176xf32, #tpu.memory_space<vmem>>[vector<16xi32>], vector<16xf32>,
      %get3A_191 = arith.constant 5 : i32
      %get3A_192 = arith.index_cast %get3A_191 : i32 to index
      %get3A_193 = arith.constant 32 : index
      %get3A_194 = tpu.vector_load %arg5[%get3A_192, %get3A_193] {strides = array<i32>} : memref<8x128xi32, #tpu.memory_space<vmem>>, vector<16xi32>,
      tpu.vector_store_idx %arg4[%get3A_194], %broadcast_in_dim3A_1 {add = true} : memref<50176xf32, #tpu.memory_space<vmem>>[vector<16xi32>], vector<16xf32>,
      %get3A_195 = arith.constant 5 : i32
      %get3A_196 = arith.index_cast %get3A_195 : i32 to index
      %get3A_197 = arith.constant 48 : index
      %get3A_198 = tpu.vector_load %arg5[%get3A_196, %get3A_197] {strides = array<i32>} : memref<8x128xi32, #tpu.memory_space<vmem>>, vector<16xi32>,
      tpu.vector_store_idx %arg4[%get3A_198], %broadcast_in_dim3A_1 {add = true} : memref<50176xf32, #tpu.memory_space<vmem>>[vector<16xi32>], vector<16xf32>,
      %get3A_199 = arith.constant 5 : i32
      %get3A_200 = arith.index_cast %get3A_199 : i32 to index
      %get3A_201 = arith.constant 64 : index
      %get3A_202 = tpu.vector_load %arg5[%get3A_200, %get3A_201] {strides = array<i32>} : memref<8x128xi32, #tpu.memory_space<vmem>>, vector<16xi32>,
      tpu.vector_store_idx %arg4[%get3A_202], %broadcast_in_dim3A_1 {add = true} : memref<50176xf32, #tpu.memory_space<vmem>>[vector<16xi32>], vector<16xf32>,
      %get3A_203 = arith.constant 5 : i32
      %get3A_204 = arith.index_cast %get3A_203 : i32 to index
      %get3A_205 = arith.constant 80 : index
      %get3A_206 = tpu.vector_load %arg5[%get3A_204, %get3A_205] {strides = array<i32>} : memref<8x128xi32, #tpu.memory_space<vmem>>, vector<16xi32>,
      tpu.vector_store_idx %arg4[%get3A_206], %broadcast_in_dim3A_1 {add = true} : memref<50176xf32, #tpu.memory_space<vmem>>[vector<16xi32>], vector<16xf32>,
      %get3A_207 = arith.constant 5 : i32
      %get3A_208 = arith.index_cast %get3A_207 : i32 to index
      %get3A_209 = arith.constant 96 : index
      %get3A_210 = tpu.vector_load %arg5[%get3A_208, %get3A_209] {strides = array<i32>} : memref<8x128xi32, #tpu.memory_space<vmem>>, vector<16xi32>,
      tpu.vector_store_idx %arg4[%get3A_210], %broadcast_in_dim3A_1 {add = true} : memref<50176xf32, #tpu.memory_space<vmem>>[vector<16xi32>], vector<16xf32>,
      %get3A_211 = arith.constant 5 : i32
      %get3A_212 = arith.index_cast %get3A_211 : i32 to index
      %get3A_213 = arith.constant 112 : index
      %get3A_214 = tpu.vector_load %arg5[%get3A_212, %get3A_213] {strides = array<i32>} : memref<8x128xi32, #tpu.memory_space<vmem>>, vector<16xi32>,
      tpu.vector_store_idx %arg4[%get3A_214], %broadcast_in_dim3A_1 {add = true} : memref<50176xf32, #tpu.memory_space<vmem>>[vector<16xi32>], vector<16xf32>,
      %get3A_215 = arith.constant 6 : i32
      %get3A_216 = arith.index_cast %get3A_215 : i32 to index
      %get3A_217 = arith.constant 0 : index
      %get3A_218 = tpu.vector_load %arg5[%get3A_216, %get3A_217] {strides = array<i32>} : memref<8x128xi32, #tpu.memory_space<vmem>>, vector<16xi32>,
      tpu.vector_store_idx %arg4[%get3A_218], %broadcast_in_dim3A_1 {add = true} : memref<50176xf32, #tpu.memory_space<vmem>>[vector<16xi32>], vector<16xf32>,
      %get3A_219 = arith.constant 6 : i32
      %get3A_220 = arith.index_cast %get3A_219 : i32 to index
      %get3A_221 = arith.constant 16 : index
      %get3A_222 = tpu.vector_load %arg5[%get3A_220, %get3A_221] {strides = array<i32>} : memref<8x128xi32, #tpu.memory_space<vmem>>, vector<16xi32>,
      tpu.vector_store_idx %arg4[%get3A_222], %broadcast_in_dim3A_1 {add = true} : memref<50176xf32, #tpu.memory_space<vmem>>[vector<16xi32>], vector<16xf32>,
      %get3A_223 = arith.constant 6 : i32
      %get3A_224 = arith.index_cast %get3A_223 : i32 to index
      %get3A_225 = arith.constant 32 : index
      %get3A_226 = tpu.vector_load %arg5[%get3A_224, %get3A_225] {strides = array<i32>} : memref<8x128xi32, #tpu.memory_space<vmem>>, vector<16xi32>,
      tpu.vector_store_idx %arg4[%get3A_226], %broadcast_in_dim3A_1 {add = true} : memref<50176xf32, #tpu.memory_space<vmem>>[vector<16xi32>], vector<16xf32>,
      %get3A_227 = arith.constant 6 : i32
      %get3A_228 = arith.index_cast %get3A_227 : i32 to index
      %get3A_229 = arith.constant 48 : index
      %get3A_230 = tpu.vector_load %arg5[%get3A_228, %get3A_229] {strides = array<i32>} : memref<8x128xi32, #tpu.memory_space<vmem>>, vector<16xi32>,
      tpu.vector_store_idx %arg4[%get3A_230], %broadcast_in_dim3A_1 {add = true} : memref<50176xf32, #tpu.memory_space<vmem>>[vector<16xi32>], vector<16xf32>,
      %get3A_231 = arith.constant 6 : i32
      %get3A_232 = arith.index_cast %get3A_231 : i32 to index
      %get3A_233 = arith.constant 64 : index
      %get3A_234 = tpu.vector_load %arg5[%get3A_232, %get3A_233] {strides = array<i32>} : memref<8x128xi32, #tpu.memory_space<vmem>>, vector<16xi32>,
      tpu.vector_store_idx %arg4[%get3A_234], %broadcast_in_dim3A_1 {add = true} : memref<50176xf32, #tpu.memory_space<vmem>>[vector<16xi32>], vector<16xf32>,
      %get3A_235 = arith.constant 6 : i32
      %get3A_236 = arith.index_cast %get3A_235 : i32 to index
      %get3A_237 = arith.constant 80 : index
      %get3A_238 = tpu.vector_load %arg5[%get3A_236, %get3A_237] {strides = array<i32>} : memref<8x128xi32, #tpu.memory_space<vmem>>, vector<16xi32>,
      tpu.vector_store_idx %arg4[%get3A_238], %broadcast_in_dim3A_1 {add = true} : memref<50176xf32, #tpu.memory_space<vmem>>[vector<16xi32>], vector<16xf32>,
      %get3A_239 = arith.constant 6 : i32
      %get3A_240 = arith.index_cast %get3A_239 : i32 to index
      %get3A_241 = arith.constant 96 : index
      %get3A_242 = tpu.vector_load %arg5[%get3A_240, %get3A_241] {strides = array<i32>} : memref<8x128xi32, #tpu.memory_space<vmem>>, vector<16xi32>,
      tpu.vector_store_idx %arg4[%get3A_242], %broadcast_in_dim3A_1 {add = true} : memref<50176xf32, #tpu.memory_space<vmem>>[vector<16xi32>], vector<16xf32>,
      %get3A_243 = arith.constant 6 : i32
      %get3A_244 = arith.index_cast %get3A_243 : i32 to index
      %get3A_245 = arith.constant 112 : index
      %get3A_246 = tpu.vector_load %arg5[%get3A_244, %get3A_245] {strides = array<i32>} : memref<8x128xi32, #tpu.memory_space<vmem>>, vector<16xi32>,
      tpu.vector_store_idx %arg4[%get3A_246], %broadcast_in_dim3A_1 {add = true} : memref<50176xf32, #tpu.memory_space<vmem>>[vector<16xi32>], vector<16xf32>,
      %get3A_247 = arith.constant 7 : i32
      %get3A_248 = arith.index_cast %get3A_247 : i32 to index
      %get3A_249 = arith.constant 0 : index
      %get3A_250 = tpu.vector_load %arg5[%get3A_248, %get3A_249] {strides = array<i32>} : memref<8x128xi32, #tpu.memory_space<vmem>>, vector<16xi32>,
      tpu.vector_store_idx %arg4[%get3A_250], %broadcast_in_dim3A_1 {add = true} : memref<50176xf32, #tpu.memory_space<vmem>>[vector<16xi32>], vector<16xf32>,
      %get3A_251 = arith.constant 7 : i32
      %get3A_252 = arith.index_cast %get3A_251 : i32 to index
      %get3A_253 = arith.constant 16 : index
      %get3A_254 = tpu.vector_load %arg5[%get3A_252, %get3A_253] {strides = array<i32>} : memref<8x128xi32, #tpu.memory_space<vmem>>, vector<16xi32>,
      tpu.vector_store_idx %arg4[%get3A_254], %broadcast_in_dim3A_1 {add = true} : memref<50176xf32, #tpu.memory_space<vmem>>[vector<16xi32>], vector<16xf32>,
      %get3A_255 = arith.constant 7 : i32
      %get3A_256 = arith.index_cast %get3A_255 : i32 to index
      %get3A_257 = arith.constant 32 : index
      %get3A_258 = tpu.vector_load %arg5[%get3A_256, %get3A_257] {strides = array<i32>} : memref<8x128xi32, #tpu.memory_space<vmem>>, vector<16xi32>,
      tpu.vector_store_idx %arg4[%get3A_258], %broadcast_in_dim3A_1 {add = true} : memref<50176xf32, #tpu.memory_space<vmem>>[vector<16xi32>], vector<16xf32>,
      %get3A_259 = arith.constant 7 : i32
      %get3A_260 = arith.index_cast %get3A_259 : i32 to index
      %get3A_261 = arith.constant 48 : index
      %get3A_262 = tpu.vector_load %arg5[%get3A_260, %get3A_261] {strides = array<i32>} : memref<8x128xi32, #tpu.memory_space<vmem>>, vector<16xi32>,
      tpu.vector_store_idx %arg4[%get3A_262], %broadcast_in_dim3A_1 {add = true} : memref<50176xf32, #tpu.memory_space<vmem>>[vector<16xi32>], vector<16xf32>,
      %get3A_263 = arith.constant 7 : i32
      %get3A_264 = arith.index_cast %get3A_263 : i32 to index
      %get3A_265 = arith.constant 64 : index
      %get3A_266 = tpu.vector_load %arg5[%get3A_264, %get3A_265] {strides = array<i32>} : memref<8x128xi32, #tpu.memory_space<vmem>>, vector<16xi32>,
      tpu.vector_store_idx %arg4[%get3A_266], %broadcast_in_dim3A_1 {add = true} : memref<50176xf32, #tpu.memory_space<vmem>>[vector<16xi32>], vector<16xf32>,
      %get3A_267 = arith.constant 7 : i32
      %get3A_268 = arith.index_cast %get3A_267 : i32 to index
      %get3A_269 = arith.constant 80 : index
      %get3A_270 = tpu.vector_load %arg5[%get3A_268, %get3A_269] {strides = array<i32>} : memref<8x128xi32, #tpu.memory_space<vmem>>, vector<16xi32>,
      tpu.vector_store_idx %arg4[%get3A_270], %broadcast_in_dim3A_1 {add = true} : memref<50176xf32, #tpu.memory_space<vmem>>[vector<16xi32>], vector<16xf32>,
      %get3A_271 = arith.constant 7 : i32
      %get3A_272 = arith.index_cast %get3A_271 : i32 to index
      %get3A_273 = arith.constant 96 : index
      %get3A_274 = tpu.vector_load %arg5[%get3A_272, %get3A_273] {strides = array<i32>} : memref<8x128xi32, #tpu.memory_space<vmem>>, vector<16xi32>,
      tpu.vector_store_idx %arg4[%get3A_274], %broadcast_in_dim3A_1 {add = true} : memref<50176xf32, #tpu.memory_space<vmem>>[vector<16xi32>], vector<16xf32>,
      %get3A_275 = arith.constant 7 : i32
      %get3A_276 = arith.index_cast %get3A_275 : i32 to index
      %get3A_277 = arith.constant 112 : index
      %get3A_278 = tpu.vector_load %arg5[%get3A_276, %get3A_277] {strides = array<i32>} : memref<8x128xi32, #tpu.memory_space<vmem>>, vector<16xi32>,
      tpu.vector_store_idx %arg4[%get3A_278], %broadcast_in_dim3A_1 {add = true} : memref<50176xf32, #tpu.memory_space<vmem>>[vector<16xi32>], vector<16xf32>,
      %scan3A_279 = arith.constant 0 : i32
      scf.yield %scan3A_279 : i32
    }
    %scan3A_14 = arith.constant 25 : i32
    %mul3A_15 = arith.constant 50176 : i32
    %mul3A_16 = arith.muli %add3A, %mul3A_15 : i32
    "tpu.region"() ({
      %run_scoped3A = tpu.sem_alloc : memref<!tpu.dma_semaphore, #tpu.memory_space<semaphore_mem>>
      %dma_start3A = tpu.memref_slice %arg3[%mul3A_16] : memref<1605632xf32, #tpu.memory_space<hbm>> -> memref<50176xf32, #tpu.memory_space<hbm>>
      %dma_start3A_17 = tpu.memref_slice %arg3[%mul3A_16] : memref<1605632xf32, #tpu.memory_space<hbm>> -> memref<50176xf32, #tpu.memory_space<hbm>>
      tpu.enqueue_dma source(%arg4 : memref<50176xf32, #tpu.memory_space<vmem>>) target(%dma_start3A_17 : memref<50176xf32, #tpu.memory_space<hbm>>) target_semaphore(%run_scoped3A : memref<!tpu.dma_semaphore, #tpu.memory_space<semaphore_mem>>)
      %dma_wait3A = tpu.memref_slice %arg3[%mul3A_16] : memref<1605632xf32, #tpu.memory_space<hbm>> -> memref<50176xf32, #tpu.memory_space<hbm>>
      %dma_wait3A_18 = tpu.memref_slice %arg3[%mul3A_16] : memref<1605632xf32, #tpu.memory_space<hbm>> -> memref<50176xf32, #tpu.memory_space<hbm>>
      tpu.wait_dma2 semaphore(%run_scoped3A : memref<!tpu.dma_semaphore, #tpu.memory_space<semaphore_mem>>) src(%arg4 : memref<50176xf32, #tpu.memory_space<vmem>>) dst(%dma_wait3A_18 : memref<50176xf32, #tpu.memory_space<hbm>>)
      tpu.yield
    }) : () -> ()
    return
  }
}

#map = affine_map<(d0, d1) -> (0, 0)>
#map1 = affine_map<(d0, d1) -> (0, 0, 0, 0)>
#map2 = affine_map<(d0, d1) -> (0)>
module attributes {stable_mosaic.version = 14 : i64} {
  func.func @prop_kernel(%arg0: i32, %arg1: i32, %arg2: memref<100352x32xf32, #tpu.memory_space<hbm>>, %arg3: memref<2x6400x2x128xi32, #tpu.memory_space<hbm>>, %arg4: memref<50176xf32, #tpu.memory_space<hbm>>, %arg5: memref<100352x32xf32, #tpu.memory_space<hbm>>, %arg6: memref<2x2x128xi32, #tpu.memory_space<vmem>>, %arg7: memref<2x2x128xi32, #tpu.memory_space<vmem>>, %arg8: memref<2x2x128xi32, #tpu.memory_space<vmem>>, %arg9: memref<256x32xf32, #tpu.memory_space<vmem>>, %arg10: memref<256x32xf32, #tpu.memory_space<vmem>>, %arg11: memref<49x32xf32, #tpu.memory_space<vmem>>, %arg12: memref<49x32xf32, #tpu.memory_space<vmem>>, %arg13: memref<49x32xf32, #tpu.memory_space<vmem>>, %arg14: memref<49x32xf32, #tpu.memory_space<vmem>>, %arg15: memref<3136xf32, #tpu.memory_space<vmem>>, %arg16: memref<50176x32xf32, #tpu.memory_space<vmem_shared>>, %arg17: memref<!tpu.dma_semaphore, #tpu.memory_space<semaphore_mem>>, %arg18: memref<!tpu.dma_semaphore, #tpu.memory_space<semaphore_mem>>, %arg19: memref<!tpu.dma_semaphore, #tpu.memory_space<semaphore_mem>>, %arg20: memref<!tpu.dma_semaphore, #tpu.memory_space<semaphore_mem>>, %arg21: memref<!tpu.dma_semaphore, #tpu.memory_space<semaphore_mem>>) attributes {dimension_semantics = [#tpu.dimension_semantics<core_parallel>, #tpu.dimension_semantics<subcore_parallel>], iteration_bounds = array<i64: 2, 16>, scalar_prefetch = 0 : i64, scratch_operands = 16 : i64, tpu.core_type = #tpu.core_type<sc_vector_subcore>, window_params = [{transform_indices = #map}, {transform_indices = #map1}, {transform_indices = #map2}, {transform_indices = #map}]} {
    %mul3A = arith.constant 3136 : i32
    %mul3A_0 = arith.muli %arg1, %mul3A : i32
    %mul3A_1 = arith.constant 400 : i32
    %mul3A_2 = arith.muli %arg1, %mul3A_1 : i32
    %mul3A_3 = arith.constant 50176 : i32
    %mul3A_4 = arith.muli %arg0, %mul3A_3 : i32
    "tpu.region"() ({
      %run_scoped3A = tpu.sem_alloc : memref<!tpu.dma_semaphore, #tpu.memory_space<semaphore_mem>>
      %dma_start3A = tpu.memref_slice %arg4[%mul3A_0] : memref<50176xf32, #tpu.memory_space<hbm>> -> memref<3136xf32, #tpu.memory_space<hbm>>
      %dma_start3A_18 = tpu.memref_slice %arg4[%mul3A_0] : memref<50176xf32, #tpu.memory_space<hbm>> -> memref<3136xf32, #tpu.memory_space<hbm>>
      tpu.enqueue_dma source(%dma_start3A_18 : memref<3136xf32, #tpu.memory_space<hbm>>) target(%arg15 : memref<3136xf32, #tpu.memory_space<vmem>>) target_semaphore(%run_scoped3A : memref<!tpu.dma_semaphore, #tpu.memory_space<semaphore_mem>>)
      %dma_wait3A = tpu.memref_slice %arg4[%mul3A_0] : memref<50176xf32, #tpu.memory_space<hbm>> -> memref<3136xf32, #tpu.memory_space<hbm>>
      %dma_wait3A_19 = tpu.memref_slice %arg4[%mul3A_0] : memref<50176xf32, #tpu.memory_space<hbm>> -> memref<3136xf32, #tpu.memory_space<hbm>>
      tpu.wait_dma2 semaphore(%run_scoped3A : memref<!tpu.dma_semaphore, #tpu.memory_space<semaphore_mem>>) src(%dma_wait3A_19 : memref<3136xf32, #tpu.memory_space<hbm>>) dst(%arg15 : memref<3136xf32, #tpu.memory_space<vmem>>)
      tpu.yield
    }) : () -> ()
    %scan3A = arith.constant 0 : i32
    %scan3A_5 = arith.constant 0 : i32
    %scan3A_6 = arith.constant 64 : i32
    %scan3A_7 = arith.addi %scan3A_5, %scan3A_6 : i32
    %scan3A_8 = arith.constant 1 : i32
    %scan3A_9 = scf.for %scan3A_18 = %scan3A_5 to %scan3A_7 step %scan3A_8 iter_args(%scan3A_19 = %scan3A) -> (i32)  : i32 {
      %mul3A_20 = arith.constant 49 : i32
      %mul3A_21 = arith.muli %scan3A_18, %mul3A_20 : i32
      %add3A = arith.addi %mul3A_0, %mul3A_21 : i32
      %add3A_22 = arith.addi %mul3A_4, %add3A : i32
      "tpu.region"() ({
        %run_scoped3A = tpu.sem_alloc : memref<!tpu.dma_semaphore, #tpu.memory_space<semaphore_mem>>
        %dma_start3A = arith.constant 0 : i32
        %dma_start3A_31 = tpu.memref_slice %arg2[%add3A_22, %dma_start3A] : memref<100352x32xf32, #tpu.memory_space<hbm>> -> memref<49x32xf32, #tpu.memory_space<hbm>>
        %dma_start3A_32 = arith.constant 0 : i32
        %dma_start3A_33 = tpu.memref_slice %arg2[%add3A_22, %dma_start3A_32] : memref<100352x32xf32, #tpu.memory_space<hbm>> -> memref<49x32xf32, #tpu.memory_space<hbm>>
        tpu.enqueue_dma source(%dma_start3A_33 : memref<49x32xf32, #tpu.memory_space<hbm>>) target(%arg11 : memref<49x32xf32, #tpu.memory_space<vmem>>) target_semaphore(%run_scoped3A : memref<!tpu.dma_semaphore, #tpu.memory_space<semaphore_mem>>)
        %dma_wait3A = arith.constant 0 : i32
        %dma_wait3A_34 = tpu.memref_slice %arg2[%add3A_22, %dma_wait3A] : memref<100352x32xf32, #tpu.memory_space<hbm>> -> memref<49x32xf32, #tpu.memory_space<hbm>>
        %dma_wait3A_35 = arith.constant 0 : i32
        %dma_wait3A_36 = tpu.memref_slice %arg2[%add3A_22, %dma_wait3A_35] : memref<100352x32xf32, #tpu.memory_space<hbm>> -> memref<49x32xf32, #tpu.memory_space<hbm>>
        tpu.wait_dma2 semaphore(%run_scoped3A : memref<!tpu.dma_semaphore, #tpu.memory_space<semaphore_mem>>) src(%dma_wait3A_36 : memref<49x32xf32, #tpu.memory_space<hbm>>) dst(%arg11 : memref<49x32xf32, #tpu.memory_space<vmem>>)
        tpu.yield
      }) : () -> ()
      %scan3A_23 = arith.constant 0 : i32
      %scan3A_24 = arith.constant 0 : i32
      %scan3A_25 = arith.constant 49 : i32
      %scan3A_26 = arith.addi %scan3A_24, %scan3A_25 : i32
      %scan3A_27 = arith.constant 1 : i32
      %scan3A_28 = scf.for %scan3A_31 = %scan3A_24 to %scan3A_26 step %scan3A_27 iter_args(%scan3A_32 = %scan3A_23) -> (i32)  : i32 {
        %get3A = arith.index_cast %scan3A_31 : i32 to index
        %get3A_33 = arith.constant 0 : index
        %get3A_34 = tpu.vector_load %arg11[%get3A, %get3A_33] {strides = array<i32>} : memref<49x32xf32, #tpu.memory_space<vmem>>, vector<16xf32>,
        %mul3A_35 = arith.constant 1.000000e+01 : f32
        %mul3A_36 = vector.broadcast %mul3A_35 : f32 to vector<16xf32>
        %mul3A_37 = arith.mulf %get3A_34, %mul3A_36 : vector<16xf32>
        %swap3A = arith.index_cast %scan3A_31 : i32 to index
        %swap3A_38 = arith.constant 0 : index
        %swap3A_39 = tpu.vector_load %arg11[%swap3A, %swap3A_38] {strides = array<i32>} : memref<49x32xf32, #tpu.memory_space<vmem>>, vector<16xf32>,
        tpu.vector_store %arg11[%swap3A, %swap3A_38], %mul3A_37 {strides = array<i32>} : memref<49x32xf32, #tpu.memory_space<vmem>>, vector<16xf32>,
        %get3A_40 = arith.index_cast %scan3A_31 : i32 to index
        %get3A_41 = arith.constant 16 : index
        %get3A_42 = tpu.vector_load %arg11[%get3A_40, %get3A_41] {strides = array<i32>} : memref<49x32xf32, #tpu.memory_space<vmem>>, vector<16xf32>,
        %mul3A_43 = arith.constant 1.000000e+01 : f32
        %mul3A_44 = vector.broadcast %mul3A_43 : f32 to vector<16xf32>
        %mul3A_45 = arith.mulf %get3A_42, %mul3A_44 : vector<16xf32>
        %swap3A_46 = arith.index_cast %scan3A_31 : i32 to index
        %swap3A_47 = arith.constant 16 : index
        %swap3A_48 = tpu.vector_load %arg11[%swap3A_46, %swap3A_47] {strides = array<i32>} : memref<49x32xf32, #tpu.memory_space<vmem>>, vector<16xf32>,
        tpu.vector_store %arg11[%swap3A_46, %swap3A_47], %mul3A_45 {strides = array<i32>} : memref<49x32xf32, #tpu.memory_space<vmem>>, vector<16xf32>,
        %scan3A_49 = arith.constant 0 : i32
        scf.yield %scan3A_49 : i32
      }
      %scan3A_29 = arith.constant 49 : i32
      "tpu.region"() ({
        %run_scoped3A = tpu.sem_alloc : memref<!tpu.dma_semaphore, #tpu.memory_space<semaphore_mem>>
        %dma_start3A = arith.constant 0 : i32
        %dma_start3A_31 = tpu.memref_slice %arg5[%add3A_22, %dma_start3A] : memref<100352x32xf32, #tpu.memory_space<hbm>> -> memref<49x32xf32, #tpu.memory_space<hbm>>
        %dma_start3A_32 = arith.constant 0 : i32
        %dma_start3A_33 = tpu.memref_slice %arg5[%add3A_22, %dma_start3A_32] : memref<100352x32xf32, #tpu.memory_space<hbm>> -> memref<49x32xf32, #tpu.memory_space<hbm>>
        tpu.enqueue_dma source(%arg11 : memref<49x32xf32, #tpu.memory_space<vmem>>) target(%dma_start3A_33 : memref<49x32xf32, #tpu.memory_space<hbm>>) target_semaphore(%run_scoped3A : memref<!tpu.dma_semaphore, #tpu.memory_space<semaphore_mem>>)
        %dma_wait3A = arith.constant 0 : i32
        %dma_wait3A_34 = tpu.memref_slice %arg5[%add3A_22, %dma_wait3A] : memref<100352x32xf32, #tpu.memory_space<hbm>> -> memref<49x32xf32, #tpu.memory_space<hbm>>
        %dma_wait3A_35 = arith.constant 0 : i32
        %dma_wait3A_36 = tpu.memref_slice %arg5[%add3A_22, %dma_wait3A_35] : memref<100352x32xf32, #tpu.memory_space<hbm>> -> memref<49x32xf32, #tpu.memory_space<hbm>>
        tpu.wait_dma2 semaphore(%run_scoped3A : memref<!tpu.dma_semaphore, #tpu.memory_space<semaphore_mem>>) src(%arg11 : memref<49x32xf32, #tpu.memory_space<vmem>>) dst(%dma_wait3A_36 : memref<49x32xf32, #tpu.memory_space<hbm>>)
        tpu.yield
      }) : () -> ()
      "tpu.region"() ({
        %run_scoped3A = tpu.sem_alloc : memref<!tpu.dma_semaphore, #tpu.memory_space<semaphore_mem>>
        %dma_start3A = arith.constant 0 : i32
        %dma_start3A_31 = tpu.memref_slice %arg16[%add3A, %dma_start3A] : memref<50176x32xf32, #tpu.memory_space<vmem_shared>> -> memref<49x32xf32, #tpu.memory_space<vmem_shared>>
        %dma_start3A_32 = arith.constant 0 : i32
        %dma_start3A_33 = tpu.memref_slice %arg16[%add3A, %dma_start3A_32] : memref<50176x32xf32, #tpu.memory_space<vmem_shared>> -> memref<49x32xf32, #tpu.memory_space<vmem_shared>>
        tpu.enqueue_dma source(%arg11 : memref<49x32xf32, #tpu.memory_space<vmem>>) target(%dma_start3A_33 : memref<49x32xf32, #tpu.memory_space<vmem_shared>>) target_semaphore(%run_scoped3A : memref<!tpu.dma_semaphore, #tpu.memory_space<semaphore_mem>>)
        %dma_wait3A = arith.constant 0 : i32
        %dma_wait3A_34 = tpu.memref_slice %arg16[%add3A, %dma_wait3A] : memref<50176x32xf32, #tpu.memory_space<vmem_shared>> -> memref<49x32xf32, #tpu.memory_space<vmem_shared>>
        %dma_wait3A_35 = arith.constant 0 : i32
        %dma_wait3A_36 = tpu.memref_slice %arg16[%add3A, %dma_wait3A_35] : memref<50176x32xf32, #tpu.memory_space<vmem_shared>> -> memref<49x32xf32, #tpu.memory_space<vmem_shared>>
        tpu.wait_dma2 semaphore(%run_scoped3A : memref<!tpu.dma_semaphore, #tpu.memory_space<semaphore_mem>>) src(%arg11 : memref<49x32xf32, #tpu.memory_space<vmem>>) dst(%dma_wait3A_36 : memref<49x32xf32, #tpu.memory_space<vmem_shared>>)
        tpu.yield
      }) : () -> ()
      %scan3A_30 = arith.constant 0 : i32
      scf.yield %scan3A_30 : i32
    }
    %scan3A_10 = arith.constant 64 : i32
    %barrier3A = arith.constant 0 : index
    tpu.barrier barrier_id(%barrier3A)
    %scan3A_11 = arith.constant 0 : i32
    %scan3A_12 = arith.constant 0 : i32
    %scan3A_13 = arith.constant 10 : i32
    %scan3A_14 = arith.addi %scan3A_12, %scan3A_13 : i32
    %scan3A_15 = arith.constant 1 : i32
    %scan3A_16 = scf.for %scan3A_18 = %scan3A_12 to %scan3A_14 step %scan3A_15 iter_args(%scan3A_19 = %scan3A_11) -> (i32)  : i32 {
      "tpu.trace_start"() <{level = 10 : i32, message = "phaseB"}> : () -> ()
      %add3A = arith.constant 0 : i32
      %add3A_20 = arith.addi %mul3A_2, %add3A : i32
      %dma_start3A = arith.constant 0 : i32
      %dma_start3A_21 = arith.constant 0 : i32
      %dma_start3A_22 = tpu.memref_slice %arg3[%arg0, %add3A_20, %dma_start3A, %dma_start3A_21] : memref<2x6400x2x128xi32, #tpu.memory_space<hbm>> -> memref<1x2x2x128xi32, #tpu.memory_space<hbm>>
      %dma_start3A_23 = tpu.memref_squeeze %dma_start3A_22 : memref<1x2x2x128xi32, #tpu.memory_space<hbm>> -> memref<2x2x128xi32, #tpu.memory_space<hbm>>
      %dma_start3A_24 = arith.constant 0 : i32
      %dma_start3A_25 = arith.constant 0 : i32
      %dma_start3A_26 = tpu.memref_slice %arg3[%arg0, %add3A_20, %dma_start3A_24, %dma_start3A_25] : memref<2x6400x2x128xi32, #tpu.memory_space<hbm>> -> memref<1x2x2x128xi32, #tpu.memory_space<hbm>>
      %dma_start3A_27 = tpu.memref_squeeze %dma_start3A_26 : memref<1x2x2x128xi32, #tpu.memory_space<hbm>> -> memref<2x2x128xi32, #tpu.memory_space<hbm>>
      tpu.enqueue_dma source(%dma_start3A_27 : memref<2x2x128xi32, #tpu.memory_space<hbm>>) target(%arg6 : memref<2x2x128xi32, #tpu.memory_space<vmem>>) target_semaphore(%arg17 : memref<!tpu.dma_semaphore, #tpu.memory_space<semaphore_mem>>)
      %add3A_28 = arith.constant 0 : i32
      %add3A_29 = arith.addi %mul3A_2, %add3A_28 : i32
      %dma_wait3A = arith.constant 0 : i32
      %dma_wait3A_30 = arith.constant 0 : i32
      %dma_wait3A_31 = tpu.memref_slice %arg3[%arg0, %add3A_29, %dma_wait3A, %dma_wait3A_30] : memref<2x6400x2x128xi32, #tpu.memory_space<hbm>> -> memref<1x2x2x128xi32, #tpu.memory_space<hbm>>
      %dma_wait3A_32 = tpu.memref_squeeze %dma_wait3A_31 : memref<1x2x2x128xi32, #tpu.memory_space<hbm>> -> memref<2x2x128xi32, #tpu.memory_space<hbm>>
      %dma_wait3A_33 = arith.constant 0 : i32
      %dma_wait3A_34 = arith.constant 0 : i32
      %dma_wait3A_35 = tpu.memref_slice %arg3[%arg0, %add3A_29, %dma_wait3A_33, %dma_wait3A_34] : memref<2x6400x2x128xi32, #tpu.memory_space<hbm>> -> memref<1x2x2x128xi32, #tpu.memory_space<hbm>>
      %dma_wait3A_36 = tpu.memref_squeeze %dma_wait3A_35 : memref<1x2x2x128xi32, #tpu.memory_space<hbm>> -> memref<2x2x128xi32, #tpu.memory_space<hbm>>
      tpu.wait_dma2 semaphore(%arg17 : memref<!tpu.dma_semaphore, #tpu.memory_space<semaphore_mem>>) src(%dma_wait3A_36 : memref<2x2x128xi32, #tpu.memory_space<hbm>>) dst(%arg6 : memref<2x2x128xi32, #tpu.memory_space<vmem>>)
      %dma_start3A_37 = arith.constant 0 : i32
      %dma_start3A_38 = arith.constant 0 : i32
      %dma_start3A_39 = arith.constant 0 : i32
      %dma_start3A_40 = arith.constant 0 : i32
      %dma_start3A_41 = tpu.memref_slice %arg9[%dma_start3A_39, %dma_start3A_40] : memref<256x32xf32, #tpu.memory_space<vmem>> -> memref<128x32xf32, #tpu.memory_space<vmem>>
      %dma_start3A_42 = arith.constant 0 : i32
      %dma_start3A_43 = tpu.memref_slice %arg6[%dma_start3A_37, %dma_start3A_38, %dma_start3A_42] : memref<2x2x128xi32, #tpu.memory_space<vmem>> -> memref<1x1x128xi32, #tpu.memory_space<vmem>>
      %dma_start3A_44 = tpu.memref_squeeze %dma_start3A_43 : memref<1x1x128xi32, #tpu.memory_space<vmem>> -> memref<128xi32, #tpu.memory_space<vmem>>
      %dma_start3A_45 = arith.constant 0 : i32
      %dma_start3A_46 = arith.constant 0 : i32
      %dma_start3A_47 = tpu.memref_slice %arg5[%dma_start3A_45, %dma_start3A_46] : memref<100352x32xf32, #tpu.memory_space<hbm>> -> memref<100352x32xf32, #tpu.memory_space<hbm>>
      tpu.enqueue_indirect_dma source(%dma_start3A_47 : memref<100352x32xf32, #tpu.memory_space<hbm>>) target(%dma_start3A_41 : memref<128x32xf32, #tpu.memory_space<vmem>>) offsets(%dma_start3A_44 : memref<128xi32, #tpu.memory_space<vmem>>) semaphore(%arg18 : memref<!tpu.dma_semaphore, #tpu.memory_space<semaphore_mem>>)
      %dma_start3A_48 = arith.constant 1 : i32
      %dma_start3A_49 = arith.constant 0 : i32
      %dma_start3A_50 = arith.constant 128 : i32
      %dma_start3A_51 = arith.constant 0 : i32
      %dma_start3A_52 = tpu.memref_slice %arg9[%dma_start3A_50, %dma_start3A_51] : memref<256x32xf32, #tpu.memory_space<vmem>> -> memref<128x32xf32, #tpu.memory_space<vmem>>
      %dma_start3A_53 = arith.constant 0 : i32
      %dma_start3A_54 = tpu.memref_slice %arg6[%dma_start3A_48, %dma_start3A_49, %dma_start3A_53] : memref<2x2x128xi32, #tpu.memory_space<vmem>> -> memref<1x1x128xi32, #tpu.memory_space<vmem>>
      %dma_start3A_55 = tpu.memref_squeeze %dma_start3A_54 : memref<1x1x128xi32, #tpu.memory_space<vmem>> -> memref<128xi32, #tpu.memory_space<vmem>>
      %dma_start3A_56 = arith.constant 0 : i32
      %dma_start3A_57 = arith.constant 0 : i32
      %dma_start3A_58 = tpu.memref_slice %arg5[%dma_start3A_56, %dma_start3A_57] : memref<100352x32xf32, #tpu.memory_space<hbm>> -> memref<100352x32xf32, #tpu.memory_space<hbm>>
      tpu.enqueue_indirect_dma source(%dma_start3A_58 : memref<100352x32xf32, #tpu.memory_space<hbm>>) target(%dma_start3A_52 : memref<128x32xf32, #tpu.memory_space<vmem>>) offsets(%dma_start3A_55 : memref<128xi32, #tpu.memory_space<vmem>>) semaphore(%arg18 : memref<!tpu.dma_semaphore, #tpu.memory_space<semaphore_mem>>)
      %add3A_59 = arith.constant 2 : i32
      %add3A_60 = arith.addi %mul3A_2, %add3A_59 : i32
      %dma_start3A_61 = arith.constant 0 : i32
      %dma_start3A_62 = arith.constant 0 : i32
      %dma_start3A_63 = tpu.memref_slice %arg3[%arg0, %add3A_60, %dma_start3A_61, %dma_start3A_62] : memref<2x6400x2x128xi32, #tpu.memory_space<hbm>> -> memref<1x2x2x128xi32, #tpu.memory_space<hbm>>
      %dma_start3A_64 = tpu.memref_squeeze %dma_start3A_63 : memref<1x2x2x128xi32, #tpu.memory_space<hbm>> -> memref<2x2x128xi32, #tpu.memory_space<hbm>>
      %dma_start3A_65 = arith.constant 0 : i32
      %dma_start3A_66 = arith.constant 0 : i32
      %dma_start3A_67 = tpu.memref_slice %arg3[%arg0, %add3A_60, %dma_start3A_65, %dma_start3A_66] : memref<2x6400x2x128xi32, #tpu.memory_space<hbm>> -> memref<1x2x2x128xi32, #tpu.memory_space<hbm>>
      %dma_start3A_68 = tpu.memref_squeeze %dma_start3A_67 : memref<1x2x2x128xi32, #tpu.memory_space<hbm>> -> memref<2x2x128xi32, #tpu.memory_space<hbm>>
      tpu.enqueue_dma source(%dma_start3A_68 : memref<2x2x128xi32, #tpu.memory_space<hbm>>) target(%arg7 : memref<2x2x128xi32, #tpu.memory_space<vmem>>) target_semaphore(%arg17 : memref<!tpu.dma_semaphore, #tpu.memory_space<semaphore_mem>>)
      "tpu.trace_stop"() : () -> ()
      "tpu.trace_start"() <{level = 10 : i32, message = "phaseB2"}> : () -> ()
      %scan3A_69 = arith.constant 0 : i32
      %scan3A_70 = arith.constant 0 : i32
      %scan3A_71 = arith.constant 200 : i32
      %scan3A_72 = arith.addi %scan3A_70, %scan3A_71 : i32
      %scan3A_73 = arith.constant 1 : i32
      %scan3A_74 = scf.for %scan3A_105 = %scan3A_70 to %scan3A_72 step %scan3A_73 iter_args(%scan3A_106 = %scan3A_69) -> (i32)  : i32 {
        %jit3A = arith.constant 6 : i32
        %eq3A = arith.constant 0 : i32
        %eq3A_107 = arith.cmpi eq, %jit3A, %eq3A : i32
        %jit3A_108 = arith.constant 1 : i32
        %select_n3A = arith.select %eq3A_107, %jit3A_108, %jit3A : i32
        %rem3A = arith.remsi %scan3A_105, %select_n3A : i32
        %ne3A = arith.constant 0 : i32
        %ne3A_109 = arith.cmpi ne, %rem3A, %ne3A : i32
        %lt3A = arith.constant 0 : i32
        %lt3A_110 = arith.cmpi slt, %rem3A, %lt3A : i32
        %lt3A_111 = arith.constant 0 : i32
        %lt3A_112 = arith.cmpi slt, %select_n3A, %lt3A_111 : i32
        %ne3A_113 = arith.xori %lt3A_110, %lt3A_112 : i1
        %and3A = arith.andi %ne3A_113, %ne3A_109 : i1
        %add3A_114 = arith.addi %rem3A, %select_n3A : i32
        %select_n3A_115 = arith.select %and3A, %add3A_114, %rem3A : i32
        %eq3A_116 = arith.constant 0 : i32
        %eq3A_117 = arith.cmpi eq, %select_n3A_115, %eq3A_116 : i32
        %convert_element_type3A = arith.extui %eq3A_117 : i1 to i32
        %cond3A = arith.constant 0 : i32
        %cond3A_118 = arith.cmpi ne, %convert_element_type3A, %cond3A : i32
        scf.if %cond3A_118 {
          %add3A_145 = arith.constant 1 : i32
          %add3A_146 = arith.addi %scan3A_105, %add3A_145 : i32
          %lt3A_147 = arith.constant 200 : i32
          %lt3A_148 = arith.cmpi slt, %add3A_146, %lt3A_147 : i32
          %convert_element_type3A_149 = arith.extui %lt3A_148 : i1 to i32
          %cond3A_150 = arith.constant 0 : i32
          %cond3A_151 = arith.cmpi ne, %convert_element_type3A_149, %cond3A_150 : i32
          scf.if %cond3A_151 {
            %add3A_198 = arith.constant 1 : i32
            %add3A_199 = arith.addi %scan3A_105, %add3A_198 : i32
            %mul3A_200 = arith.constant 2 : i32
            %mul3A_201 = arith.muli %add3A_199, %mul3A_200 : i32
            %add3A_202 = arith.addi %mul3A_2, %mul3A_201 : i32
            %dma_wait3A_203 = arith.constant 0 : i32
            %dma_wait3A_204 = arith.constant 0 : i32
            %dma_wait3A_205 = tpu.memref_slice %arg3[%arg0, %add3A_202, %dma_wait3A_203, %dma_wait3A_204] : memref<2x6400x2x128xi32, #tpu.memory_space<hbm>> -> memref<1x2x2x128xi32, #tpu.memory_space<hbm>>
            %dma_wait3A_206 = tpu.memref_squeeze %dma_wait3A_205 : memref<1x2x2x128xi32, #tpu.memory_space<hbm>> -> memref<2x2x128xi32, #tpu.memory_space<hbm>>
            %dma_wait3A_207 = arith.constant 0 : i32
            %dma_wait3A_208 = arith.constant 0 : i32
            %dma_wait3A_209 = tpu.memref_slice %arg3[%arg0, %add3A_202, %dma_wait3A_207, %dma_wait3A_208] : memref<2x6400x2x128xi32, #tpu.memory_space<hbm>> -> memref<1x2x2x128xi32, #tpu.memory_space<hbm>>
            %dma_wait3A_210 = tpu.memref_squeeze %dma_wait3A_209 : memref<1x2x2x128xi32, #tpu.memory_space<hbm>> -> memref<2x2x128xi32, #tpu.memory_space<hbm>>
            tpu.wait_dma2 semaphore(%arg17 : memref<!tpu.dma_semaphore, #tpu.memory_space<semaphore_mem>>) src(%dma_wait3A_210 : memref<2x2x128xi32, #tpu.memory_space<hbm>>) dst(%arg7 : memref<2x2x128xi32, #tpu.memory_space<vmem>>)
          } else {
          }
          %ge3A = arith.constant 1 : i32
          %ge3A_152 = arith.cmpi sge, %scan3A_105, %ge3A : i32
          %convert_element_type3A_153 = arith.extui %ge3A_152 : i1 to i32
          %cond3A_154 = arith.constant 0 : i32
          %cond3A_155 = arith.cmpi ne, %convert_element_type3A_153, %cond3A_154 : i32
          scf.if %cond3A_155 {
            %dma_wait3A_198 = arith.constant 0 : i32
            %dma_wait3A_199 = arith.constant 0 : i32
            %dma_wait3A_200 = tpu.memref_slice %arg16[%dma_wait3A_198, %dma_wait3A_199] : memref<50176x32xf32, #tpu.memory_space<vmem_shared>> -> memref<256x32xf32, #tpu.memory_space<vmem_shared>>
            %dma_wait3A_201 = arith.constant 0 : i32
            %dma_wait3A_202 = arith.constant 0 : i32
            %dma_wait3A_203 = tpu.memref_slice %arg16[%dma_wait3A_201, %dma_wait3A_202] : memref<50176x32xf32, #tpu.memory_space<vmem_shared>> -> memref<256x32xf32, #tpu.memory_space<vmem_shared>>
            tpu.wait_dma2 semaphore(%arg19 : memref<!tpu.dma_semaphore, #tpu.memory_space<semaphore_mem>>) src(%arg10 : memref<256x32xf32, #tpu.memory_space<vmem>>) dst(%dma_wait3A_203 : memref<256x32xf32, #tpu.memory_space<vmem_shared>>)
          } else {
          }
          %add3A_156 = arith.constant 1 : i32
          %add3A_157 = arith.addi %scan3A_105, %add3A_156 : i32
          %lt3A_158 = arith.constant 200 : i32
          %lt3A_159 = arith.cmpi slt, %add3A_157, %lt3A_158 : i32
          %convert_element_type3A_160 = arith.extui %lt3A_159 : i1 to i32
          %cond3A_161 = arith.constant 0 : i32
          %cond3A_162 = arith.cmpi ne, %convert_element_type3A_160, %cond3A_161 : i32
          scf.if %cond3A_162 {
            %dma_start3A_198 = arith.constant 0 : i32
            %dma_start3A_199 = arith.constant 0 : i32
            %dma_start3A_200 = arith.constant 0 : i32
            %dma_start3A_201 = arith.constant 0 : i32
            %dma_start3A_202 = tpu.memref_slice %arg10[%dma_start3A_200, %dma_start3A_201] : memref<256x32xf32, #tpu.memory_space<vmem>> -> memref<128x32xf32, #tpu.memory_space<vmem>>
            %dma_start3A_203 = arith.constant 0 : i32
            %dma_start3A_204 = tpu.memref_slice %arg7[%dma_start3A_198, %dma_start3A_199, %dma_start3A_203] : memref<2x2x128xi32, #tpu.memory_space<vmem>> -> memref<1x1x128xi32, #tpu.memory_space<vmem>>
            %dma_start3A_205 = tpu.memref_squeeze %dma_start3A_204 : memref<1x1x128xi32, #tpu.memory_space<vmem>> -> memref<128xi32, #tpu.memory_space<vmem>>
            %dma_start3A_206 = arith.constant 0 : i32
            %dma_start3A_207 = arith.constant 0 : i32
            %dma_start3A_208 = tpu.memref_slice %arg5[%dma_start3A_206, %dma_start3A_207] : memref<100352x32xf32, #tpu.memory_space<hbm>> -> memref<100352x32xf32, #tpu.memory_space<hbm>>
            tpu.enqueue_indirect_dma source(%dma_start3A_208 : memref<100352x32xf32, #tpu.memory_space<hbm>>) target(%dma_start3A_202 : memref<128x32xf32, #tpu.memory_space<vmem>>) offsets(%dma_start3A_205 : memref<128xi32, #tpu.memory_space<vmem>>) semaphore(%arg18 : memref<!tpu.dma_semaphore, #tpu.memory_space<semaphore_mem>>)
            %dma_start3A_209 = arith.constant 1 : i32
            %dma_start3A_210 = arith.constant 0 : i32
            %dma_start3A_211 = arith.constant 128 : i32
            %dma_start3A_212 = arith.constant 0 : i32
            %dma_start3A_213 = tpu.memref_slice %arg10[%dma_start3A_211, %dma_start3A_212] : memref<256x32xf32, #tpu.memory_space<vmem>> -> memref<128x32xf32, #tpu.memory_space<vmem>>
            %dma_start3A_214 = arith.constant 0 : i32
            %dma_start3A_215 = tpu.memref_slice %arg7[%dma_start3A_209, %dma_start3A_210, %dma_start3A_214] : memref<2x2x128xi32, #tpu.memory_space<vmem>> -> memref<1x1x128xi32, #tpu.memory_space<vmem>>
            %dma_start3A_216 = tpu.memref_squeeze %dma_start3A_215 : memref<1x1x128xi32, #tpu.memory_space<vmem>> -> memref<128xi32, #tpu.memory_space<vmem>>
            %dma_start3A_217 = arith.constant 0 : i32
            %dma_start3A_218 = arith.constant 0 : i32
            %dma_start3A_219 = tpu.memref_slice %arg5[%dma_start3A_217, %dma_start3A_218] : memref<100352x32xf32, #tpu.memory_space<hbm>> -> memref<100352x32xf32, #tpu.memory_space<hbm>>
            tpu.enqueue_indirect_dma source(%dma_start3A_219 : memref<100352x32xf32, #tpu.memory_space<hbm>>) target(%dma_start3A_213 : memref<128x32xf32, #tpu.memory_space<vmem>>) offsets(%dma_start3A_216 : memref<128xi32, #tpu.memory_space<vmem>>) semaphore(%arg18 : memref<!tpu.dma_semaphore, #tpu.memory_space<semaphore_mem>>)
          } else {
          }
          %add3A_163 = arith.constant 2 : i32
          %add3A_164 = arith.addi %scan3A_105, %add3A_163 : i32
          %lt3A_165 = arith.constant 200 : i32
          %lt3A_166 = arith.cmpi slt, %add3A_164, %lt3A_165 : i32
          %convert_element_type3A_167 = arith.extui %lt3A_166 : i1 to i32
          %cond3A_168 = arith.constant 0 : i32
          %cond3A_169 = arith.cmpi ne, %convert_element_type3A_167, %cond3A_168 : i32
          scf.if %cond3A_169 {
            %add3A_198 = arith.constant 2 : i32
            %add3A_199 = arith.addi %scan3A_105, %add3A_198 : i32
            %mul3A_200 = arith.constant 2 : i32
            %mul3A_201 = arith.muli %add3A_199, %mul3A_200 : i32
            %add3A_202 = arith.addi %mul3A_2, %mul3A_201 : i32
            %dma_start3A_203 = arith.constant 0 : i32
            %dma_start3A_204 = arith.constant 0 : i32
            %dma_start3A_205 = tpu.memref_slice %arg3[%arg0, %add3A_202, %dma_start3A_203, %dma_start3A_204] : memref<2x6400x2x128xi32, #tpu.memory_space<hbm>> -> memref<1x2x2x128xi32, #tpu.memory_space<hbm>>
            %dma_start3A_206 = tpu.memref_squeeze %dma_start3A_205 : memref<1x2x2x128xi32, #tpu.memory_space<hbm>> -> memref<2x2x128xi32, #tpu.memory_space<hbm>>
            %dma_start3A_207 = arith.constant 0 : i32
            %dma_start3A_208 = arith.constant 0 : i32
            %dma_start3A_209 = tpu.memref_slice %arg3[%arg0, %add3A_202, %dma_start3A_207, %dma_start3A_208] : memref<2x6400x2x128xi32, #tpu.memory_space<hbm>> -> memref<1x2x2x128xi32, #tpu.memory_space<hbm>>
            %dma_start3A_210 = tpu.memref_squeeze %dma_start3A_209 : memref<1x2x2x128xi32, #tpu.memory_space<hbm>> -> memref<2x2x128xi32, #tpu.memory_space<hbm>>
            tpu.enqueue_dma source(%dma_start3A_210 : memref<2x2x128xi32, #tpu.memory_space<hbm>>) target(%arg8 : memref<2x2x128xi32, #tpu.memory_space<vmem>>) target_semaphore(%arg17 : memref<!tpu.dma_semaphore, #tpu.memory_space<semaphore_mem>>)
          } else {
          }
          %dma_wait3A_170 = arith.constant 0 : i32
          %dma_wait3A_171 = arith.constant 0 : i32
          %dma_wait3A_172 = tpu.memref_slice %arg5[%dma_wait3A_170, %dma_wait3A_171] : memref<100352x32xf32, #tpu.memory_space<hbm>> -> memref<256x32xf32, #tpu.memory_space<hbm>>
          %dma_wait3A_173 = arith.constant 0 : i32
          %dma_wait3A_174 = arith.constant 0 : i32
          %dma_wait3A_175 = tpu.memref_slice %arg5[%dma_wait3A_173, %dma_wait3A_174] : memref<100352x32xf32, #tpu.memory_space<hbm>> -> memref<256x32xf32, #tpu.memory_space<hbm>>
          tpu.wait_dma2 semaphore(%arg18 : memref<!tpu.dma_semaphore, #tpu.memory_space<semaphore_mem>>) src(%dma_wait3A_175 : memref<256x32xf32, #tpu.memory_space<hbm>>) dst(%arg9 : memref<256x32xf32, #tpu.memory_space<vmem>>)
          %dma_start3A_176 = arith.constant 0 : i32
          %dma_start3A_177 = arith.constant 1 : i32
          %dma_start3A_178 = arith.constant 0 : i32
          %dma_start3A_179 = arith.constant 0 : i32
          %dma_start3A_180 = tpu.memref_slice %arg9[%dma_start3A_178, %dma_start3A_179] : memref<256x32xf32, #tpu.memory_space<vmem>> -> memref<128x32xf32, #tpu.memory_space<vmem>>
          %dma_start3A_181 = arith.constant 0 : i32
          %dma_start3A_182 = tpu.memref_slice %arg6[%dma_start3A_176, %dma_start3A_177, %dma_start3A_181] : memref<2x2x128xi32, #tpu.memory_space<vmem>> -> memref<1x1x128xi32, #tpu.memory_space<vmem>>
          %dma_start3A_183 = tpu.memref_squeeze %dma_start3A_182 : memref<1x1x128xi32, #tpu.memory_space<vmem>> -> memref<128xi32, #tpu.memory_space<vmem>>
          %dma_start3A_184 = arith.constant 0 : i32
          %dma_start3A_185 = arith.constant 0 : i32
          %dma_start3A_186 = tpu.memref_slice %arg16[%dma_start3A_184, %dma_start3A_185] : memref<50176x32xf32, #tpu.memory_space<vmem_shared>> -> memref<50176x32xf32, #tpu.memory_space<vmem_shared>>
          tpu.enqueue_indirect_dma source(%dma_start3A_180 : memref<128x32xf32, #tpu.memory_space<vmem>>) target(%dma_start3A_186 : memref<50176x32xf32, #tpu.memory_space<vmem_shared>>) offsets(%dma_start3A_183 : memref<128xi32, #tpu.memory_space<vmem>>) semaphore(%arg19 : memref<!tpu.dma_semaphore, #tpu.memory_space<semaphore_mem>>) {add = true}
          %dma_start3A_187 = arith.constant 1 : i32
          %dma_start3A_188 = arith.constant 1 : i32
          %dma_start3A_189 = arith.constant 128 : i32
          %dma_start3A_190 = arith.constant 0 : i32
          %dma_start3A_191 = tpu.memref_slice %arg9[%dma_start3A_189, %dma_start3A_190] : memref<256x32xf32, #tpu.memory_space<vmem>> -> memref<128x32xf32, #tpu.memory_space<vmem>>
          %dma_start3A_192 = arith.constant 0 : i32
          %dma_start3A_193 = tpu.memref_slice %arg6[%dma_start3A_187, %dma_start3A_188, %dma_start3A_192] : memref<2x2x128xi32, #tpu.memory_space<vmem>> -> memref<1x1x128xi32, #tpu.memory_space<vmem>>
          %dma_start3A_194 = tpu.memref_squeeze %dma_start3A_193 : memref<1x1x128xi32, #tpu.memory_space<vmem>> -> memref<128xi32, #tpu.memory_space<vmem>>
          %dma_start3A_195 = arith.constant 0 : i32
          %dma_start3A_196 = arith.constant 0 : i32
          %dma_start3A_197 = tpu.memref_slice %arg16[%dma_start3A_195, %dma_start3A_196] : memref<50176x32xf32, #tpu.memory_space<vmem_shared>> -> memref<50176x32xf32, #tpu.memory_space<vmem_shared>>
          tpu.enqueue_indirect_dma source(%dma_start3A_191 : memref<128x32xf32, #tpu.memory_space<vmem>>) target(%dma_start3A_197 : memref<50176x32xf32, #tpu.memory_space<vmem_shared>>) offsets(%dma_start3A_194 : memref<128xi32, #tpu.memory_space<vmem>>) semaphore(%arg19 : memref<!tpu.dma_semaphore, #tpu.memory_space<semaphore_mem>>) {add = true}
        } else {
        }
        %eq3A_119 = arith.constant 1 : i32
        %eq3A_120 = arith.cmpi eq, %select_n3A_115, %eq3A_119 : i32
        %convert_element_type3A_121 = arith.extui %eq3A_120 : i1 to i32
        %cond3A_122 = arith.constant 0 : i32
        %cond3A_123 = arith.cmpi ne, %convert_element_type3A_121, %cond3A_122 : i32
        scf.if %cond3A_123 {
          %add3A_145 = arith.constant 1 : i32
          %add3A_146 = arith.addi %scan3A_105, %add3A_145 : i32
          %lt3A_147 = arith.constant 200 : i32
          %lt3A_148 = arith.cmpi slt, %add3A_146, %lt3A_147 : i32
          %convert_element_type3A_149 = arith.extui %lt3A_148 : i1 to i32
          %cond3A_150 = arith.constant 0 : i32
          %cond3A_151 = arith.cmpi ne, %convert_element_type3A_149, %cond3A_150 : i32
          scf.if %cond3A_151 {
            %add3A_198 = arith.constant 1 : i32
            %add3A_199 = arith.addi %scan3A_105, %add3A_198 : i32
            %mul3A_200 = arith.constant 2 : i32
            %mul3A_201 = arith.muli %add3A_199, %mul3A_200 : i32
            %add3A_202 = arith.addi %mul3A_2, %mul3A_201 : i32
            %dma_wait3A_203 = arith.constant 0 : i32
            %dma_wait3A_204 = arith.constant 0 : i32
            %dma_wait3A_205 = tpu.memref_slice %arg3[%arg0, %add3A_202, %dma_wait3A_203, %dma_wait3A_204] : memref<2x6400x2x128xi32, #tpu.memory_space<hbm>> -> memref<1x2x2x128xi32, #tpu.memory_space<hbm>>
            %dma_wait3A_206 = tpu.memref_squeeze %dma_wait3A_205 : memref<1x2x2x128xi32, #tpu.memory_space<hbm>> -> memref<2x2x128xi32, #tpu.memory_space<hbm>>
            %dma_wait3A_207 = arith.constant 0 : i32
            %dma_wait3A_208 = arith.constant 0 : i32
            %dma_wait3A_209 = tpu.memref_slice %arg3[%arg0, %add3A_202, %dma_wait3A_207, %dma_wait3A_208] : memref<2x6400x2x128xi32, #tpu.memory_space<hbm>> -> memref<1x2x2x128xi32, #tpu.memory_space<hbm>>
            %dma_wait3A_210 = tpu.memref_squeeze %dma_wait3A_209 : memref<1x2x2x128xi32, #tpu.memory_space<hbm>> -> memref<2x2x128xi32, #tpu.memory_space<hbm>>
            tpu.wait_dma2 semaphore(%arg17 : memref<!tpu.dma_semaphore, #tpu.memory_space<semaphore_mem>>) src(%dma_wait3A_210 : memref<2x2x128xi32, #tpu.memory_space<hbm>>) dst(%arg8 : memref<2x2x128xi32, #tpu.memory_space<vmem>>)
          } else {
          }
          %ge3A = arith.constant 1 : i32
          %ge3A_152 = arith.cmpi sge, %scan3A_105, %ge3A : i32
          %convert_element_type3A_153 = arith.extui %ge3A_152 : i1 to i32
          %cond3A_154 = arith.constant 0 : i32
          %cond3A_155 = arith.cmpi ne, %convert_element_type3A_153, %cond3A_154 : i32
          scf.if %cond3A_155 {
            %dma_wait3A_198 = arith.constant 0 : i32
            %dma_wait3A_199 = arith.constant 0 : i32
            %dma_wait3A_200 = tpu.memref_slice %arg16[%dma_wait3A_198, %dma_wait3A_199] : memref<50176x32xf32, #tpu.memory_space<vmem_shared>> -> memref<256x32xf32, #tpu.memory_space<vmem_shared>>
            %dma_wait3A_201 = arith.constant 0 : i32
            %dma_wait3A_202 = arith.constant 0 : i32
            %dma_wait3A_203 = tpu.memref_slice %arg16[%dma_wait3A_201, %dma_wait3A_202] : memref<50176x32xf32, #tpu.memory_space<vmem_shared>> -> memref<256x32xf32, #tpu.memory_space<vmem_shared>>
            tpu.wait_dma2 semaphore(%arg19 : memref<!tpu.dma_semaphore, #tpu.memory_space<semaphore_mem>>) src(%arg9 : memref<256x32xf32, #tpu.memory_space<vmem>>) dst(%dma_wait3A_203 : memref<256x32xf32, #tpu.memory_space<vmem_shared>>)
          } else {
          }
          %add3A_156 = arith.constant 1 : i32
          %add3A_157 = arith.addi %scan3A_105, %add3A_156 : i32
          %lt3A_158 = arith.constant 200 : i32
          %lt3A_159 = arith.cmpi slt, %add3A_157, %lt3A_158 : i32
          %convert_element_type3A_160 = arith.extui %lt3A_159 : i1 to i32
          %cond3A_161 = arith.constant 0 : i32
          %cond3A_162 = arith.cmpi ne, %convert_element_type3A_160, %cond3A_161 : i32
          scf.if %cond3A_162 {
            %dma_start3A_198 = arith.constant 0 : i32
            %dma_start3A_199 = arith.constant 0 : i32
            %dma_start3A_200 = arith.constant 0 : i32
            %dma_start3A_201 = arith.constant 0 : i32
            %dma_start3A_202 = tpu.memref_slice %arg9[%dma_start3A_200, %dma_start3A_201] : memref<256x32xf32, #tpu.memory_space<vmem>> -> memref<128x32xf32, #tpu.memory_space<vmem>>
            %dma_start3A_203 = arith.constant 0 : i32
            %dma_start3A_204 = tpu.memref_slice %arg8[%dma_start3A_198, %dma_start3A_199, %dma_start3A_203] : memref<2x2x128xi32, #tpu.memory_space<vmem>> -> memref<1x1x128xi32, #tpu.memory_space<vmem>>
            %dma_start3A_205 = tpu.memref_squeeze %dma_start3A_204 : memref<1x1x128xi32, #tpu.memory_space<vmem>> -> memref<128xi32, #tpu.memory_space<vmem>>
            %dma_start3A_206 = arith.constant 0 : i32
            %dma_start3A_207 = arith.constant 0 : i32
            %dma_start3A_208 = tpu.memref_slice %arg5[%dma_start3A_206, %dma_start3A_207] : memref<100352x32xf32, #tpu.memory_space<hbm>> -> memref<100352x32xf32, #tpu.memory_space<hbm>>
            tpu.enqueue_indirect_dma source(%dma_start3A_208 : memref<100352x32xf32, #tpu.memory_space<hbm>>) target(%dma_start3A_202 : memref<128x32xf32, #tpu.memory_space<vmem>>) offsets(%dma_start3A_205 : memref<128xi32, #tpu.memory_space<vmem>>) semaphore(%arg18 : memref<!tpu.dma_semaphore, #tpu.memory_space<semaphore_mem>>)
            %dma_start3A_209 = arith.constant 1 : i32
            %dma_start3A_210 = arith.constant 0 : i32
            %dma_start3A_211 = arith.constant 128 : i32
            %dma_start3A_212 = arith.constant 0 : i32
            %dma_start3A_213 = tpu.memref_slice %arg9[%dma_start3A_211, %dma_start3A_212] : memref<256x32xf32, #tpu.memory_space<vmem>> -> memref<128x32xf32, #tpu.memory_space<vmem>>
            %dma_start3A_214 = arith.constant 0 : i32
            %dma_start3A_215 = tpu.memref_slice %arg8[%dma_start3A_209, %dma_start3A_210, %dma_start3A_214] : memref<2x2x128xi32, #tpu.memory_space<vmem>> -> memref<1x1x128xi32, #tpu.memory_space<vmem>>
            %dma_start3A_216 = tpu.memref_squeeze %dma_start3A_215 : memref<1x1x128xi32, #tpu.memory_space<vmem>> -> memref<128xi32, #tpu.memory_space<vmem>>
            %dma_start3A_217 = arith.constant 0 : i32
            %dma_start3A_218 = arith.constant 0 : i32
            %dma_start3A_219 = tpu.memref_slice %arg5[%dma_start3A_217, %dma_start3A_218] : memref<100352x32xf32, #tpu.memory_space<hbm>> -> memref<100352x32xf32, #tpu.memory_space<hbm>>
            tpu.enqueue_indirect_dma source(%dma_start3A_219 : memref<100352x32xf32, #tpu.memory_space<hbm>>) target(%dma_start3A_213 : memref<128x32xf32, #tpu.memory_space<vmem>>) offsets(%dma_start3A_216 : memref<128xi32, #tpu.memory_space<vmem>>) semaphore(%arg18 : memref<!tpu.dma_semaphore, #tpu.memory_space<semaphore_mem>>)
          } else {
          }
          %add3A_163 = arith.constant 2 : i32
          %add3A_164 = arith.addi %scan3A_105, %add3A_163 : i32
          %lt3A_165 = arith.constant 200 : i32
          %lt3A_166 = arith.cmpi slt, %add3A_164, %lt3A_165 : i32
          %convert_element_type3A_167 = arith.extui %lt3A_166 : i1 to i32
          %cond3A_168 = arith.constant 0 : i32
          %cond3A_169 = arith.cmpi ne, %convert_element_type3A_167, %cond3A_168 : i32
          scf.if %cond3A_169 {
            %add3A_198 = arith.constant 2 : i32
            %add3A_199 = arith.addi %scan3A_105, %add3A_198 : i32
            %mul3A_200 = arith.constant 2 : i32
            %mul3A_201 = arith.muli %add3A_199, %mul3A_200 : i32
            %add3A_202 = arith.addi %mul3A_2, %mul3A_201 : i32
            %dma_start3A_203 = arith.constant 0 : i32
            %dma_start3A_204 = arith.constant 0 : i32
            %dma_start3A_205 = tpu.memref_slice %arg3[%arg0, %add3A_202, %dma_start3A_203, %dma_start3A_204] : memref<2x6400x2x128xi32, #tpu.memory_space<hbm>> -> memref<1x2x2x128xi32, #tpu.memory_space<hbm>>
            %dma_start3A_206 = tpu.memref_squeeze %dma_start3A_205 : memref<1x2x2x128xi32, #tpu.memory_space<hbm>> -> memref<2x2x128xi32, #tpu.memory_space<hbm>>
            %dma_start3A_207 = arith.constant 0 : i32
            %dma_start3A_208 = arith.constant 0 : i32
            %dma_start3A_209 = tpu.memref_slice %arg3[%arg0, %add3A_202, %dma_start3A_207, %dma_start3A_208] : memref<2x6400x2x128xi32, #tpu.memory_space<hbm>> -> memref<1x2x2x128xi32, #tpu.memory_space<hbm>>
            %dma_start3A_210 = tpu.memref_squeeze %dma_start3A_209 : memref<1x2x2x128xi32, #tpu.memory_space<hbm>> -> memref<2x2x128xi32, #tpu.memory_space<hbm>>
            tpu.enqueue_dma source(%dma_start3A_210 : memref<2x2x128xi32, #tpu.memory_space<hbm>>) target(%arg6 : memref<2x2x128xi32, #tpu.memory_space<vmem>>) target_semaphore(%arg17 : memref<!tpu.dma_semaphore, #tpu.memory_space<semaphore_mem>>)
          } else {
          }
          %dma_wait3A_170 = arith.constant 0 : i32
          %dma_wait3A_171 = arith.constant 0 : i32
          %dma_wait3A_172 = tpu.memref_slice %arg5[%dma_wait3A_170, %dma_wait3A_171] : memref<100352x32xf32, #tpu.memory_space<hbm>> -> memref<256x32xf32, #tpu.memory_space<hbm>>
          %dma_wait3A_173 = arith.constant 0 : i32
          %dma_wait3A_174 = arith.constant 0 : i32
          %dma_wait3A_175 = tpu.memref_slice %arg5[%dma_wait3A_173, %dma_wait3A_174] : memref<100352x32xf32, #tpu.memory_space<hbm>> -> memref<256x32xf32, #tpu.memory_space<hbm>>
          tpu.wait_dma2 semaphore(%arg18 : memref<!tpu.dma_semaphore, #tpu.memory_space<semaphore_mem>>) src(%dma_wait3A_175 : memref<256x32xf32, #tpu.memory_space<hbm>>) dst(%arg10 : memref<256x32xf32, #tpu.memory_space<vmem>>)
          %dma_start3A_176 = arith.constant 0 : i32
          %dma_start3A_177 = arith.constant 1 : i32
          %dma_start3A_178 = arith.constant 0 : i32
          %dma_start3A_179 = arith.constant 0 : i32
          %dma_start3A_180 = tpu.memref_slice %arg10[%dma_start3A_178, %dma_start3A_179] : memref<256x32xf32, #tpu.memory_space<vmem>> -> memref<128x32xf32, #tpu.memory_space<vmem>>
          %dma_start3A_181 = arith.constant 0 : i32
          %dma_start3A_182 = tpu.memref_slice %arg7[%dma_start3A_176, %dma_start3A_177, %dma_start3A_181] : memref<2x2x128xi32, #tpu.memory_space<vmem>> -> memref<1x1x128xi32, #tpu.memory_space<vmem>>
          %dma_start3A_183 = tpu.memref_squeeze %dma_start3A_182 : memref<1x1x128xi32, #tpu.memory_space<vmem>> -> memref<128xi32, #tpu.memory_space<vmem>>
          %dma_start3A_184 = arith.constant 0 : i32
          %dma_start3A_185 = arith.constant 0 : i32
          %dma_start3A_186 = tpu.memref_slice %arg16[%dma_start3A_184, %dma_start3A_185] : memref<50176x32xf32, #tpu.memory_space<vmem_shared>> -> memref<50176x32xf32, #tpu.memory_space<vmem_shared>>
          tpu.enqueue_indirect_dma source(%dma_start3A_180 : memref<128x32xf32, #tpu.memory_space<vmem>>) target(%dma_start3A_186 : memref<50176x32xf32, #tpu.memory_space<vmem_shared>>) offsets(%dma_start3A_183 : memref<128xi32, #tpu.memory_space<vmem>>) semaphore(%arg19 : memref<!tpu.dma_semaphore, #tpu.memory_space<semaphore_mem>>) {add = true}
          %dma_start3A_187 = arith.constant 1 : i32
          %dma_start3A_188 = arith.constant 1 : i32
          %dma_start3A_189 = arith.constant 128 : i32
          %dma_start3A_190 = arith.constant 0 : i32
          %dma_start3A_191 = tpu.memref_slice %arg10[%dma_start3A_189, %dma_start3A_190] : memref<256x32xf32, #tpu.memory_space<vmem>> -> memref<128x32xf32, #tpu.memory_space<vmem>>
          %dma_start3A_192 = arith.constant 0 : i32
          %dma_start3A_193 = tpu.memref_slice %arg7[%dma_start3A_187, %dma_start3A_188, %dma_start3A_192] : memref<2x2x128xi32, #tpu.memory_space<vmem>> -> memref<1x1x128xi32, #tpu.memory_space<vmem>>
          %dma_start3A_194 = tpu.memref_squeeze %dma_start3A_193 : memref<1x1x128xi32, #tpu.memory_space<vmem>> -> memref<128xi32, #tpu.memory_space<vmem>>
          %dma_start3A_195 = arith.constant 0 : i32
          %dma_start3A_196 = arith.constant 0 : i32
          %dma_start3A_197 = tpu.memref_slice %arg16[%dma_start3A_195, %dma_start3A_196] : memref<50176x32xf32, #tpu.memory_space<vmem_shared>> -> memref<50176x32xf32, #tpu.memory_space<vmem_shared>>
          tpu.enqueue_indirect_dma source(%dma_start3A_191 : memref<128x32xf32, #tpu.memory_space<vmem>>) target(%dma_start3A_197 : memref<50176x32xf32, #tpu.memory_space<vmem_shared>>) offsets(%dma_start3A_194 : memref<128xi32, #tpu.memory_space<vmem>>) semaphore(%arg19 : memref<!tpu.dma_semaphore, #tpu.memory_space<semaphore_mem>>) {add = true}
        } else {
        }
        %eq3A_124 = arith.constant 2 : i32
        %eq3A_125 = arith.cmpi eq, %select_n3A_115, %eq3A_124 : i32
        %convert_element_type3A_126 = arith.extui %eq3A_125 : i1 to i32
        %cond3A_127 = arith.constant 0 : i32
        %cond3A_128 = arith.cmpi ne, %convert_element_type3A_126, %cond3A_127 : i32
        scf.if %cond3A_128 {
          %add3A_145 = arith.constant 1 : i32
          %add3A_146 = arith.addi %scan3A_105, %add3A_145 : i32
          %lt3A_147 = arith.constant 200 : i32
          %lt3A_148 = arith.cmpi slt, %add3A_146, %lt3A_147 : i32
          %convert_element_type3A_149 = arith.extui %lt3A_148 : i1 to i32
          %cond3A_150 = arith.constant 0 : i32
          %cond3A_151 = arith.cmpi ne, %convert_element_type3A_149, %cond3A_150 : i32
          scf.if %cond3A_151 {
            %add3A_198 = arith.constant 1 : i32
            %add3A_199 = arith.addi %scan3A_105, %add3A_198 : i32
            %mul3A_200 = arith.constant 2 : i32
            %mul3A_201 = arith.muli %add3A_199, %mul3A_200 : i32
            %add3A_202 = arith.addi %mul3A_2, %mul3A_201 : i32
            %dma_wait3A_203 = arith.constant 0 : i32
            %dma_wait3A_204 = arith.constant 0 : i32
            %dma_wait3A_205 = tpu.memref_slice %arg3[%arg0, %add3A_202, %dma_wait3A_203, %dma_wait3A_204] : memref<2x6400x2x128xi32, #tpu.memory_space<hbm>> -> memref<1x2x2x128xi32, #tpu.memory_space<hbm>>
            %dma_wait3A_206 = tpu.memref_squeeze %dma_wait3A_205 : memref<1x2x2x128xi32, #tpu.memory_space<hbm>> -> memref<2x2x128xi32, #tpu.memory_space<hbm>>
            %dma_wait3A_207 = arith.constant 0 : i32
            %dma_wait3A_208 = arith.constant 0 : i32
            %dma_wait3A_209 = tpu.memref_slice %arg3[%arg0, %add3A_202, %dma_wait3A_207, %dma_wait3A_208] : memref<2x6400x2x128xi32, #tpu.memory_space<hbm>> -> memref<1x2x2x128xi32, #tpu.memory_space<hbm>>
            %dma_wait3A_210 = tpu.memref_squeeze %dma_wait3A_209 : memref<1x2x2x128xi32, #tpu.memory_space<hbm>> -> memref<2x2x128xi32, #tpu.memory_space<hbm>>
            tpu.wait_dma2 semaphore(%arg17 : memref<!tpu.dma_semaphore, #tpu.memory_space<semaphore_mem>>) src(%dma_wait3A_210 : memref<2x2x128xi32, #tpu.memory_space<hbm>>) dst(%arg6 : memref<2x2x128xi32, #tpu.memory_space<vmem>>)
          } else {
          }
          %ge3A = arith.constant 1 : i32
          %ge3A_152 = arith.cmpi sge, %scan3A_105, %ge3A : i32
          %convert_element_type3A_153 = arith.extui %ge3A_152 : i1 to i32
          %cond3A_154 = arith.constant 0 : i32
          %cond3A_155 = arith.cmpi ne, %convert_element_type3A_153, %cond3A_154 : i32
          scf.if %cond3A_155 {
            %dma_wait3A_198 = arith.constant 0 : i32
            %dma_wait3A_199 = arith.constant 0 : i32
            %dma_wait3A_200 = tpu.memref_slice %arg16[%dma_wait3A_198, %dma_wait3A_199] : memref<50176x32xf32, #tpu.memory_space<vmem_shared>> -> memref<256x32xf32, #tpu.memory_space<vmem_shared>>
            %dma_wait3A_201 = arith.constant 0 : i32
            %dma_wait3A_202 = arith.constant 0 : i32
            %dma_wait3A_203 = tpu.memref_slice %arg16[%dma_wait3A_201, %dma_wait3A_202] : memref<50176x32xf32, #tpu.memory_space<vmem_shared>> -> memref<256x32xf32, #tpu.memory_space<vmem_shared>>
            tpu.wait_dma2 semaphore(%arg19 : memref<!tpu.dma_semaphore, #tpu.memory_space<semaphore_mem>>) src(%arg10 : memref<256x32xf32, #tpu.memory_space<vmem>>) dst(%dma_wait3A_203 : memref<256x32xf32, #tpu.memory_space<vmem_shared>>)
          } else {
          }
          %add3A_156 = arith.constant 1 : i32
          %add3A_157 = arith.addi %scan3A_105, %add3A_156 : i32
          %lt3A_158 = arith.constant 200 : i32
          %lt3A_159 = arith.cmpi slt, %add3A_157, %lt3A_158 : i32
          %convert_element_type3A_160 = arith.extui %lt3A_159 : i1 to i32
          %cond3A_161 = arith.constant 0 : i32
          %cond3A_162 = arith.cmpi ne, %convert_element_type3A_160, %cond3A_161 : i32
          scf.if %cond3A_162 {
            %dma_start3A_198 = arith.constant 0 : i32
            %dma_start3A_199 = arith.constant 0 : i32
            %dma_start3A_200 = arith.constant 0 : i32
            %dma_start3A_201 = arith.constant 0 : i32
            %dma_start3A_202 = tpu.memref_slice %arg10[%dma_start3A_200, %dma_start3A_201] : memref<256x32xf32, #tpu.memory_space<vmem>> -> memref<128x32xf32, #tpu.memory_space<vmem>>
            %dma_start3A_203 = arith.constant 0 : i32
            %dma_start3A_204 = tpu.memref_slice %arg6[%dma_start3A_198, %dma_start3A_199, %dma_start3A_203] : memref<2x2x128xi32, #tpu.memory_space<vmem>> -> memref<1x1x128xi32, #tpu.memory_space<vmem>>
            %dma_start3A_205 = tpu.memref_squeeze %dma_start3A_204 : memref<1x1x128xi32, #tpu.memory_space<vmem>> -> memref<128xi32, #tpu.memory_space<vmem>>
            %dma_start3A_206 = arith.constant 0 : i32
            %dma_start3A_207 = arith.constant 0 : i32
            %dma_start3A_208 = tpu.memref_slice %arg5[%dma_start3A_206, %dma_start3A_207] : memref<100352x32xf32, #tpu.memory_space<hbm>> -> memref<100352x32xf32, #tpu.memory_space<hbm>>
            tpu.enqueue_indirect_dma source(%dma_start3A_208 : memref<100352x32xf32, #tpu.memory_space<hbm>>) target(%dma_start3A_202 : memref<128x32xf32, #tpu.memory_space<vmem>>) offsets(%dma_start3A_205 : memref<128xi32, #tpu.memory_space<vmem>>) semaphore(%arg18 : memref<!tpu.dma_semaphore, #tpu.memory_space<semaphore_mem>>)
            %dma_start3A_209 = arith.constant 1 : i32
            %dma_start3A_210 = arith.constant 0 : i32
            %dma_start3A_211 = arith.constant 128 : i32
            %dma_start3A_212 = arith.constant 0 : i32
            %dma_start3A_213 = tpu.memref_slice %arg10[%dma_start3A_211, %dma_start3A_212] : memref<256x32xf32, #tpu.memory_space<vmem>> -> memref<128x32xf32, #tpu.memory_space<vmem>>
            %dma_start3A_214 = arith.constant 0 : i32
            %dma_start3A_215 = tpu.memref_slice %arg6[%dma_start3A_209, %dma_start3A_210, %dma_start3A_214] : memref<2x2x128xi32, #tpu.memory_space<vmem>> -> memref<1x1x128xi32, #tpu.memory_space<vmem>>
            %dma_start3A_216 = tpu.memref_squeeze %dma_start3A_215 : memref<1x1x128xi32, #tpu.memory_space<vmem>> -> memref<128xi32, #tpu.memory_space<vmem>>
            %dma_start3A_217 = arith.constant 0 : i32
            %dma_start3A_218 = arith.constant 0 : i32
            %dma_start3A_219 = tpu.memref_slice %arg5[%dma_start3A_217, %dma_start3A_218] : memref<100352x32xf32, #tpu.memory_space<hbm>> -> memref<100352x32xf32, #tpu.memory_space<hbm>>
            tpu.enqueue_indirect_dma source(%dma_start3A_219 : memref<100352x32xf32, #tpu.memory_space<hbm>>) target(%dma_start3A_213 : memref<128x32xf32, #tpu.memory_space<vmem>>) offsets(%dma_start3A_216 : memref<128xi32, #tpu.memory_space<vmem>>) semaphore(%arg18 : memref<!tpu.dma_semaphore, #tpu.memory_space<semaphore_mem>>)
          } else {
          }
          %add3A_163 = arith.constant 2 : i32
          %add3A_164 = arith.addi %scan3A_105, %add3A_163 : i32
          %lt3A_165 = arith.constant 200 : i32
          %lt3A_166 = arith.cmpi slt, %add3A_164, %lt3A_165 : i32
          %convert_element_type3A_167 = arith.extui %lt3A_166 : i1 to i32
          %cond3A_168 = arith.constant 0 : i32
          %cond3A_169 = arith.cmpi ne, %convert_element_type3A_167, %cond3A_168 : i32
          scf.if %cond3A_169 {
            %add3A_198 = arith.constant 2 : i32
            %add3A_199 = arith.addi %scan3A_105, %add3A_198 : i32
            %mul3A_200 = arith.constant 2 : i32
            %mul3A_201 = arith.muli %add3A_199, %mul3A_200 : i32
            %add3A_202 = arith.addi %mul3A_2, %mul3A_201 : i32
            %dma_start3A_203 = arith.constant 0 : i32
            %dma_start3A_204 = arith.constant 0 : i32
            %dma_start3A_205 = tpu.memref_slice %arg3[%arg0, %add3A_202, %dma_start3A_203, %dma_start3A_204] : memref<2x6400x2x128xi32, #tpu.memory_space<hbm>> -> memref<1x2x2x128xi32, #tpu.memory_space<hbm>>
            %dma_start3A_206 = tpu.memref_squeeze %dma_start3A_205 : memref<1x2x2x128xi32, #tpu.memory_space<hbm>> -> memref<2x2x128xi32, #tpu.memory_space<hbm>>
            %dma_start3A_207 = arith.constant 0 : i32
            %dma_start3A_208 = arith.constant 0 : i32
            %dma_start3A_209 = tpu.memref_slice %arg3[%arg0, %add3A_202, %dma_start3A_207, %dma_start3A_208] : memref<2x6400x2x128xi32, #tpu.memory_space<hbm>> -> memref<1x2x2x128xi32, #tpu.memory_space<hbm>>
            %dma_start3A_210 = tpu.memref_squeeze %dma_start3A_209 : memref<1x2x2x128xi32, #tpu.memory_space<hbm>> -> memref<2x2x128xi32, #tpu.memory_space<hbm>>
            tpu.enqueue_dma source(%dma_start3A_210 : memref<2x2x128xi32, #tpu.memory_space<hbm>>) target(%arg7 : memref<2x2x128xi32, #tpu.memory_space<vmem>>) target_semaphore(%arg17 : memref<!tpu.dma_semaphore, #tpu.memory_space<semaphore_mem>>)
          } else {
          }
          %dma_wait3A_170 = arith.constant 0 : i32
          %dma_wait3A_171 = arith.constant 0 : i32
          %dma_wait3A_172 = tpu.memref_slice %arg5[%dma_wait3A_170, %dma_wait3A_171] : memref<100352x32xf32, #tpu.memory_space<hbm>> -> memref<256x32xf32, #tpu.memory_space<hbm>>
          %dma_wait3A_173 = arith.constant 0 : i32
          %dma_wait3A_174 = arith.constant 0 : i32
          %dma_wait3A_175 = tpu.memref_slice %arg5[%dma_wait3A_173, %dma_wait3A_174] : memref<100352x32xf32, #tpu.memory_space<hbm>> -> memref<256x32xf32, #tpu.memory_space<hbm>>
          tpu.wait_dma2 semaphore(%arg18 : memref<!tpu.dma_semaphore, #tpu.memory_space<semaphore_mem>>) src(%dma_wait3A_175 : memref<256x32xf32, #tpu.memory_space<hbm>>) dst(%arg9 : memref<256x32xf32, #tpu.memory_space<vmem>>)
          %dma_start3A_176 = arith.constant 0 : i32
          %dma_start3A_177 = arith.constant 1 : i32
          %dma_start3A_178 = arith.constant 0 : i32
          %dma_start3A_179 = arith.constant 0 : i32
          %dma_start3A_180 = tpu.memref_slice %arg9[%dma_start3A_178, %dma_start3A_179] : memref<256x32xf32, #tpu.memory_space<vmem>> -> memref<128x32xf32, #tpu.memory_space<vmem>>
          %dma_start3A_181 = arith.constant 0 : i32
          %dma_start3A_182 = tpu.memref_slice %arg8[%dma_start3A_176, %dma_start3A_177, %dma_start3A_181] : memref<2x2x128xi32, #tpu.memory_space<vmem>> -> memref<1x1x128xi32, #tpu.memory_space<vmem>>
          %dma_start3A_183 = tpu.memref_squeeze %dma_start3A_182 : memref<1x1x128xi32, #tpu.memory_space<vmem>> -> memref<128xi32, #tpu.memory_space<vmem>>
          %dma_start3A_184 = arith.constant 0 : i32
          %dma_start3A_185 = arith.constant 0 : i32
          %dma_start3A_186 = tpu.memref_slice %arg16[%dma_start3A_184, %dma_start3A_185] : memref<50176x32xf32, #tpu.memory_space<vmem_shared>> -> memref<50176x32xf32, #tpu.memory_space<vmem_shared>>
          tpu.enqueue_indirect_dma source(%dma_start3A_180 : memref<128x32xf32, #tpu.memory_space<vmem>>) target(%dma_start3A_186 : memref<50176x32xf32, #tpu.memory_space<vmem_shared>>) offsets(%dma_start3A_183 : memref<128xi32, #tpu.memory_space<vmem>>) semaphore(%arg19 : memref<!tpu.dma_semaphore, #tpu.memory_space<semaphore_mem>>) {add = true}
          %dma_start3A_187 = arith.constant 1 : i32
          %dma_start3A_188 = arith.constant 1 : i32
          %dma_start3A_189 = arith.constant 128 : i32
          %dma_start3A_190 = arith.constant 0 : i32
          %dma_start3A_191 = tpu.memref_slice %arg9[%dma_start3A_189, %dma_start3A_190] : memref<256x32xf32, #tpu.memory_space<vmem>> -> memref<128x32xf32, #tpu.memory_space<vmem>>
          %dma_start3A_192 = arith.constant 0 : i32
          %dma_start3A_193 = tpu.memref_slice %arg8[%dma_start3A_187, %dma_start3A_188, %dma_start3A_192] : memref<2x2x128xi32, #tpu.memory_space<vmem>> -> memref<1x1x128xi32, #tpu.memory_space<vmem>>
          %dma_start3A_194 = tpu.memref_squeeze %dma_start3A_193 : memref<1x1x128xi32, #tpu.memory_space<vmem>> -> memref<128xi32, #tpu.memory_space<vmem>>
          %dma_start3A_195 = arith.constant 0 : i32
          %dma_start3A_196 = arith.constant 0 : i32
          %dma_start3A_197 = tpu.memref_slice %arg16[%dma_start3A_195, %dma_start3A_196] : memref<50176x32xf32, #tpu.memory_space<vmem_shared>> -> memref<50176x32xf32, #tpu.memory_space<vmem_shared>>
          tpu.enqueue_indirect_dma source(%dma_start3A_191 : memref<128x32xf32, #tpu.memory_space<vmem>>) target(%dma_start3A_197 : memref<50176x32xf32, #tpu.memory_space<vmem_shared>>) offsets(%dma_start3A_194 : memref<128xi32, #tpu.memory_space<vmem>>) semaphore(%arg19 : memref<!tpu.dma_semaphore, #tpu.memory_space<semaphore_mem>>) {add = true}
        } else {
        }
        %eq3A_129 = arith.constant 3 : i32
        %eq3A_130 = arith.cmpi eq, %select_n3A_115, %eq3A_129 : i32
        %convert_element_type3A_131 = arith.extui %eq3A_130 : i1 to i32
        %cond3A_132 = arith.constant 0 : i32
        %cond3A_133 = arith.cmpi ne, %convert_element_type3A_131, %cond3A_132 : i32
        scf.if %cond3A_133 {
          %add3A_145 = arith.constant 1 : i32
          %add3A_146 = arith.addi %scan3A_105, %add3A_145 : i32
          %lt3A_147 = arith.constant 200 : i32
          %lt3A_148 = arith.cmpi slt, %add3A_146, %lt3A_147 : i32
          %convert_element_type3A_149 = arith.extui %lt3A_148 : i1 to i32
          %cond3A_150 = arith.constant 0 : i32
          %cond3A_151 = arith.cmpi ne, %convert_element_type3A_149, %cond3A_150 : i32
          scf.if %cond3A_151 {
            %add3A_198 = arith.constant 1 : i32
            %add3A_199 = arith.addi %scan3A_105, %add3A_198 : i32
            %mul3A_200 = arith.constant 2 : i32
            %mul3A_201 = arith.muli %add3A_199, %mul3A_200 : i32
            %add3A_202 = arith.addi %mul3A_2, %mul3A_201 : i32
            %dma_wait3A_203 = arith.constant 0 : i32
            %dma_wait3A_204 = arith.constant 0 : i32
            %dma_wait3A_205 = tpu.memref_slice %arg3[%arg0, %add3A_202, %dma_wait3A_203, %dma_wait3A_204] : memref<2x6400x2x128xi32, #tpu.memory_space<hbm>> -> memref<1x2x2x128xi32, #tpu.memory_space<hbm>>
            %dma_wait3A_206 = tpu.memref_squeeze %dma_wait3A_205 : memref<1x2x2x128xi32, #tpu.memory_space<hbm>> -> memref<2x2x128xi32, #tpu.memory_space<hbm>>
            %dma_wait3A_207 = arith.constant 0 : i32
            %dma_wait3A_208 = arith.constant 0 : i32
            %dma_wait3A_209 = tpu.memref_slice %arg3[%arg0, %add3A_202, %dma_wait3A_207, %dma_wait3A_208] : memref<2x6400x2x128xi32, #tpu.memory_space<hbm>> -> memref<1x2x2x128xi32, #tpu.memory_space<hbm>>
            %dma_wait3A_210 = tpu.memref_squeeze %dma_wait3A_209 : memref<1x2x2x128xi32, #tpu.memory_space<hbm>> -> memref<2x2x128xi32, #tpu.memory_space<hbm>>
            tpu.wait_dma2 semaphore(%arg17 : memref<!tpu.dma_semaphore, #tpu.memory_space<semaphore_mem>>) src(%dma_wait3A_210 : memref<2x2x128xi32, #tpu.memory_space<hbm>>) dst(%arg7 : memref<2x2x128xi32, #tpu.memory_space<vmem>>)
          } else {
          }
          %ge3A = arith.constant 1 : i32
          %ge3A_152 = arith.cmpi sge, %scan3A_105, %ge3A : i32
          %convert_element_type3A_153 = arith.extui %ge3A_152 : i1 to i32
          %cond3A_154 = arith.constant 0 : i32
          %cond3A_155 = arith.cmpi ne, %convert_element_type3A_153, %cond3A_154 : i32
          scf.if %cond3A_155 {
            %dma_wait3A_198 = arith.constant 0 : i32
            %dma_wait3A_199 = arith.constant 0 : i32
            %dma_wait3A_200 = tpu.memref_slice %arg16[%dma_wait3A_198, %dma_wait3A_199] : memref<50176x32xf32, #tpu.memory_space<vmem_shared>> -> memref<256x32xf32, #tpu.memory_space<vmem_shared>>
            %dma_wait3A_201 = arith.constant 0 : i32
            %dma_wait3A_202 = arith.constant 0 : i32
            %dma_wait3A_203 = tpu.memref_slice %arg16[%dma_wait3A_201, %dma_wait3A_202] : memref<50176x32xf32, #tpu.memory_space<vmem_shared>> -> memref<256x32xf32, #tpu.memory_space<vmem_shared>>
            tpu.wait_dma2 semaphore(%arg19 : memref<!tpu.dma_semaphore, #tpu.memory_space<semaphore_mem>>) src(%arg9 : memref<256x32xf32, #tpu.memory_space<vmem>>) dst(%dma_wait3A_203 : memref<256x32xf32, #tpu.memory_space<vmem_shared>>)
          } else {
          }
          %add3A_156 = arith.constant 1 : i32
          %add3A_157 = arith.addi %scan3A_105, %add3A_156 : i32
          %lt3A_158 = arith.constant 200 : i32
          %lt3A_159 = arith.cmpi slt, %add3A_157, %lt3A_158 : i32
          %convert_element_type3A_160 = arith.extui %lt3A_159 : i1 to i32
          %cond3A_161 = arith.constant 0 : i32
          %cond3A_162 = arith.cmpi ne, %convert_element_type3A_160, %cond3A_161 : i32
          scf.if %cond3A_162 {
            %dma_start3A_198 = arith.constant 0 : i32
            %dma_start3A_199 = arith.constant 0 : i32
            %dma_start3A_200 = arith.constant 0 : i32
            %dma_start3A_201 = arith.constant 0 : i32
            %dma_start3A_202 = tpu.memref_slice %arg9[%dma_start3A_200, %dma_start3A_201] : memref<256x32xf32, #tpu.memory_space<vmem>> -> memref<128x32xf32, #tpu.memory_space<vmem>>
            %dma_start3A_203 = arith.constant 0 : i32
            %dma_start3A_204 = tpu.memref_slice %arg7[%dma_start3A_198, %dma_start3A_199, %dma_start3A_203] : memref<2x2x128xi32, #tpu.memory_space<vmem>> -> memref<1x1x128xi32, #tpu.memory_space<vmem>>
            %dma_start3A_205 = tpu.memref_squeeze %dma_start3A_204 : memref<1x1x128xi32, #tpu.memory_space<vmem>> -> memref<128xi32, #tpu.memory_space<vmem>>
            %dma_start3A_206 = arith.constant 0 : i32
            %dma_start3A_207 = arith.constant 0 : i32
            %dma_start3A_208 = tpu.memref_slice %arg5[%dma_start3A_206, %dma_start3A_207] : memref<100352x32xf32, #tpu.memory_space<hbm>> -> memref<100352x32xf32, #tpu.memory_space<hbm>>
            tpu.enqueue_indirect_dma source(%dma_start3A_208 : memref<100352x32xf32, #tpu.memory_space<hbm>>) target(%dma_start3A_202 : memref<128x32xf32, #tpu.memory_space<vmem>>) offsets(%dma_start3A_205 : memref<128xi32, #tpu.memory_space<vmem>>) semaphore(%arg18 : memref<!tpu.dma_semaphore, #tpu.memory_space<semaphore_mem>>)
            %dma_start3A_209 = arith.constant 1 : i32
            %dma_start3A_210 = arith.constant 0 : i32
            %dma_start3A_211 = arith.constant 128 : i32
            %dma_start3A_212 = arith.constant 0 : i32
            %dma_start3A_213 = tpu.memref_slice %arg9[%dma_start3A_211, %dma_start3A_212] : memref<256x32xf32, #tpu.memory_space<vmem>> -> memref<128x32xf32, #tpu.memory_space<vmem>>
            %dma_start3A_214 = arith.constant 0 : i32
            %dma_start3A_215 = tpu.memref_slice %arg7[%dma_start3A_209, %dma_start3A_210, %dma_start3A_214] : memref<2x2x128xi32, #tpu.memory_space<vmem>> -> memref<1x1x128xi32, #tpu.memory_space<vmem>>
            %dma_start3A_216 = tpu.memref_squeeze %dma_start3A_215 : memref<1x1x128xi32, #tpu.memory_space<vmem>> -> memref<128xi32, #tpu.memory_space<vmem>>
            %dma_start3A_217 = arith.constant 0 : i32
            %dma_start3A_218 = arith.constant 0 : i32
            %dma_start3A_219 = tpu.memref_slice %arg5[%dma_start3A_217, %dma_start3A_218] : memref<100352x32xf32, #tpu.memory_space<hbm>> -> memref<100352x32xf32, #tpu.memory_space<hbm>>
            tpu.enqueue_indirect_dma source(%dma_start3A_219 : memref<100352x32xf32, #tpu.memory_space<hbm>>) target(%dma_start3A_213 : memref<128x32xf32, #tpu.memory_space<vmem>>) offsets(%dma_start3A_216 : memref<128xi32, #tpu.memory_space<vmem>>) semaphore(%arg18 : memref<!tpu.dma_semaphore, #tpu.memory_space<semaphore_mem>>)
          } else {
          }
          %add3A_163 = arith.constant 2 : i32
          %add3A_164 = arith.addi %scan3A_105, %add3A_163 : i32
          %lt3A_165 = arith.constant 200 : i32
          %lt3A_166 = arith.cmpi slt, %add3A_164, %lt3A_165 : i32
          %convert_element_type3A_167 = arith.extui %lt3A_166 : i1 to i32
          %cond3A_168 = arith.constant 0 : i32
          %cond3A_169 = arith.cmpi ne, %convert_element_type3A_167, %cond3A_168 : i32
          scf.if %cond3A_169 {
            %add3A_198 = arith.constant 2 : i32
            %add3A_199 = arith.addi %scan3A_105, %add3A_198 : i32
            %mul3A_200 = arith.constant 2 : i32
            %mul3A_201 = arith.muli %add3A_199, %mul3A_200 : i32
            %add3A_202 = arith.addi %mul3A_2, %mul3A_201 : i32
            %dma_start3A_203 = arith.constant 0 : i32
            %dma_start3A_204 = arith.constant 0 : i32
            %dma_start3A_205 = tpu.memref_slice %arg3[%arg0, %add3A_202, %dma_start3A_203, %dma_start3A_204] : memref<2x6400x2x128xi32, #tpu.memory_space<hbm>> -> memref<1x2x2x128xi32, #tpu.memory_space<hbm>>
            %dma_start3A_206 = tpu.memref_squeeze %dma_start3A_205 : memref<1x2x2x128xi32, #tpu.memory_space<hbm>> -> memref<2x2x128xi32, #tpu.memory_space<hbm>>
            %dma_start3A_207 = arith.constant 0 : i32
            %dma_start3A_208 = arith.constant 0 : i32
            %dma_start3A_209 = tpu.memref_slice %arg3[%arg0, %add3A_202, %dma_start3A_207, %dma_start3A_208] : memref<2x6400x2x128xi32, #tpu.memory_space<hbm>> -> memref<1x2x2x128xi32, #tpu.memory_space<hbm>>
            %dma_start3A_210 = tpu.memref_squeeze %dma_start3A_209 : memref<1x2x2x128xi32, #tpu.memory_space<hbm>> -> memref<2x2x128xi32, #tpu.memory_space<hbm>>
            tpu.enqueue_dma source(%dma_start3A_210 : memref<2x2x128xi32, #tpu.memory_space<hbm>>) target(%arg8 : memref<2x2x128xi32, #tpu.memory_space<vmem>>) target_semaphore(%arg17 : memref<!tpu.dma_semaphore, #tpu.memory_space<semaphore_mem>>)
          } else {
          }
          %dma_wait3A_170 = arith.constant 0 : i32
          %dma_wait3A_171 = arith.constant 0 : i32
          %dma_wait3A_172 = tpu.memref_slice %arg5[%dma_wait3A_170, %dma_wait3A_171] : memref<100352x32xf32, #tpu.memory_space<hbm>> -> memref<256x32xf32, #tpu.memory_space<hbm>>
          %dma_wait3A_173 = arith.constant 0 : i32
          %dma_wait3A_174 = arith.constant 0 : i32
          %dma_wait3A_175 = tpu.memref_slice %arg5[%dma_wait3A_173, %dma_wait3A_174] : memref<100352x32xf32, #tpu.memory_space<hbm>> -> memref<256x32xf32, #tpu.memory_space<hbm>>
          tpu.wait_dma2 semaphore(%arg18 : memref<!tpu.dma_semaphore, #tpu.memory_space<semaphore_mem>>) src(%dma_wait3A_175 : memref<256x32xf32, #tpu.memory_space<hbm>>) dst(%arg10 : memref<256x32xf32, #tpu.memory_space<vmem>>)
          %dma_start3A_176 = arith.constant 0 : i32
          %dma_start3A_177 = arith.constant 1 : i32
          %dma_start3A_178 = arith.constant 0 : i32
          %dma_start3A_179 = arith.constant 0 : i32
          %dma_start3A_180 = tpu.memref_slice %arg10[%dma_start3A_178, %dma_start3A_179] : memref<256x32xf32, #tpu.memory_space<vmem>> -> memref<128x32xf32, #tpu.memory_space<vmem>>
          %dma_start3A_181 = arith.constant 0 : i32
          %dma_start3A_182 = tpu.memref_slice %arg6[%dma_start3A_176, %dma_start3A_177, %dma_start3A_181] : memref<2x2x128xi32, #tpu.memory_space<vmem>> -> memref<1x1x128xi32, #tpu.memory_space<vmem>>
          %dma_start3A_183 = tpu.memref_squeeze %dma_start3A_182 : memref<1x1x128xi32, #tpu.memory_space<vmem>> -> memref<128xi32, #tpu.memory_space<vmem>>
          %dma_start3A_184 = arith.constant 0 : i32
          %dma_start3A_185 = arith.constant 0 : i32
          %dma_start3A_186 = tpu.memref_slice %arg16[%dma_start3A_184, %dma_start3A_185] : memref<50176x32xf32, #tpu.memory_space<vmem_shared>> -> memref<50176x32xf32, #tpu.memory_space<vmem_shared>>
          tpu.enqueue_indirect_dma source(%dma_start3A_180 : memref<128x32xf32, #tpu.memory_space<vmem>>) target(%dma_start3A_186 : memref<50176x32xf32, #tpu.memory_space<vmem_shared>>) offsets(%dma_start3A_183 : memref<128xi32, #tpu.memory_space<vmem>>) semaphore(%arg19 : memref<!tpu.dma_semaphore, #tpu.memory_space<semaphore_mem>>) {add = true}
          %dma_start3A_187 = arith.constant 1 : i32
          %dma_start3A_188 = arith.constant 1 : i32
          %dma_start3A_189 = arith.constant 128 : i32
          %dma_start3A_190 = arith.constant 0 : i32
          %dma_start3A_191 = tpu.memref_slice %arg10[%dma_start3A_189, %dma_start3A_190] : memref<256x32xf32, #tpu.memory_space<vmem>> -> memref<128x32xf32, #tpu.memory_space<vmem>>
          %dma_start3A_192 = arith.constant 0 : i32
          %dma_start3A_193 = tpu.memref_slice %arg6[%dma_start3A_187, %dma_start3A_188, %dma_start3A_192] : memref<2x2x128xi32, #tpu.memory_space<vmem>> -> memref<1x1x128xi32, #tpu.memory_space<vmem>>
          %dma_start3A_194 = tpu.memref_squeeze %dma_start3A_193 : memref<1x1x128xi32, #tpu.memory_space<vmem>> -> memref<128xi32, #tpu.memory_space<vmem>>
          %dma_start3A_195 = arith.constant 0 : i32
          %dma_start3A_196 = arith.constant 0 : i32
          %dma_start3A_197 = tpu.memref_slice %arg16[%dma_start3A_195, %dma_start3A_196] : memref<50176x32xf32, #tpu.memory_space<vmem_shared>> -> memref<50176x32xf32, #tpu.memory_space<vmem_shared>>
          tpu.enqueue_indirect_dma source(%dma_start3A_191 : memref<128x32xf32, #tpu.memory_space<vmem>>) target(%dma_start3A_197 : memref<50176x32xf32, #tpu.memory_space<vmem_shared>>) offsets(%dma_start3A_194 : memref<128xi32, #tpu.memory_space<vmem>>) semaphore(%arg19 : memref<!tpu.dma_semaphore, #tpu.memory_space<semaphore_mem>>) {add = true}
        } else {
        }
        %eq3A_134 = arith.constant 4 : i32
        %eq3A_135 = arith.cmpi eq, %select_n3A_115, %eq3A_134 : i32
        %convert_element_type3A_136 = arith.extui %eq3A_135 : i1 to i32
        %cond3A_137 = arith.constant 0 : i32
        %cond3A_138 = arith.cmpi ne, %convert_element_type3A_136, %cond3A_137 : i32
        scf.if %cond3A_138 {
          %add3A_145 = arith.constant 1 : i32
          %add3A_146 = arith.addi %scan3A_105, %add3A_145 : i32
          %lt3A_147 = arith.constant 200 : i32
          %lt3A_148 = arith.cmpi slt, %add3A_146, %lt3A_147 : i32
          %convert_element_type3A_149 = arith.extui %lt3A_148 : i1 to i32
          %cond3A_150 = arith.constant 0 : i32
          %cond3A_151 = arith.cmpi ne, %convert_element_type3A_149, %cond3A_150 : i32
          scf.if %cond3A_151 {
            %add3A_198 = arith.constant 1 : i32
            %add3A_199 = arith.addi %scan3A_105, %add3A_198 : i32
            %mul3A_200 = arith.constant 2 : i32
            %mul3A_201 = arith.muli %add3A_199, %mul3A_200 : i32
            %add3A_202 = arith.addi %mul3A_2, %mul3A_201 : i32
            %dma_wait3A_203 = arith.constant 0 : i32
            %dma_wait3A_204 = arith.constant 0 : i32
            %dma_wait3A_205 = tpu.memref_slice %arg3[%arg0, %add3A_202, %dma_wait3A_203, %dma_wait3A_204] : memref<2x6400x2x128xi32, #tpu.memory_space<hbm>> -> memref<1x2x2x128xi32, #tpu.memory_space<hbm>>
            %dma_wait3A_206 = tpu.memref_squeeze %dma_wait3A_205 : memref<1x2x2x128xi32, #tpu.memory_space<hbm>> -> memref<2x2x128xi32, #tpu.memory_space<hbm>>
            %dma_wait3A_207 = arith.constant 0 : i32
            %dma_wait3A_208 = arith.constant 0 : i32
            %dma_wait3A_209 = tpu.memref_slice %arg3[%arg0, %add3A_202, %dma_wait3A_207, %dma_wait3A_208] : memref<2x6400x2x128xi32, #tpu.memory_space<hbm>> -> memref<1x2x2x128xi32, #tpu.memory_space<hbm>>
            %dma_wait3A_210 = tpu.memref_squeeze %dma_wait3A_209 : memref<1x2x2x128xi32, #tpu.memory_space<hbm>> -> memref<2x2x128xi32, #tpu.memory_space<hbm>>
            tpu.wait_dma2 semaphore(%arg17 : memref<!tpu.dma_semaphore, #tpu.memory_space<semaphore_mem>>) src(%dma_wait3A_210 : memref<2x2x128xi32, #tpu.memory_space<hbm>>) dst(%arg8 : memref<2x2x128xi32, #tpu.memory_space<vmem>>)
          } else {
          }
          %ge3A = arith.constant 1 : i32
          %ge3A_152 = arith.cmpi sge, %scan3A_105, %ge3A : i32
          %convert_element_type3A_153 = arith.extui %ge3A_152 : i1 to i32
          %cond3A_154 = arith.constant 0 : i32
          %cond3A_155 = arith.cmpi ne, %convert_element_type3A_153, %cond3A_154 : i32
          scf.if %cond3A_155 {
            %dma_wait3A_198 = arith.constant 0 : i32
            %dma_wait3A_199 = arith.constant 0 : i32
            %dma_wait3A_200 = tpu.memref_slice %arg16[%dma_wait3A_198, %dma_wait3A_199] : memref<50176x32xf32, #tpu.memory_space<vmem_shared>> -> memref<256x32xf32, #tpu.memory_space<vmem_shared>>
            %dma_wait3A_201 = arith.constant 0 : i32
            %dma_wait3A_202 = arith.constant 0 : i32
            %dma_wait3A_203 = tpu.memref_slice %arg16[%dma_wait3A_201, %dma_wait3A_202] : memref<50176x32xf32, #tpu.memory_space<vmem_shared>> -> memref<256x32xf32, #tpu.memory_space<vmem_shared>>
            tpu.wait_dma2 semaphore(%arg19 : memref<!tpu.dma_semaphore, #tpu.memory_space<semaphore_mem>>) src(%arg10 : memref<256x32xf32, #tpu.memory_space<vmem>>) dst(%dma_wait3A_203 : memref<256x32xf32, #tpu.memory_space<vmem_shared>>)
          } else {
          }
          %add3A_156 = arith.constant 1 : i32
          %add3A_157 = arith.addi %scan3A_105, %add3A_156 : i32
          %lt3A_158 = arith.constant 200 : i32
          %lt3A_159 = arith.cmpi slt, %add3A_157, %lt3A_158 : i32
          %convert_element_type3A_160 = arith.extui %lt3A_159 : i1 to i32
          %cond3A_161 = arith.constant 0 : i32
          %cond3A_162 = arith.cmpi ne, %convert_element_type3A_160, %cond3A_161 : i32
          scf.if %cond3A_162 {
            %dma_start3A_198 = arith.constant 0 : i32
            %dma_start3A_199 = arith.constant 0 : i32
            %dma_start3A_200 = arith.constant 0 : i32
            %dma_start3A_201 = arith.constant 0 : i32
            %dma_start3A_202 = tpu.memref_slice %arg10[%dma_start3A_200, %dma_start3A_201] : memref<256x32xf32, #tpu.memory_space<vmem>> -> memref<128x32xf32, #tpu.memory_space<vmem>>
            %dma_start3A_203 = arith.constant 0 : i32
            %dma_start3A_204 = tpu.memref_slice %arg8[%dma_start3A_198, %dma_start3A_199, %dma_start3A_203] : memref<2x2x128xi32, #tpu.memory_space<vmem>> -> memref<1x1x128xi32, #tpu.memory_space<vmem>>
            %dma_start3A_205 = tpu.memref_squeeze %dma_start3A_204 : memref<1x1x128xi32, #tpu.memory_space<vmem>> -> memref<128xi32, #tpu.memory_space<vmem>>
            %dma_start3A_206 = arith.constant 0 : i32
            %dma_start3A_207 = arith.constant 0 : i32
            %dma_start3A_208 = tpu.memref_slice %arg5[%dma_start3A_206, %dma_start3A_207] : memref<100352x32xf32, #tpu.memory_space<hbm>> -> memref<100352x32xf32, #tpu.memory_space<hbm>>
            tpu.enqueue_indirect_dma source(%dma_start3A_208 : memref<100352x32xf32, #tpu.memory_space<hbm>>) target(%dma_start3A_202 : memref<128x32xf32, #tpu.memory_space<vmem>>) offsets(%dma_start3A_205 : memref<128xi32, #tpu.memory_space<vmem>>) semaphore(%arg18 : memref<!tpu.dma_semaphore, #tpu.memory_space<semaphore_mem>>)
            %dma_start3A_209 = arith.constant 1 : i32
            %dma_start3A_210 = arith.constant 0 : i32
            %dma_start3A_211 = arith.constant 128 : i32
            %dma_start3A_212 = arith.constant 0 : i32
            %dma_start3A_213 = tpu.memref_slice %arg10[%dma_start3A_211, %dma_start3A_212] : memref<256x32xf32, #tpu.memory_space<vmem>> -> memref<128x32xf32, #tpu.memory_space<vmem>>
            %dma_start3A_214 = arith.constant 0 : i32
            %dma_start3A_215 = tpu.memref_slice %arg8[%dma_start3A_209, %dma_start3A_210, %dma_start3A_214] : memref<2x2x128xi32, #tpu.memory_space<vmem>> -> memref<1x1x128xi32, #tpu.memory_space<vmem>>
            %dma_start3A_216 = tpu.memref_squeeze %dma_start3A_215 : memref<1x1x128xi32, #tpu.memory_space<vmem>> -> memref<128xi32, #tpu.memory_space<vmem>>
            %dma_start3A_217 = arith.constant 0 : i32
            %dma_start3A_218 = arith.constant 0 : i32
            %dma_start3A_219 = tpu.memref_slice %arg5[%dma_start3A_217, %dma_start3A_218] : memref<100352x32xf32, #tpu.memory_space<hbm>> -> memref<100352x32xf32, #tpu.memory_space<hbm>>
            tpu.enqueue_indirect_dma source(%dma_start3A_219 : memref<100352x32xf32, #tpu.memory_space<hbm>>) target(%dma_start3A_213 : memref<128x32xf32, #tpu.memory_space<vmem>>) offsets(%dma_start3A_216 : memref<128xi32, #tpu.memory_space<vmem>>) semaphore(%arg18 : memref<!tpu.dma_semaphore, #tpu.memory_space<semaphore_mem>>)
          } else {
          }
          %add3A_163 = arith.constant 2 : i32
          %add3A_164 = arith.addi %scan3A_105, %add3A_163 : i32
          %lt3A_165 = arith.constant 200 : i32
          %lt3A_166 = arith.cmpi slt, %add3A_164, %lt3A_165 : i32
          %convert_element_type3A_167 = arith.extui %lt3A_166 : i1 to i32
          %cond3A_168 = arith.constant 0 : i32
          %cond3A_169 = arith.cmpi ne, %convert_element_type3A_167, %cond3A_168 : i32
          scf.if %cond3A_169 {
            %add3A_198 = arith.constant 2 : i32
            %add3A_199 = arith.addi %scan3A_105, %add3A_198 : i32
            %mul3A_200 = arith.constant 2 : i32
            %mul3A_201 = arith.muli %add3A_199, %mul3A_200 : i32
            %add3A_202 = arith.addi %mul3A_2, %mul3A_201 : i32
            %dma_start3A_203 = arith.constant 0 : i32
            %dma_start3A_204 = arith.constant 0 : i32
            %dma_start3A_205 = tpu.memref_slice %arg3[%arg0, %add3A_202, %dma_start3A_203, %dma_start3A_204] : memref<2x6400x2x128xi32, #tpu.memory_space<hbm>> -> memref<1x2x2x128xi32, #tpu.memory_space<hbm>>
            %dma_start3A_206 = tpu.memref_squeeze %dma_start3A_205 : memref<1x2x2x128xi32, #tpu.memory_space<hbm>> -> memref<2x2x128xi32, #tpu.memory_space<hbm>>
            %dma_start3A_207 = arith.constant 0 : i32
            %dma_start3A_208 = arith.constant 0 : i32
            %dma_start3A_209 = tpu.memref_slice %arg3[%arg0, %add3A_202, %dma_start3A_207, %dma_start3A_208] : memref<2x6400x2x128xi32, #tpu.memory_space<hbm>> -> memref<1x2x2x128xi32, #tpu.memory_space<hbm>>
            %dma_start3A_210 = tpu.memref_squeeze %dma_start3A_209 : memref<1x2x2x128xi32, #tpu.memory_space<hbm>> -> memref<2x2x128xi32, #tpu.memory_space<hbm>>
            tpu.enqueue_dma source(%dma_start3A_210 : memref<2x2x128xi32, #tpu.memory_space<hbm>>) target(%arg6 : memref<2x2x128xi32, #tpu.memory_space<vmem>>) target_semaphore(%arg17 : memref<!tpu.dma_semaphore, #tpu.memory_space<semaphore_mem>>)
          } else {
          }
          %dma_wait3A_170 = arith.constant 0 : i32
          %dma_wait3A_171 = arith.constant 0 : i32
          %dma_wait3A_172 = tpu.memref_slice %arg5[%dma_wait3A_170, %dma_wait3A_171] : memref<100352x32xf32, #tpu.memory_space<hbm>> -> memref<256x32xf32, #tpu.memory_space<hbm>>
          %dma_wait3A_173 = arith.constant 0 : i32
          %dma_wait3A_174 = arith.constant 0 : i32
          %dma_wait3A_175 = tpu.memref_slice %arg5[%dma_wait3A_173, %dma_wait3A_174] : memref<100352x32xf32, #tpu.memory_space<hbm>> -> memref<256x32xf32, #tpu.memory_space<hbm>>
          tpu.wait_dma2 semaphore(%arg18 : memref<!tpu.dma_semaphore, #tpu.memory_space<semaphore_mem>>) src(%dma_wait3A_175 : memref<256x32xf32, #tpu.memory_space<hbm>>) dst(%arg9 : memref<256x32xf32, #tpu.memory_space<vmem>>)
          %dma_start3A_176 = arith.constant 0 : i32
          %dma_start3A_177 = arith.constant 1 : i32
          %dma_start3A_178 = arith.constant 0 : i32
          %dma_start3A_179 = arith.constant 0 : i32
          %dma_start3A_180 = tpu.memref_slice %arg9[%dma_start3A_178, %dma_start3A_179] : memref<256x32xf32, #tpu.memory_space<vmem>> -> memref<128x32xf32, #tpu.memory_space<vmem>>
          %dma_start3A_181 = arith.constant 0 : i32
          %dma_start3A_182 = tpu.memref_slice %arg7[%dma_start3A_176, %dma_start3A_177, %dma_start3A_181] : memref<2x2x128xi32, #tpu.memory_space<vmem>> -> memref<1x1x128xi32, #tpu.memory_space<vmem>>
          %dma_start3A_183 = tpu.memref_squeeze %dma_start3A_182 : memref<1x1x128xi32, #tpu.memory_space<vmem>> -> memref<128xi32, #tpu.memory_space<vmem>>
          %dma_start3A_184 = arith.constant 0 : i32
          %dma_start3A_185 = arith.constant 0 : i32
          %dma_start3A_186 = tpu.memref_slice %arg16[%dma_start3A_184, %dma_start3A_185] : memref<50176x32xf32, #tpu.memory_space<vmem_shared>> -> memref<50176x32xf32, #tpu.memory_space<vmem_shared>>
          tpu.enqueue_indirect_dma source(%dma_start3A_180 : memref<128x32xf32, #tpu.memory_space<vmem>>) target(%dma_start3A_186 : memref<50176x32xf32, #tpu.memory_space<vmem_shared>>) offsets(%dma_start3A_183 : memref<128xi32, #tpu.memory_space<vmem>>) semaphore(%arg19 : memref<!tpu.dma_semaphore, #tpu.memory_space<semaphore_mem>>) {add = true}
          %dma_start3A_187 = arith.constant 1 : i32
          %dma_start3A_188 = arith.constant 1 : i32
          %dma_start3A_189 = arith.constant 128 : i32
          %dma_start3A_190 = arith.constant 0 : i32
          %dma_start3A_191 = tpu.memref_slice %arg9[%dma_start3A_189, %dma_start3A_190] : memref<256x32xf32, #tpu.memory_space<vmem>> -> memref<128x32xf32, #tpu.memory_space<vmem>>
          %dma_start3A_192 = arith.constant 0 : i32
          %dma_start3A_193 = tpu.memref_slice %arg7[%dma_start3A_187, %dma_start3A_188, %dma_start3A_192] : memref<2x2x128xi32, #tpu.memory_space<vmem>> -> memref<1x1x128xi32, #tpu.memory_space<vmem>>
          %dma_start3A_194 = tpu.memref_squeeze %dma_start3A_193 : memref<1x1x128xi32, #tpu.memory_space<vmem>> -> memref<128xi32, #tpu.memory_space<vmem>>
          %dma_start3A_195 = arith.constant 0 : i32
          %dma_start3A_196 = arith.constant 0 : i32
          %dma_start3A_197 = tpu.memref_slice %arg16[%dma_start3A_195, %dma_start3A_196] : memref<50176x32xf32, #tpu.memory_space<vmem_shared>> -> memref<50176x32xf32, #tpu.memory_space<vmem_shared>>
          tpu.enqueue_indirect_dma source(%dma_start3A_191 : memref<128x32xf32, #tpu.memory_space<vmem>>) target(%dma_start3A_197 : memref<50176x32xf32, #tpu.memory_space<vmem_shared>>) offsets(%dma_start3A_194 : memref<128xi32, #tpu.memory_space<vmem>>) semaphore(%arg19 : memref<!tpu.dma_semaphore, #tpu.memory_space<semaphore_mem>>) {add = true}
        } else {
        }
        %eq3A_139 = arith.constant 5 : i32
        %eq3A_140 = arith.cmpi eq, %select_n3A_115, %eq3A_139 : i32
        %convert_element_type3A_141 = arith.extui %eq3A_140 : i1 to i32
        %cond3A_142 = arith.constant 0 : i32
        %cond3A_143 = arith.cmpi ne, %convert_element_type3A_141, %cond3A_142 : i32
        scf.if %cond3A_143 {
          %add3A_145 = arith.constant 1 : i32
          %add3A_146 = arith.addi %scan3A_105, %add3A_145 : i32
          %lt3A_147 = arith.constant 200 : i32
          %lt3A_148 = arith.cmpi slt, %add3A_146, %lt3A_147 : i32
          %convert_element_type3A_149 = arith.extui %lt3A_148 : i1 to i32
          %cond3A_150 = arith.constant 0 : i32
          %cond3A_151 = arith.cmpi ne, %convert_element_type3A_149, %cond3A_150 : i32
          scf.if %cond3A_151 {
            %add3A_198 = arith.constant 1 : i32
            %add3A_199 = arith.addi %scan3A_105, %add3A_198 : i32
            %mul3A_200 = arith.constant 2 : i32
            %mul3A_201 = arith.muli %add3A_199, %mul3A_200 : i32
            %add3A_202 = arith.addi %mul3A_2, %mul3A_201 : i32
            %dma_wait3A_203 = arith.constant 0 : i32
            %dma_wait3A_204 = arith.constant 0 : i32
            %dma_wait3A_205 = tpu.memref_slice %arg3[%arg0, %add3A_202, %dma_wait3A_203, %dma_wait3A_204] : memref<2x6400x2x128xi32, #tpu.memory_space<hbm>> -> memref<1x2x2x128xi32, #tpu.memory_space<hbm>>
            %dma_wait3A_206 = tpu.memref_squeeze %dma_wait3A_205 : memref<1x2x2x128xi32, #tpu.memory_space<hbm>> -> memref<2x2x128xi32, #tpu.memory_space<hbm>>
            %dma_wait3A_207 = arith.constant 0 : i32
            %dma_wait3A_208 = arith.constant 0 : i32
            %dma_wait3A_209 = tpu.memref_slice %arg3[%arg0, %add3A_202, %dma_wait3A_207, %dma_wait3A_208] : memref<2x6400x2x128xi32, #tpu.memory_space<hbm>> -> memref<1x2x2x128xi32, #tpu.memory_space<hbm>>
            %dma_wait3A_210 = tpu.memref_squeeze %dma_wait3A_209 : memref<1x2x2x128xi32, #tpu.memory_space<hbm>> -> memref<2x2x128xi32, #tpu.memory_space<hbm>>
            tpu.wait_dma2 semaphore(%arg17 : memref<!tpu.dma_semaphore, #tpu.memory_space<semaphore_mem>>) src(%dma_wait3A_210 : memref<2x2x128xi32, #tpu.memory_space<hbm>>) dst(%arg6 : memref<2x2x128xi32, #tpu.memory_space<vmem>>)
          } else {
          }
          %ge3A = arith.constant 1 : i32
          %ge3A_152 = arith.cmpi sge, %scan3A_105, %ge3A : i32
          %convert_element_type3A_153 = arith.extui %ge3A_152 : i1 to i32
          %cond3A_154 = arith.constant 0 : i32
          %cond3A_155 = arith.cmpi ne, %convert_element_type3A_153, %cond3A_154 : i32
          scf.if %cond3A_155 {
            %dma_wait3A_198 = arith.constant 0 : i32
            %dma_wait3A_199 = arith.constant 0 : i32
            %dma_wait3A_200 = tpu.memref_slice %arg16[%dma_wait3A_198, %dma_wait3A_199] : memref<50176x32xf32, #tpu.memory_space<vmem_shared>> -> memref<256x32xf32, #tpu.memory_space<vmem_shared>>
            %dma_wait3A_201 = arith.constant 0 : i32
            %dma_wait3A_202 = arith.constant 0 : i32
            %dma_wait3A_203 = tpu.memref_slice %arg16[%dma_wait3A_201, %dma_wait3A_202] : memref<50176x32xf32, #tpu.memory_space<vmem_shared>> -> memref<256x32xf32, #tpu.memory_space<vmem_shared>>
            tpu.wait_dma2 semaphore(%arg19 : memref<!tpu.dma_semaphore, #tpu.memory_space<semaphore_mem>>) src(%arg9 : memref<256x32xf32, #tpu.memory_space<vmem>>) dst(%dma_wait3A_203 : memref<256x32xf32, #tpu.memory_space<vmem_shared>>)
          } else {
          }
          %add3A_156 = arith.constant 1 : i32
          %add3A_157 = arith.addi %scan3A_105, %add3A_156 : i32
          %lt3A_158 = arith.constant 200 : i32
          %lt3A_159 = arith.cmpi slt, %add3A_157, %lt3A_158 : i32
          %convert_element_type3A_160 = arith.extui %lt3A_159 : i1 to i32
          %cond3A_161 = arith.constant 0 : i32
          %cond3A_162 = arith.cmpi ne, %convert_element_type3A_160, %cond3A_161 : i32
          scf.if %cond3A_162 {
            %dma_start3A_198 = arith.constant 0 : i32
            %dma_start3A_199 = arith.constant 0 : i32
            %dma_start3A_200 = arith.constant 0 : i32
            %dma_start3A_201 = arith.constant 0 : i32
            %dma_start3A_202 = tpu.memref_slice %arg9[%dma_start3A_200, %dma_start3A_201] : memref<256x32xf32, #tpu.memory_space<vmem>> -> memref<128x32xf32, #tpu.memory_space<vmem>>
            %dma_start3A_203 = arith.constant 0 : i32
            %dma_start3A_204 = tpu.memref_slice %arg6[%dma_start3A_198, %dma_start3A_199, %dma_start3A_203] : memref<2x2x128xi32, #tpu.memory_space<vmem>> -> memref<1x1x128xi32, #tpu.memory_space<vmem>>
            %dma_start3A_205 = tpu.memref_squeeze %dma_start3A_204 : memref<1x1x128xi32, #tpu.memory_space<vmem>> -> memref<128xi32, #tpu.memory_space<vmem>>
            %dma_start3A_206 = arith.constant 0 : i32
            %dma_start3A_207 = arith.constant 0 : i32
            %dma_start3A_208 = tpu.memref_slice %arg5[%dma_start3A_206, %dma_start3A_207] : memref<100352x32xf32, #tpu.memory_space<hbm>> -> memref<100352x32xf32, #tpu.memory_space<hbm>>
            tpu.enqueue_indirect_dma source(%dma_start3A_208 : memref<100352x32xf32, #tpu.memory_space<hbm>>) target(%dma_start3A_202 : memref<128x32xf32, #tpu.memory_space<vmem>>) offsets(%dma_start3A_205 : memref<128xi32, #tpu.memory_space<vmem>>) semaphore(%arg18 : memref<!tpu.dma_semaphore, #tpu.memory_space<semaphore_mem>>)
            %dma_start3A_209 = arith.constant 1 : i32
            %dma_start3A_210 = arith.constant 0 : i32
            %dma_start3A_211 = arith.constant 128 : i32
            %dma_start3A_212 = arith.constant 0 : i32
            %dma_start3A_213 = tpu.memref_slice %arg9[%dma_start3A_211, %dma_start3A_212] : memref<256x32xf32, #tpu.memory_space<vmem>> -> memref<128x32xf32, #tpu.memory_space<vmem>>
            %dma_start3A_214 = arith.constant 0 : i32
            %dma_start3A_215 = tpu.memref_slice %arg6[%dma_start3A_209, %dma_start3A_210, %dma_start3A_214] : memref<2x2x128xi32, #tpu.memory_space<vmem>> -> memref<1x1x128xi32, #tpu.memory_space<vmem>>
            %dma_start3A_216 = tpu.memref_squeeze %dma_start3A_215 : memref<1x1x128xi32, #tpu.memory_space<vmem>> -> memref<128xi32, #tpu.memory_space<vmem>>
            %dma_start3A_217 = arith.constant 0 : i32
            %dma_start3A_218 = arith.constant 0 : i32
            %dma_start3A_219 = tpu.memref_slice %arg5[%dma_start3A_217, %dma_start3A_218] : memref<100352x32xf32, #tpu.memory_space<hbm>> -> memref<100352x32xf32, #tpu.memory_space<hbm>>
            tpu.enqueue_indirect_dma source(%dma_start3A_219 : memref<100352x32xf32, #tpu.memory_space<hbm>>) target(%dma_start3A_213 : memref<128x32xf32, #tpu.memory_space<vmem>>) offsets(%dma_start3A_216 : memref<128xi32, #tpu.memory_space<vmem>>) semaphore(%arg18 : memref<!tpu.dma_semaphore, #tpu.memory_space<semaphore_mem>>)
          } else {
          }
          %add3A_163 = arith.constant 2 : i32
          %add3A_164 = arith.addi %scan3A_105, %add3A_163 : i32
          %lt3A_165 = arith.constant 200 : i32
          %lt3A_166 = arith.cmpi slt, %add3A_164, %lt3A_165 : i32
          %convert_element_type3A_167 = arith.extui %lt3A_166 : i1 to i32
          %cond3A_168 = arith.constant 0 : i32
          %cond3A_169 = arith.cmpi ne, %convert_element_type3A_167, %cond3A_168 : i32
          scf.if %cond3A_169 {
            %add3A_198 = arith.constant 2 : i32
            %add3A_199 = arith.addi %scan3A_105, %add3A_198 : i32
            %mul3A_200 = arith.constant 2 : i32
            %mul3A_201 = arith.muli %add3A_199, %mul3A_200 : i32
            %add3A_202 = arith.addi %mul3A_2, %mul3A_201 : i32
            %dma_start3A_203 = arith.constant 0 : i32
            %dma_start3A_204 = arith.constant 0 : i32
            %dma_start3A_205 = tpu.memref_slice %arg3[%arg0, %add3A_202, %dma_start3A_203, %dma_start3A_204] : memref<2x6400x2x128xi32, #tpu.memory_space<hbm>> -> memref<1x2x2x128xi32, #tpu.memory_space<hbm>>
            %dma_start3A_206 = tpu.memref_squeeze %dma_start3A_205 : memref<1x2x2x128xi32, #tpu.memory_space<hbm>> -> memref<2x2x128xi32, #tpu.memory_space<hbm>>
            %dma_start3A_207 = arith.constant 0 : i32
            %dma_start3A_208 = arith.constant 0 : i32
            %dma_start3A_209 = tpu.memref_slice %arg3[%arg0, %add3A_202, %dma_start3A_207, %dma_start3A_208] : memref<2x6400x2x128xi32, #tpu.memory_space<hbm>> -> memref<1x2x2x128xi32, #tpu.memory_space<hbm>>
            %dma_start3A_210 = tpu.memref_squeeze %dma_start3A_209 : memref<1x2x2x128xi32, #tpu.memory_space<hbm>> -> memref<2x2x128xi32, #tpu.memory_space<hbm>>
            tpu.enqueue_dma source(%dma_start3A_210 : memref<2x2x128xi32, #tpu.memory_space<hbm>>) target(%arg7 : memref<2x2x128xi32, #tpu.memory_space<vmem>>) target_semaphore(%arg17 : memref<!tpu.dma_semaphore, #tpu.memory_space<semaphore_mem>>)
          } else {
          }
          %dma_wait3A_170 = arith.constant 0 : i32
          %dma_wait3A_171 = arith.constant 0 : i32
          %dma_wait3A_172 = tpu.memref_slice %arg5[%dma_wait3A_170, %dma_wait3A_171] : memref<100352x32xf32, #tpu.memory_space<hbm>> -> memref<256x32xf32, #tpu.memory_space<hbm>>
          %dma_wait3A_173 = arith.constant 0 : i32
          %dma_wait3A_174 = arith.constant 0 : i32
          %dma_wait3A_175 = tpu.memref_slice %arg5[%dma_wait3A_173, %dma_wait3A_174] : memref<100352x32xf32, #tpu.memory_space<hbm>> -> memref<256x32xf32, #tpu.memory_space<hbm>>
          tpu.wait_dma2 semaphore(%arg18 : memref<!tpu.dma_semaphore, #tpu.memory_space<semaphore_mem>>) src(%dma_wait3A_175 : memref<256x32xf32, #tpu.memory_space<hbm>>) dst(%arg10 : memref<256x32xf32, #tpu.memory_space<vmem>>)
          %dma_start3A_176 = arith.constant 0 : i32
          %dma_start3A_177 = arith.constant 1 : i32
          %dma_start3A_178 = arith.constant 0 : i32
          %dma_start3A_179 = arith.constant 0 : i32
          %dma_start3A_180 = tpu.memref_slice %arg10[%dma_start3A_178, %dma_start3A_179] : memref<256x32xf32, #tpu.memory_space<vmem>> -> memref<128x32xf32, #tpu.memory_space<vmem>>
          %dma_start3A_181 = arith.constant 0 : i32
          %dma_start3A_182 = tpu.memref_slice %arg8[%dma_start3A_176, %dma_start3A_177, %dma_start3A_181] : memref<2x2x128xi32, #tpu.memory_space<vmem>> -> memref<1x1x128xi32, #tpu.memory_space<vmem>>
          %dma_start3A_183 = tpu.memref_squeeze %dma_start3A_182 : memref<1x1x128xi32, #tpu.memory_space<vmem>> -> memref<128xi32, #tpu.memory_space<vmem>>
          %dma_start3A_184 = arith.constant 0 : i32
          %dma_start3A_185 = arith.constant 0 : i32
          %dma_start3A_186 = tpu.memref_slice %arg16[%dma_start3A_184, %dma_start3A_185] : memref<50176x32xf32, #tpu.memory_space<vmem_shared>> -> memref<50176x32xf32, #tpu.memory_space<vmem_shared>>
          tpu.enqueue_indirect_dma source(%dma_start3A_180 : memref<128x32xf32, #tpu.memory_space<vmem>>) target(%dma_start3A_186 : memref<50176x32xf32, #tpu.memory_space<vmem_shared>>) offsets(%dma_start3A_183 : memref<128xi32, #tpu.memory_space<vmem>>) semaphore(%arg19 : memref<!tpu.dma_semaphore, #tpu.memory_space<semaphore_mem>>) {add = true}
          %dma_start3A_187 = arith.constant 1 : i32
          %dma_start3A_188 = arith.constant 1 : i32
          %dma_start3A_189 = arith.constant 128 : i32
          %dma_start3A_190 = arith.constant 0 : i32
          %dma_start3A_191 = tpu.memref_slice %arg10[%dma_start3A_189, %dma_start3A_190] : memref<256x32xf32, #tpu.memory_space<vmem>> -> memref<128x32xf32, #tpu.memory_space<vmem>>
          %dma_start3A_192 = arith.constant 0 : i32
          %dma_start3A_193 = tpu.memref_slice %arg8[%dma_start3A_187, %dma_start3A_188, %dma_start3A_192] : memref<2x2x128xi32, #tpu.memory_space<vmem>> -> memref<1x1x128xi32, #tpu.memory_space<vmem>>
          %dma_start3A_194 = tpu.memref_squeeze %dma_start3A_193 : memref<1x1x128xi32, #tpu.memory_space<vmem>> -> memref<128xi32, #tpu.memory_space<vmem>>
          %dma_start3A_195 = arith.constant 0 : i32
          %dma_start3A_196 = arith.constant 0 : i32
          %dma_start3A_197 = tpu.memref_slice %arg16[%dma_start3A_195, %dma_start3A_196] : memref<50176x32xf32, #tpu.memory_space<vmem_shared>> -> memref<50176x32xf32, #tpu.memory_space<vmem_shared>>
          tpu.enqueue_indirect_dma source(%dma_start3A_191 : memref<128x32xf32, #tpu.memory_space<vmem>>) target(%dma_start3A_197 : memref<50176x32xf32, #tpu.memory_space<vmem_shared>>) offsets(%dma_start3A_194 : memref<128xi32, #tpu.memory_space<vmem>>) semaphore(%arg19 : memref<!tpu.dma_semaphore, #tpu.memory_space<semaphore_mem>>) {add = true}
        } else {
        }
        %scan3A_144 = arith.constant 0 : i32
        scf.yield %scan3A_144 : i32
      }
      %scan3A_75 = arith.constant 200 : i32
      %dma_wait3A_76 = arith.constant 0 : i32
      %dma_wait3A_77 = arith.constant 0 : i32
      %dma_wait3A_78 = tpu.memref_slice %arg16[%dma_wait3A_76, %dma_wait3A_77] : memref<50176x32xf32, #tpu.memory_space<vmem_shared>> -> memref<256x32xf32, #tpu.memory_space<vmem_shared>>
      %dma_wait3A_79 = arith.constant 0 : i32
      %dma_wait3A_80 = arith.constant 0 : i32
      %dma_wait3A_81 = tpu.memref_slice %arg16[%dma_wait3A_79, %dma_wait3A_80] : memref<50176x32xf32, #tpu.memory_space<vmem_shared>> -> memref<256x32xf32, #tpu.memory_space<vmem_shared>>
      tpu.wait_dma2 semaphore(%arg19 : memref<!tpu.dma_semaphore, #tpu.memory_space<semaphore_mem>>) src(%arg10 : memref<256x32xf32, #tpu.memory_space<vmem>>) dst(%dma_wait3A_81 : memref<256x32xf32, #tpu.memory_space<vmem_shared>>)
      %barrier3A_82 = arith.constant 0 : index
      tpu.barrier barrier_id(%barrier3A_82)
      "tpu.trace_stop"() : () -> ()
      "tpu.trace_start"() <{level = 10 : i32, message = "phaseC"}> : () -> ()
      %add3A_83 = arith.constant 0 : i32
      %add3A_84 = arith.addi %mul3A_0, %add3A_83 : i32
      %add3A_85 = arith.addi %mul3A_4, %add3A_84 : i32
      %dma_start3A_86 = arith.constant 0 : i32
      %dma_start3A_87 = tpu.memref_slice %arg2[%add3A_85, %dma_start3A_86] : memref<100352x32xf32, #tpu.memory_space<hbm>> -> memref<49x32xf32, #tpu.memory_space<hbm>>
      %dma_start3A_88 = arith.constant 0 : i32
      %dma_start3A_89 = tpu.memref_slice %arg2[%add3A_85, %dma_start3A_88] : memref<100352x32xf32, #tpu.memory_space<hbm>> -> memref<49x32xf32, #tpu.memory_space<hbm>>
      tpu.enqueue_dma source(%dma_start3A_89 : memref<49x32xf32, #tpu.memory_space<hbm>>) target(%arg13 : memref<49x32xf32, #tpu.memory_space<vmem>>) target_semaphore(%arg20 : memref<!tpu.dma_semaphore, #tpu.memory_space<semaphore_mem>>)
      %scan3A_90 = arith.constant 0 : i32
      %scan3A_91 = arith.constant 0 : i32
      %scan3A_92 = arith.constant 64 : i32
      %scan3A_93 = arith.addi %scan3A_91, %scan3A_92 : i32
      %scan3A_94 = arith.constant 1 : i32
      %scan3A_95 = scf.for %scan3A_105 = %scan3A_91 to %scan3A_93 step %scan3A_94 iter_args(%scan3A_106 = %scan3A_90) -> (i32)  : i32 {
        %jit3A = arith.constant 2 : i32
        %eq3A = arith.constant 0 : i32
        %eq3A_107 = arith.cmpi eq, %jit3A, %eq3A : i32
        %jit3A_108 = arith.constant 1 : i32
        %select_n3A = arith.select %eq3A_107, %jit3A_108, %jit3A : i32
        %rem3A = arith.remsi %scan3A_105, %select_n3A : i32
        %ne3A = arith.constant 0 : i32
        %ne3A_109 = arith.cmpi ne, %rem3A, %ne3A : i32
        %lt3A = arith.constant 0 : i32
        %lt3A_110 = arith.cmpi slt, %rem3A, %lt3A : i32
        %lt3A_111 = arith.constant 0 : i32
        %lt3A_112 = arith.cmpi slt, %select_n3A, %lt3A_111 : i32
        %ne3A_113 = arith.xori %lt3A_110, %lt3A_112 : i1
        %and3A = arith.andi %ne3A_113, %ne3A_109 : i1
        %add3A_114 = arith.addi %rem3A, %select_n3A : i32
        %select_n3A_115 = arith.select %and3A, %add3A_114, %rem3A : i32
        %eq3A_116 = arith.constant 0 : i32
        %eq3A_117 = arith.cmpi eq, %select_n3A_115, %eq3A_116 : i32
        %convert_element_type3A = arith.extui %eq3A_117 : i1 to i32
        %cond3A = arith.constant 0 : i32
        %cond3A_118 = arith.cmpi ne, %convert_element_type3A, %cond3A : i32
        scf.if %cond3A_118 {
          %ge3A = arith.constant 1 : i32
          %ge3A_141 = arith.cmpi sge, %scan3A_105, %ge3A : i32
          %convert_element_type3A_142 = arith.extui %ge3A_141 : i1 to i32
          %cond3A_143 = arith.constant 0 : i32
          %cond3A_144 = arith.cmpi ne, %convert_element_type3A_142, %cond3A_143 : i32
          scf.if %cond3A_144 {
            %dma_wait3A_176 = arith.constant 0 : i32
            %dma_wait3A_177 = arith.constant 0 : i32
            %dma_wait3A_178 = tpu.memref_slice %arg5[%dma_wait3A_176, %dma_wait3A_177] : memref<100352x32xf32, #tpu.memory_space<hbm>> -> memref<49x32xf32, #tpu.memory_space<hbm>>
            %dma_wait3A_179 = arith.constant 0 : i32
            %dma_wait3A_180 = arith.constant 0 : i32
            %dma_wait3A_181 = tpu.memref_slice %arg5[%dma_wait3A_179, %dma_wait3A_180] : memref<100352x32xf32, #tpu.memory_space<hbm>> -> memref<49x32xf32, #tpu.memory_space<hbm>>
            tpu.wait_dma2 semaphore(%arg21 : memref<!tpu.dma_semaphore, #tpu.memory_space<semaphore_mem>>) src(%arg12 : memref<49x32xf32, #tpu.memory_space<vmem>>) dst(%dma_wait3A_181 : memref<49x32xf32, #tpu.memory_space<hbm>>)
          } else {
          }
          %add3A_145 = arith.constant 1 : i32
          %add3A_146 = arith.addi %scan3A_105, %add3A_145 : i32
          %lt3A_147 = arith.constant 64 : i32
          %lt3A_148 = arith.cmpi slt, %add3A_146, %lt3A_147 : i32
          %convert_element_type3A_149 = arith.extui %lt3A_148 : i1 to i32
          %cond3A_150 = arith.constant 0 : i32
          %cond3A_151 = arith.cmpi ne, %convert_element_type3A_149, %cond3A_150 : i32
          scf.if %cond3A_151 {
            %add3A_176 = arith.constant 1 : i32
            %add3A_177 = arith.addi %scan3A_105, %add3A_176 : i32
            %mul3A_178 = arith.constant 49 : i32
            %mul3A_179 = arith.muli %add3A_177, %mul3A_178 : i32
            %add3A_180 = arith.addi %mul3A_0, %mul3A_179 : i32
            %add3A_181 = arith.addi %mul3A_4, %add3A_180 : i32
            %dma_start3A_182 = arith.constant 0 : i32
            %dma_start3A_183 = tpu.memref_slice %arg2[%add3A_181, %dma_start3A_182] : memref<100352x32xf32, #tpu.memory_space<hbm>> -> memref<49x32xf32, #tpu.memory_space<hbm>>
            %dma_start3A_184 = arith.constant 0 : i32
            %dma_start3A_185 = tpu.memref_slice %arg2[%add3A_181, %dma_start3A_184] : memref<100352x32xf32, #tpu.memory_space<hbm>> -> memref<49x32xf32, #tpu.memory_space<hbm>>
            tpu.enqueue_dma source(%dma_start3A_185 : memref<49x32xf32, #tpu.memory_space<hbm>>) target(%arg14 : memref<49x32xf32, #tpu.memory_space<vmem>>) target_semaphore(%arg20 : memref<!tpu.dma_semaphore, #tpu.memory_space<semaphore_mem>>)
          } else {
          }
          %mul3A_152 = arith.constant 49 : i32
          %mul3A_153 = arith.muli %scan3A_105, %mul3A_152 : i32
          %add3A_154 = arith.addi %mul3A_0, %mul3A_153 : i32
          "tpu.region"() ({
            %run_scoped3A = tpu.sem_alloc : memref<!tpu.dma_semaphore, #tpu.memory_space<semaphore_mem>>
            %dma_start3A_176 = arith.constant 0 : i32
            %dma_start3A_177 = tpu.memref_slice %arg16[%add3A_154, %dma_start3A_176] : memref<50176x32xf32, #tpu.memory_space<vmem_shared>> -> memref<49x32xf32, #tpu.memory_space<vmem_shared>>
            %dma_start3A_178 = arith.constant 0 : i32
            %dma_start3A_179 = tpu.memref_slice %arg16[%add3A_154, %dma_start3A_178] : memref<50176x32xf32, #tpu.memory_space<vmem_shared>> -> memref<49x32xf32, #tpu.memory_space<vmem_shared>>
            tpu.enqueue_dma source(%dma_start3A_179 : memref<49x32xf32, #tpu.memory_space<vmem_shared>>) target(%arg11 : memref<49x32xf32, #tpu.memory_space<vmem>>) target_semaphore(%run_scoped3A : memref<!tpu.dma_semaphore, #tpu.memory_space<semaphore_mem>>)
            %dma_wait3A_180 = arith.constant 0 : i32
            %dma_wait3A_181 = tpu.memref_slice %arg16[%add3A_154, %dma_wait3A_180] : memref<50176x32xf32, #tpu.memory_space<vmem_shared>> -> memref<49x32xf32, #tpu.memory_space<vmem_shared>>
            %dma_wait3A_182 = arith.constant 0 : i32
            %dma_wait3A_183 = tpu.memref_slice %arg16[%add3A_154, %dma_wait3A_182] : memref<50176x32xf32, #tpu.memory_space<vmem_shared>> -> memref<49x32xf32, #tpu.memory_space<vmem_shared>>
            tpu.wait_dma2 semaphore(%run_scoped3A : memref<!tpu.dma_semaphore, #tpu.memory_space<semaphore_mem>>) src(%dma_wait3A_183 : memref<49x32xf32, #tpu.memory_space<vmem_shared>>) dst(%arg11 : memref<49x32xf32, #tpu.memory_space<vmem>>)
            tpu.yield
          }) : () -> ()
          %dma_wait3A_155 = arith.constant 0 : i32
          %dma_wait3A_156 = arith.constant 0 : i32
          %dma_wait3A_157 = tpu.memref_slice %arg2[%dma_wait3A_155, %dma_wait3A_156] : memref<100352x32xf32, #tpu.memory_space<hbm>> -> memref<49x32xf32, #tpu.memory_space<hbm>>
          %dma_wait3A_158 = arith.constant 0 : i32
          %dma_wait3A_159 = arith.constant 0 : i32
          %dma_wait3A_160 = tpu.memref_slice %arg2[%dma_wait3A_158, %dma_wait3A_159] : memref<100352x32xf32, #tpu.memory_space<hbm>> -> memref<49x32xf32, #tpu.memory_space<hbm>>
          tpu.wait_dma2 semaphore(%arg20 : memref<!tpu.dma_semaphore, #tpu.memory_space<semaphore_mem>>) src(%dma_wait3A_160 : memref<49x32xf32, #tpu.memory_space<hbm>>) dst(%arg13 : memref<49x32xf32, #tpu.memory_space<vmem>>)
          %scan3A_161 = arith.constant 0 : i32
          %scan3A_162 = arith.constant 0 : i32
          %scan3A_163 = arith.constant 49 : i32
          %scan3A_164 = arith.addi %scan3A_162, %scan3A_163 : i32
          %scan3A_165 = arith.constant 1 : i32
          %scan3A_166 = scf.for %scan3A_176 = %scan3A_162 to %scan3A_164 step %scan3A_165 iter_args(%scan3A_177 = %scan3A_161) -> (i32)  : i32 {
            %broadcast_in_dim3A = arith.constant 0 : i32
            %broadcast_in_dim3A_178 = vector.broadcast %broadcast_in_dim3A : i32 to vector<16xi32>
            %mul3A_179 = arith.constant 49 : i32
            %mul3A_180 = arith.muli %scan3A_105, %mul3A_179 : i32
            %add3A_181 = arith.addi %mul3A_180, %scan3A_176 : i32
            %add3A_182 = vector.broadcast %add3A_181 : i32 to vector<16xi32>
            %add3A_183 = arith.addi %broadcast_in_dim3A_178, %add3A_182 : vector<16xi32>
            %gather3A = tpu.vector_load_idx %arg15[%add3A_183] : memref<3136xf32, #tpu.memory_space<vmem>>[vector<16xi32>], vector<16xf32>,
            %get3A = arith.index_cast %scan3A_176 : i32 to index
            %get3A_184 = arith.constant 0 : index
            %get3A_185 = tpu.vector_load %arg11[%get3A, %get3A_184] {strides = array<i32>} : memref<49x32xf32, #tpu.memory_space<vmem>>, vector<16xf32>,
            %mul3A_186 = arith.mulf %gather3A, %get3A_185 : vector<16xf32>
            %get3A_187 = arith.index_cast %scan3A_176 : i32 to index
            %get3A_188 = arith.constant 0 : index
            %get3A_189 = tpu.vector_load %arg13[%get3A_187, %get3A_188] {strides = array<i32>} : memref<49x32xf32, #tpu.memory_space<vmem>>, vector<16xf32>,
            %add3A_190 = arith.addf %mul3A_186, %get3A_189 : vector<16xf32>
            %swap3A = arith.index_cast %scan3A_176 : i32 to index
            %swap3A_191 = arith.constant 0 : index
            %swap3A_192 = tpu.vector_load %arg11[%swap3A, %swap3A_191] {strides = array<i32>} : memref<49x32xf32, #tpu.memory_space<vmem>>, vector<16xf32>,
            tpu.vector_store %arg11[%swap3A, %swap3A_191], %add3A_190 {strides = array<i32>} : memref<49x32xf32, #tpu.memory_space<vmem>>, vector<16xf32>,
            %get3A_193 = arith.index_cast %scan3A_176 : i32 to index
            %get3A_194 = arith.constant 16 : index
            %get3A_195 = tpu.vector_load %arg11[%get3A_193, %get3A_194] {strides = array<i32>} : memref<49x32xf32, #tpu.memory_space<vmem>>, vector<16xf32>,
            %mul3A_196 = arith.mulf %gather3A, %get3A_195 : vector<16xf32>
            %get3A_197 = arith.index_cast %scan3A_176 : i32 to index
            %get3A_198 = arith.constant 16 : index
            %get3A_199 = tpu.vector_load %arg13[%get3A_197, %get3A_198] {strides = array<i32>} : memref<49x32xf32, #tpu.memory_space<vmem>>, vector<16xf32>,
            %add3A_200 = arith.addf %mul3A_196, %get3A_199 : vector<16xf32>
            %swap3A_201 = arith.index_cast %scan3A_176 : i32 to index
            %swap3A_202 = arith.constant 16 : index
            %swap3A_203 = tpu.vector_load %arg11[%swap3A_201, %swap3A_202] {strides = array<i32>} : memref<49x32xf32, #tpu.memory_space<vmem>>, vector<16xf32>,
            tpu.vector_store %arg11[%swap3A_201, %swap3A_202], %add3A_200 {strides = array<i32>} : memref<49x32xf32, #tpu.memory_space<vmem>>, vector<16xf32>,
            %scan3A_204 = arith.constant 0 : i32
            scf.yield %scan3A_204 : i32
          }
          %scan3A_167 = arith.constant 49 : i32
          "tpu.region"() ({
            %run_scoped3A = tpu.sem_alloc : memref<!tpu.dma_semaphore, #tpu.memory_space<semaphore_mem>>
            %dma_start3A_176 = arith.constant 0 : i32
            %dma_start3A_177 = tpu.memref_slice %arg16[%add3A_154, %dma_start3A_176] : memref<50176x32xf32, #tpu.memory_space<vmem_shared>> -> memref<49x32xf32, #tpu.memory_space<vmem_shared>>
            %dma_start3A_178 = arith.constant 0 : i32
            %dma_start3A_179 = tpu.memref_slice %arg16[%add3A_154, %dma_start3A_178] : memref<50176x32xf32, #tpu.memory_space<vmem_shared>> -> memref<49x32xf32, #tpu.memory_space<vmem_shared>>
            tpu.enqueue_dma source(%arg11 : memref<49x32xf32, #tpu.memory_space<vmem>>) target(%dma_start3A_179 : memref<49x32xf32, #tpu.memory_space<vmem_shared>>) target_semaphore(%run_scoped3A : memref<!tpu.dma_semaphore, #tpu.memory_space<semaphore_mem>>)
            %dma_wait3A_180 = arith.constant 0 : i32
            %dma_wait3A_181 = tpu.memref_slice %arg16[%add3A_154, %dma_wait3A_180] : memref<50176x32xf32, #tpu.memory_space<vmem_shared>> -> memref<49x32xf32, #tpu.memory_space<vmem_shared>>
            %dma_wait3A_182 = arith.constant 0 : i32
            %dma_wait3A_183 = tpu.memref_slice %arg16[%add3A_154, %dma_wait3A_182] : memref<50176x32xf32, #tpu.memory_space<vmem_shared>> -> memref<49x32xf32, #tpu.memory_space<vmem_shared>>
            tpu.wait_dma2 semaphore(%run_scoped3A : memref<!tpu.dma_semaphore, #tpu.memory_space<semaphore_mem>>) src(%arg11 : memref<49x32xf32, #tpu.memory_space<vmem>>) dst(%dma_wait3A_183 : memref<49x32xf32, #tpu.memory_space<vmem_shared>>)
            tpu.yield
          }) : () -> ()
          %mul3A_168 = arith.constant 49 : i32
          %mul3A_169 = arith.muli %scan3A_105, %mul3A_168 : i32
          %add3A_170 = arith.addi %mul3A_0, %mul3A_169 : i32
          %add3A_171 = arith.addi %mul3A_4, %add3A_170 : i32
          %dma_start3A_172 = arith.constant 0 : i32
          %dma_start3A_173 = tpu.memref_slice %arg5[%add3A_171, %dma_start3A_172] : memref<100352x32xf32, #tpu.memory_space<hbm>> -> memref<49x32xf32, #tpu.memory_space<hbm>>
          %dma_start3A_174 = arith.constant 0 : i32
          %dma_start3A_175 = tpu.memref_slice %arg5[%add3A_171, %dma_start3A_174] : memref<100352x32xf32, #tpu.memory_space<hbm>> -> memref<49x32xf32, #tpu.memory_space<hbm>>
          tpu.enqueue_dma source(%arg11 : memref<49x32xf32, #tpu.memory_space<vmem>>) target(%dma_start3A_175 : memref<49x32xf32, #tpu.memory_space<hbm>>) target_semaphore(%arg21 : memref<!tpu.dma_semaphore, #tpu.memory_space<semaphore_mem>>)
        } else {
        }
        %jit3A_119 = arith.constant 2 : i32
        %eq3A_120 = arith.constant 0 : i32
        %eq3A_121 = arith.cmpi eq, %jit3A_119, %eq3A_120 : i32
        %jit3A_122 = arith.constant 1 : i32
        %select_n3A_123 = arith.select %eq3A_121, %jit3A_122, %jit3A_119 : i32
        %rem3A_124 = arith.remsi %scan3A_105, %select_n3A_123 : i32
        %ne3A_125 = arith.constant 0 : i32
        %ne3A_126 = arith.cmpi ne, %rem3A_124, %ne3A_125 : i32
        %lt3A_127 = arith.constant 0 : i32
        %lt3A_128 = arith.cmpi slt, %rem3A_124, %lt3A_127 : i32
        %lt3A_129 = arith.constant 0 : i32
        %lt3A_130 = arith.cmpi slt, %select_n3A_123, %lt3A_129 : i32
        %ne3A_131 = arith.xori %lt3A_128, %lt3A_130 : i1
        %and3A_132 = arith.andi %ne3A_131, %ne3A_126 : i1
        %add3A_133 = arith.addi %rem3A_124, %select_n3A_123 : i32
        %select_n3A_134 = arith.select %and3A_132, %add3A_133, %rem3A_124 : i32
        %eq3A_135 = arith.constant 1 : i32
        %eq3A_136 = arith.cmpi eq, %select_n3A_134, %eq3A_135 : i32
        %convert_element_type3A_137 = arith.extui %eq3A_136 : i1 to i32
        %cond3A_138 = arith.constant 0 : i32
        %cond3A_139 = arith.cmpi ne, %convert_element_type3A_137, %cond3A_138 : i32
        scf.if %cond3A_139 {
          %ge3A = arith.constant 1 : i32
          %ge3A_141 = arith.cmpi sge, %scan3A_105, %ge3A : i32
          %convert_element_type3A_142 = arith.extui %ge3A_141 : i1 to i32
          %cond3A_143 = arith.constant 0 : i32
          %cond3A_144 = arith.cmpi ne, %convert_element_type3A_142, %cond3A_143 : i32
          scf.if %cond3A_144 {
            %dma_wait3A_176 = arith.constant 0 : i32
            %dma_wait3A_177 = arith.constant 0 : i32
            %dma_wait3A_178 = tpu.memref_slice %arg5[%dma_wait3A_176, %dma_wait3A_177] : memref<100352x32xf32, #tpu.memory_space<hbm>> -> memref<49x32xf32, #tpu.memory_space<hbm>>
            %dma_wait3A_179 = arith.constant 0 : i32
            %dma_wait3A_180 = arith.constant 0 : i32
            %dma_wait3A_181 = tpu.memref_slice %arg5[%dma_wait3A_179, %dma_wait3A_180] : memref<100352x32xf32, #tpu.memory_space<hbm>> -> memref<49x32xf32, #tpu.memory_space<hbm>>
            tpu.wait_dma2 semaphore(%arg21 : memref<!tpu.dma_semaphore, #tpu.memory_space<semaphore_mem>>) src(%arg11 : memref<49x32xf32, #tpu.memory_space<vmem>>) dst(%dma_wait3A_181 : memref<49x32xf32, #tpu.memory_space<hbm>>)
          } else {
          }
          %add3A_145 = arith.constant 1 : i32
          %add3A_146 = arith.addi %scan3A_105, %add3A_145 : i32
          %lt3A_147 = arith.constant 64 : i32
          %lt3A_148 = arith.cmpi slt, %add3A_146, %lt3A_147 : i32
          %convert_element_type3A_149 = arith.extui %lt3A_148 : i1 to i32
          %cond3A_150 = arith.constant 0 : i32
          %cond3A_151 = arith.cmpi ne, %convert_element_type3A_149, %cond3A_150 : i32
          scf.if %cond3A_151 {
            %add3A_176 = arith.constant 1 : i32
            %add3A_177 = arith.addi %scan3A_105, %add3A_176 : i32
            %mul3A_178 = arith.constant 49 : i32
            %mul3A_179 = arith.muli %add3A_177, %mul3A_178 : i32
            %add3A_180 = arith.addi %mul3A_0, %mul3A_179 : i32
            %add3A_181 = arith.addi %mul3A_4, %add3A_180 : i32
            %dma_start3A_182 = arith.constant 0 : i32
            %dma_start3A_183 = tpu.memref_slice %arg2[%add3A_181, %dma_start3A_182] : memref<100352x32xf32, #tpu.memory_space<hbm>> -> memref<49x32xf32, #tpu.memory_space<hbm>>
            %dma_start3A_184 = arith.constant 0 : i32
            %dma_start3A_185 = tpu.memref_slice %arg2[%add3A_181, %dma_start3A_184] : memref<100352x32xf32, #tpu.memory_space<hbm>> -> memref<49x32xf32, #tpu.memory_space<hbm>>
            tpu.enqueue_dma source(%dma_start3A_185 : memref<49x32xf32, #tpu.memory_space<hbm>>) target(%arg13 : memref<49x32xf32, #tpu.memory_space<vmem>>) target_semaphore(%arg20 : memref<!tpu.dma_semaphore, #tpu.memory_space<semaphore_mem>>)
          } else {
          }
          %mul3A_152 = arith.constant 49 : i32
          %mul3A_153 = arith.muli %scan3A_105, %mul3A_152 : i32
          %add3A_154 = arith.addi %mul3A_0, %mul3A_153 : i32
          "tpu.region"() ({
            %run_scoped3A = tpu.sem_alloc : memref<!tpu.dma_semaphore, #tpu.memory_space<semaphore_mem>>
            %dma_start3A_176 = arith.constant 0 : i32
            %dma_start3A_177 = tpu.memref_slice %arg16[%add3A_154, %dma_start3A_176] : memref<50176x32xf32, #tpu.memory_space<vmem_shared>> -> memref<49x32xf32, #tpu.memory_space<vmem_shared>>
            %dma_start3A_178 = arith.constant 0 : i32
            %dma_start3A_179 = tpu.memref_slice %arg16[%add3A_154, %dma_start3A_178] : memref<50176x32xf32, #tpu.memory_space<vmem_shared>> -> memref<49x32xf32, #tpu.memory_space<vmem_shared>>
            tpu.enqueue_dma source(%dma_start3A_179 : memref<49x32xf32, #tpu.memory_space<vmem_shared>>) target(%arg12 : memref<49x32xf32, #tpu.memory_space<vmem>>) target_semaphore(%run_scoped3A : memref<!tpu.dma_semaphore, #tpu.memory_space<semaphore_mem>>)
            %dma_wait3A_180 = arith.constant 0 : i32
            %dma_wait3A_181 = tpu.memref_slice %arg16[%add3A_154, %dma_wait3A_180] : memref<50176x32xf32, #tpu.memory_space<vmem_shared>> -> memref<49x32xf32, #tpu.memory_space<vmem_shared>>
            %dma_wait3A_182 = arith.constant 0 : i32
            %dma_wait3A_183 = tpu.memref_slice %arg16[%add3A_154, %dma_wait3A_182] : memref<50176x32xf32, #tpu.memory_space<vmem_shared>> -> memref<49x32xf32, #tpu.memory_space<vmem_shared>>
            tpu.wait_dma2 semaphore(%run_scoped3A : memref<!tpu.dma_semaphore, #tpu.memory_space<semaphore_mem>>) src(%dma_wait3A_183 : memref<49x32xf32, #tpu.memory_space<vmem_shared>>) dst(%arg12 : memref<49x32xf32, #tpu.memory_space<vmem>>)
            tpu.yield
          }) : () -> ()
          %dma_wait3A_155 = arith.constant 0 : i32
          %dma_wait3A_156 = arith.constant 0 : i32
          %dma_wait3A_157 = tpu.memref_slice %arg2[%dma_wait3A_155, %dma_wait3A_156] : memref<100352x32xf32, #tpu.memory_space<hbm>> -> memref<49x32xf32, #tpu.memory_space<hbm>>
          %dma_wait3A_158 = arith.constant 0 : i32
          %dma_wait3A_159 = arith.constant 0 : i32
          %dma_wait3A_160 = tpu.memref_slice %arg2[%dma_wait3A_158, %dma_wait3A_159] : memref<100352x32xf32, #tpu.memory_space<hbm>> -> memref<49x32xf32, #tpu.memory_space<hbm>>
          tpu.wait_dma2 semaphore(%arg20 : memref<!tpu.dma_semaphore, #tpu.memory_space<semaphore_mem>>) src(%dma_wait3A_160 : memref<49x32xf32, #tpu.memory_space<hbm>>) dst(%arg14 : memref<49x32xf32, #tpu.memory_space<vmem>>)
          %scan3A_161 = arith.constant 0 : i32
          %scan3A_162 = arith.constant 0 : i32
          %scan3A_163 = arith.constant 49 : i32
          %scan3A_164 = arith.addi %scan3A_162, %scan3A_163 : i32
          %scan3A_165 = arith.constant 1 : i32
          %scan3A_166 = scf.for %scan3A_176 = %scan3A_162 to %scan3A_164 step %scan3A_165 iter_args(%scan3A_177 = %scan3A_161) -> (i32)  : i32 {
            %broadcast_in_dim3A = arith.constant 0 : i32
            %broadcast_in_dim3A_178 = vector.broadcast %broadcast_in_dim3A : i32 to vector<16xi32>
            %mul3A_179 = arith.constant 49 : i32
            %mul3A_180 = arith.muli %scan3A_105, %mul3A_179 : i32
            %add3A_181 = arith.addi %mul3A_180, %scan3A_176 : i32
            %add3A_182 = vector.broadcast %add3A_181 : i32 to vector<16xi32>
            %add3A_183 = arith.addi %broadcast_in_dim3A_178, %add3A_182 : vector<16xi32>
            %gather3A = tpu.vector_load_idx %arg15[%add3A_183] : memref<3136xf32, #tpu.memory_space<vmem>>[vector<16xi32>], vector<16xf32>,
            %get3A = arith.index_cast %scan3A_176 : i32 to index
            %get3A_184 = arith.constant 0 : index
            %get3A_185 = tpu.vector_load %arg12[%get3A, %get3A_184] {strides = array<i32>} : memref<49x32xf32, #tpu.memory_space<vmem>>, vector<16xf32>,
            %mul3A_186 = arith.mulf %gather3A, %get3A_185 : vector<16xf32>
            %get3A_187 = arith.index_cast %scan3A_176 : i32 to index
            %get3A_188 = arith.constant 0 : index
            %get3A_189 = tpu.vector_load %arg14[%get3A_187, %get3A_188] {strides = array<i32>} : memref<49x32xf32, #tpu.memory_space<vmem>>, vector<16xf32>,
            %add3A_190 = arith.addf %mul3A_186, %get3A_189 : vector<16xf32>
            %swap3A = arith.index_cast %scan3A_176 : i32 to index
            %swap3A_191 = arith.constant 0 : index
            %swap3A_192 = tpu.vector_load %arg12[%swap3A, %swap3A_191] {strides = array<i32>} : memref<49x32xf32, #tpu.memory_space<vmem>>, vector<16xf32>,
            tpu.vector_store %arg12[%swap3A, %swap3A_191], %add3A_190 {strides = array<i32>} : memref<49x32xf32, #tpu.memory_space<vmem>>, vector<16xf32>,
            %get3A_193 = arith.index_cast %scan3A_176 : i32 to index
            %get3A_194 = arith.constant 16 : index
            %get3A_195 = tpu.vector_load %arg12[%get3A_193, %get3A_194] {strides = array<i32>} : memref<49x32xf32, #tpu.memory_space<vmem>>, vector<16xf32>,
            %mul3A_196 = arith.mulf %gather3A, %get3A_195 : vector<16xf32>
            %get3A_197 = arith.index_cast %scan3A_176 : i32 to index
            %get3A_198 = arith.constant 16 : index
            %get3A_199 = tpu.vector_load %arg14[%get3A_197, %get3A_198] {strides = array<i32>} : memref<49x32xf32, #tpu.memory_space<vmem>>, vector<16xf32>,
            %add3A_200 = arith.addf %mul3A_196, %get3A_199 : vector<16xf32>
            %swap3A_201 = arith.index_cast %scan3A_176 : i32 to index
            %swap3A_202 = arith.constant 16 : index
            %swap3A_203 = tpu.vector_load %arg12[%swap3A_201, %swap3A_202] {strides = array<i32>} : memref<49x32xf32, #tpu.memory_space<vmem>>, vector<16xf32>,
            tpu.vector_store %arg12[%swap3A_201, %swap3A_202], %add3A_200 {strides = array<i32>} : memref<49x32xf32, #tpu.memory_space<vmem>>, vector<16xf32>,
            %scan3A_204 = arith.constant 0 : i32
            scf.yield %scan3A_204 : i32
          }
          %scan3A_167 = arith.constant 49 : i32
          "tpu.region"() ({
            %run_scoped3A = tpu.sem_alloc : memref<!tpu.dma_semaphore, #tpu.memory_space<semaphore_mem>>
            %dma_start3A_176 = arith.constant 0 : i32
            %dma_start3A_177 = tpu.memref_slice %arg16[%add3A_154, %dma_start3A_176] : memref<50176x32xf32, #tpu.memory_space<vmem_shared>> -> memref<49x32xf32, #tpu.memory_space<vmem_shared>>
            %dma_start3A_178 = arith.constant 0 : i32
            %dma_start3A_179 = tpu.memref_slice %arg16[%add3A_154, %dma_start3A_178] : memref<50176x32xf32, #tpu.memory_space<vmem_shared>> -> memref<49x32xf32, #tpu.memory_space<vmem_shared>>
            tpu.enqueue_dma source(%arg12 : memref<49x32xf32, #tpu.memory_space<vmem>>) target(%dma_start3A_179 : memref<49x32xf32, #tpu.memory_space<vmem_shared>>) target_semaphore(%run_scoped3A : memref<!tpu.dma_semaphore, #tpu.memory_space<semaphore_mem>>)
            %dma_wait3A_180 = arith.constant 0 : i32
            %dma_wait3A_181 = tpu.memref_slice %arg16[%add3A_154, %dma_wait3A_180] : memref<50176x32xf32, #tpu.memory_space<vmem_shared>> -> memref<49x32xf32, #tpu.memory_space<vmem_shared>>
            %dma_wait3A_182 = arith.constant 0 : i32
            %dma_wait3A_183 = tpu.memref_slice %arg16[%add3A_154, %dma_wait3A_182] : memref<50176x32xf32, #tpu.memory_space<vmem_shared>> -> memref<49x32xf32, #tpu.memory_space<vmem_shared>>
            tpu.wait_dma2 semaphore(%run_scoped3A : memref<!tpu.dma_semaphore, #tpu.memory_space<semaphore_mem>>) src(%arg12 : memref<49x32xf32, #tpu.memory_space<vmem>>) dst(%dma_wait3A_183 : memref<49x32xf32, #tpu.memory_space<vmem_shared>>)
            tpu.yield
          }) : () -> ()
          %mul3A_168 = arith.constant 49 : i32
          %mul3A_169 = arith.muli %scan3A_105, %mul3A_168 : i32
          %add3A_170 = arith.addi %mul3A_0, %mul3A_169 : i32
          %add3A_171 = arith.addi %mul3A_4, %add3A_170 : i32
          %dma_start3A_172 = arith.constant 0 : i32
          %dma_start3A_173 = tpu.memref_slice %arg5[%add3A_171, %dma_start3A_172] : memref<100352x32xf32, #tpu.memory_space<hbm>> -> memref<49x32xf32, #tpu.memory_space<hbm>>
          %dma_start3A_174 = arith.constant 0 : i32
          %dma_start3A_175 = tpu.memref_slice %arg5[%add3A_171, %dma_start3A_174] : memref<100352x32xf32, #tpu.memory_space<hbm>> -> memref<49x32xf32, #tpu.memory_space<hbm>>
          tpu.enqueue_dma source(%arg12 : memref<49x32xf32, #tpu.memory_space<vmem>>) target(%dma_start3A_175 : memref<49x32xf32, #tpu.memory_space<hbm>>) target_semaphore(%arg21 : memref<!tpu.dma_semaphore, #tpu.memory_space<semaphore_mem>>)
        } else {
        }
        %scan3A_140 = arith.constant 0 : i32
        scf.yield %scan3A_140 : i32
      }
      %scan3A_96 = arith.constant 64 : i32
      %dma_wait3A_97 = arith.constant 0 : i32
      %dma_wait3A_98 = arith.constant 0 : i32
      %dma_wait3A_99 = tpu.memref_slice %arg5[%dma_wait3A_97, %dma_wait3A_98] : memref<100352x32xf32, #tpu.memory_space<hbm>> -> memref<49x32xf32, #tpu.memory_space<hbm>>
      %dma_wait3A_100 = arith.constant 0 : i32
      %dma_wait3A_101 = arith.constant 0 : i32
      %dma_wait3A_102 = tpu.memref_slice %arg5[%dma_wait3A_100, %dma_wait3A_101] : memref<100352x32xf32, #tpu.memory_space<hbm>> -> memref<49x32xf32, #tpu.memory_space<hbm>>
      tpu.wait_dma2 semaphore(%arg21 : memref<!tpu.dma_semaphore, #tpu.memory_space<semaphore_mem>>) src(%arg12 : memref<49x32xf32, #tpu.memory_space<vmem>>) dst(%dma_wait3A_102 : memref<49x32xf32, #tpu.memory_space<hbm>>)
      %barrier3A_103 = arith.constant 0 : index
      tpu.barrier barrier_id(%barrier3A_103)
      "tpu.trace_stop"() : () -> ()
      %scan3A_104 = arith.constant 0 : i32
      scf.yield %scan3A_104 : i32
    }
    %scan3A_17 = arith.constant 10 : i32
    return
  }
}

module attributes {stable_mosaic.version = 14 : i64} {
  func.func @_dinv_body(%arg0: i32, %arg1: memref<32x512x1xf32, #tpu.memory_space<vmem>>, %arg2: memref<512x1xf32, #tpu.memory_space<vmem>>, %arg3: memref<512x1xf32, #tpu.memory_space<vmem>>) attributes {dimension_semantics = [#tpu.dimension_semantics<arbitrary>], iteration_bounds = array<i64: 98>, scalar_prefetch = 0 : i64, scratch_operands = 0 : i64, tpu.core_type = #tpu.core_type<tc>, window_params = [{transform_indices = @transform_0, window_bounds = array<i64: 32, 512, 1>}, {transform_indices = @transform_1, window_bounds = array<i64: 512, 1>}, {transform_indices = @transform_2, window_bounds = array<i64: 512, 1>}]} {
    %get3A = arith.constant 0 : index
    %get3A_0 = arith.constant 0 : index
    %get3A_1 = arith.constant 0 : index
    %get3A_2 = vector.load %arg1[%get3A, %get3A_0, %get3A_1] : memref<32x512x1xf32, #tpu.memory_space<vmem>>, vector<32x512x1xf32>
    %reduce_sum3A = arith.constant dense<0.000000e+00> : vector<512x1xf32>
    %reduce_sum3A_3 = vector.multi_reduction <add>, %get3A_2, %reduce_sum3A [0] : vector<32x512x1xf32> to vector<512x1xf32>
    %add3A = arith.constant 1.000000e+00 : f32
    %add3A_4 = vector.broadcast %add3A : f32 to vector<512x1xf32>
    %add3A_5 = arith.addf %reduce_sum3A_3, %add3A_4 : vector<512x1xf32>
    %rsqrt3A = math.rsqrt %add3A_5 : vector<512x1xf32>
    %swap3A = arith.constant 0 : index
    %swap3A_6 = arith.constant 0 : index
    %swap3A_7 = vector.load %arg2[%swap3A, %swap3A_6] : memref<512x1xf32, #tpu.memory_space<vmem>>, vector<512x1xf32>
    tpu.vector_store %arg2[%swap3A, %swap3A_6], %rsqrt3A {strides = array<i32>} : memref<512x1xf32, #tpu.memory_space<vmem>>, vector<512x1xf32>,
    %div3A = arith.constant 0.899999976 : f32
    %div3A_8 = vector.broadcast %div3A : f32 to vector<512x1xf32>
    %div3A_9 = arith.divf %div3A_8, %add3A_5 : vector<512x1xf32>
    %swap3A_10 = arith.constant 0 : index
    %swap3A_11 = arith.constant 0 : index
    %swap3A_12 = vector.load %arg3[%swap3A_10, %swap3A_11] : memref<512x1xf32, #tpu.memory_space<vmem>>, vector<512x1xf32>
    tpu.vector_store %arg3[%swap3A_10, %swap3A_11], %div3A_9 {strides = array<i32>} : memref<512x1xf32, #tpu.memory_space<vmem>>, vector<512x1xf32>,
    return
  }
  func.func @transform_0(%arg0: i32) -> (i32, i32, i32) {
    %c0_i32 = arith.constant 0 : i32
    %c0_i32_0 = arith.constant 0 : i32
    %c0_i32_1 = arith.constant 0 : i32
    return %c0_i32, %arg0, %c0_i32_0 : i32, i32, i32
  }
  func.func @transform_1(%arg0: i32) -> (i32, i32) {
    %c0_i32 = arith.constant 0 : i32
    %c0_i32_0 = arith.constant 0 : i32
    return %arg0, %c0_i32 : i32, i32
  }
  func.func @transform_2(%arg0: i32) -> (i32, i32) {
    %c0_i32 = arith.constant 0 : i32
    %c0_i32_0 = arith.constant 0 : i32
    return %arg0, %c0_i32 : i32, i32
  }
}

module attributes {stable_mosaic.version = 14 : i64} {
  func.func @_mlp_body(%arg0: i32, %arg1: memref<512x128xf32, #tpu.memory_space<vmem>>, %arg2: memref<128x64xf32, #tpu.memory_space<vmem>>, %arg3: memref<1x64xf32, #tpu.memory_space<vmem>>, %arg4: memref<64x40xf32, #tpu.memory_space<vmem>>, %arg5: memref<1x40xf32, #tpu.memory_space<vmem>>, %arg6: memref<512x1xf32, #tpu.memory_space<vmem>>, %arg7: memref<2x512x32xf32, #tpu.memory_space<vmem>>) attributes {dimension_semantics = [#tpu.dimension_semantics<arbitrary>], iteration_bounds = array<i64: 98>, scalar_prefetch = 0 : i64, scratch_operands = 0 : i64, tpu.core_type = #tpu.core_type<tc>, window_params = [{transform_indices = @transform_0, window_bounds = array<i64: 512, 128>}, {pipeline_mode = #tpu.pipeline_mode<synchronous>, transform_indices = @transform_1, window_bounds = array<i64: 128, 64>}, {pipeline_mode = #tpu.pipeline_mode<synchronous>, transform_indices = @transform_2, window_bounds = array<i64: 1, 64>}, {pipeline_mode = #tpu.pipeline_mode<synchronous>, transform_indices = @transform_3, window_bounds = array<i64: 64, 40>}, {pipeline_mode = #tpu.pipeline_mode<synchronous>, transform_indices = @transform_4, window_bounds = array<i64: 1, 40>}, {transform_indices = @transform_5, window_bounds = array<i64: 512, 1>}, {transform_indices = @transform_6, window_bounds = array<i64: 2, 512, 32>}]} {
    %get3A = arith.constant 0 : index
    %get3A_0 = arith.constant 0 : index
    %get3A_1 = vector.load %arg1[%get3A, %get3A_0] : memref<512x128xf32, #tpu.memory_space<vmem>>, vector<512x128xf32>
    %get3A_2 = arith.constant 0 : index
    %get3A_3 = arith.constant 0 : index
    %get3A_4 = vector.load %arg2[%get3A_2, %get3A_3] : memref<128x64xf32, #tpu.memory_space<vmem>>, vector<128x64xf32>
    %dot_general3A = arith.constant dense<0.000000e+00> : vector<512x64xf32>
    %dot_general3A_5 = tpu.matmul %get3A_1, %get3A_4, %dot_general3A {dimension_numbers = #tpu.dot_dimension_numbers<[1], [0], [0], [1], [0, 0, 1, 1], [], []>, transpose_lhs_hint = false} : vector<512x128xf32>, vector<128x64xf32>, vector<512x64xf32> -> vector<512x64xf32>
    %get3A_6 = arith.constant 0 : index
    %get3A_7 = arith.constant 0 : index
    %get3A_8 = vector.load %arg3[%get3A_6, %get3A_7] : memref<1x64xf32, #tpu.memory_space<vmem>>, vector<1x64xf32>
    %add3A = vector.broadcast %get3A_8 : vector<1x64xf32> to vector<512x64xf32>
    %add3A_9 = arith.addf %dot_general3A_5, %add3A : vector<512x64xf32>
    %max3A = arith.constant 0.000000e+00 : f32
    %max3A_10 = vector.broadcast %max3A : f32 to vector<512x64xf32>
    %max3A_11 = arith.maximumf %add3A_9, %max3A_10 : vector<512x64xf32>
    %get3A_12 = arith.constant 0 : index
    %get3A_13 = arith.constant 0 : index
    %get3A_14 = vector.load %arg4[%get3A_12, %get3A_13] : memref<64x40xf32, #tpu.memory_space<vmem>>, vector<64x40xf32>
    %dot_general3A_15 = arith.constant dense<0.000000e+00> : vector<512x40xf32>
    %dot_general3A_16 = tpu.matmul %max3A_11, %get3A_14, %dot_general3A_15 {dimension_numbers = #tpu.dot_dimension_numbers<[1], [0], [0], [1], [0, 0, 1, 1], [], []>, transpose_lhs_hint = false} : vector<512x64xf32>, vector<64x40xf32>, vector<512x40xf32> -> vector<512x40xf32>
    %get3A_17 = arith.constant 0 : index
    %get3A_18 = arith.constant 0 : index
    %get3A_19 = vector.load %arg5[%get3A_17, %get3A_18] : memref<1x40xf32, #tpu.memory_space<vmem>>, vector<1x40xf32>
    %add3A_20 = vector.broadcast %get3A_19 : vector<1x40xf32> to vector<512x40xf32>
    %add3A_21 = arith.addf %dot_general3A_16, %add3A_20 : vector<512x40xf32>
    %get3A_22 = arith.constant 0 : index
    %get3A_23 = arith.constant 0 : index
    %get3A_24 = vector.load %arg6[%get3A_22, %get3A_23] : memref<512x1xf32, #tpu.memory_space<vmem>>, vector<512x1xf32>
    %mul3A = arith.constant 1.000000e-01 : f32
    %mul3A_25 = vector.broadcast %mul3A : f32 to vector<512x1xf32>
    %mul3A_26 = arith.mulf %get3A_24, %mul3A_25 : vector<512x1xf32>
    %mul3A_27 = vector.broadcast %mul3A_26 : vector<512x1xf32> to vector<512x40xf32>
    %mul3A_28 = arith.mulf %add3A_21, %mul3A_27 : vector<512x40xf32>
    %broadcast_in_dim3A = arith.constant 0.000000e+00 : f32
    %broadcast_in_dim3A_29 = vector.broadcast %broadcast_in_dim3A : f32 to vector<512x24xf32>
    %concatenate3A = tpu.concatenate %mul3A_28, %broadcast_in_dim3A_29 in 1 : vector<512x40xf32>, vector<512x24xf32> -> vector<512x64xf32>
    %slice3A = vector.extract_strided_slice %concatenate3A {offsets = [0, 0], sizes = [512, 32], strides = [1, 1]} : vector<512x64xf32> to vector<512x32xf32>
    %swap3A = arith.constant 0 : index
    %swap3A_30 = arith.constant 0 : index
    %swap3A_31 = arith.constant 0 : index
    %swap3A_32 = vector.load %arg7[%swap3A, %swap3A_30, %swap3A_31] : memref<2x512x32xf32, #tpu.memory_space<vmem>>, vector<1x512x32xf32>
    %swap3A_33 = vector.shape_cast %swap3A_32 : vector<1x512x32xf32> to vector<512x32xf32>
    %swap3A_34 = vector.shape_cast %slice3A : vector<512x32xf32> to vector<1x512x32xf32>
    tpu.vector_store %arg7[%swap3A, %swap3A_30, %swap3A_31], %swap3A_34 {strides = array<i32>} : memref<2x512x32xf32, #tpu.memory_space<vmem>>, vector<1x512x32xf32>,
    %slice3A_35 = vector.extract_strided_slice %concatenate3A {offsets = [0, 32], sizes = [512, 32], strides = [1, 1]} : vector<512x64xf32> to vector<512x32xf32>
    %swap3A_36 = arith.constant 1 : index
    %swap3A_37 = arith.constant 0 : index
    %swap3A_38 = arith.constant 0 : index
    %swap3A_39 = vector.load %arg7[%swap3A_36, %swap3A_37, %swap3A_38] : memref<2x512x32xf32, #tpu.memory_space<vmem>>, vector<1x512x32xf32>
    %swap3A_40 = vector.shape_cast %swap3A_39 : vector<1x512x32xf32> to vector<512x32xf32>
    %swap3A_41 = vector.shape_cast %slice3A_35 : vector<512x32xf32> to vector<1x512x32xf32>
    tpu.vector_store %arg7[%swap3A_36, %swap3A_37, %swap3A_38], %swap3A_41 {strides = array<i32>} : memref<2x512x32xf32, #tpu.memory_space<vmem>>, vector<1x512x32xf32>,
    return
  }
  func.func @transform_0(%arg0: i32) -> (i32, i32) {
    %c0_i32 = arith.constant 0 : i32
    %c0_i32_0 = arith.constant 0 : i32
    return %arg0, %c0_i32 : i32, i32
  }
  func.func @transform_1(%arg0: i32) -> (i32, i32) {
    %c0_i32 = arith.constant 0 : i32
    %c0_i32_0 = arith.constant 0 : i32
    %c0_i32_1 = arith.constant 0 : i32
    return %c0_i32, %c0_i32_0 : i32, i32
  }
  func.func @transform_2(%arg0: i32) -> (i32, i32) {
    %c0_i32 = arith.constant 0 : i32
    %c0_i32_0 = arith.constant 0 : i32
    %c0_i32_1 = arith.constant 0 : i32
    return %c0_i32, %c0_i32_0 : i32, i32
  }
  func.func @transform_3(%arg0: i32) -> (i32, i32) {
    %c0_i32 = arith.constant 0 : i32
    %c0_i32_0 = arith.constant 0 : i32
    %c0_i32_1 = arith.constant 0 : i32
    return %c0_i32, %c0_i32_0 : i32, i32
  }
  func.func @transform_4(%arg0: i32) -> (i32, i32) {
    %c0_i32 = arith.constant 0 : i32
    %c0_i32_0 = arith.constant 0 : i32
    %c0_i32_1 = arith.constant 0 : i32
    return %c0_i32, %c0_i32_0 : i32, i32
  }
  func.func @transform_5(%arg0: i32) -> (i32, i32) {
    %c0_i32 = arith.constant 0 : i32
    %c0_i32_0 = arith.constant 0 : i32
    return %arg0, %c0_i32 : i32, i32
  }
  func.func @transform_6(%arg0: i32) -> (i32, i32, i32) {
    %c0_i32 = arith.constant 0 : i32
    %c0_i32_0 = arith.constant 0 : i32
    %c0_i32_1 = arith.constant 0 : i32
    return %c0_i32, %arg0, %c0_i32_0 : i32, i32, i32
  }
}

module attributes {stable_mosaic.version = 14 : i64} {
  func.func @_fin_body(%arg0: i32, %arg1: memref<2x512x32xf32, #tpu.memory_space<vmem>>, %arg2: memref<512x1xf32, #tpu.memory_space<vmem>>, %arg3: memref<512x40xf32, #tpu.memory_space<vmem>>) attributes {dimension_semantics = [#tpu.dimension_semantics<arbitrary>], iteration_bounds = array<i64: 98>, scalar_prefetch = 0 : i64, scratch_operands = 0 : i64, tpu.core_type = #tpu.core_type<tc>, window_params = [{transform_indices = @transform_0, window_bounds = array<i64: 2, 512, 32>}, {transform_indices = @transform_1, window_bounds = array<i64: 512, 1>}, {transform_indices = @transform_2, window_bounds = array<i64: 512, 40>}]} {
    %get3A = arith.constant 0 : index
    %get3A_0 = arith.constant 0 : index
    %get3A_1 = arith.constant 0 : index
    %get3A_2 = vector.load %arg1[%get3A, %get3A_0, %get3A_1] : memref<2x512x32xf32, #tpu.memory_space<vmem>>, vector<1x512x32xf32>
    %get3A_3 = vector.shape_cast %get3A_2 : vector<1x512x32xf32> to vector<512x32xf32>
    %get3A_4 = arith.constant 1 : index
    %get3A_5 = arith.constant 0 : index
    %get3A_6 = arith.constant 0 : index
    %get3A_7 = vector.load %arg1[%get3A_4, %get3A_5, %get3A_6] : memref<2x512x32xf32, #tpu.memory_space<vmem>>, vector<1x512x32xf32>
    %get3A_8 = vector.shape_cast %get3A_7 : vector<1x512x32xf32> to vector<512x32xf32>
    %concatenate3A = tpu.concatenate %get3A_3, %get3A_8 in 1 : vector<512x32xf32>, vector<512x32xf32> -> vector<512x64xf32>
    %get3A_9 = arith.constant 0 : index
    %get3A_10 = arith.constant 0 : index
    %get3A_11 = vector.load %arg2[%get3A_9, %get3A_10] : memref<512x1xf32, #tpu.memory_space<vmem>>, vector<512x1xf32>
    %div3A = vector.broadcast %get3A_11 : vector<512x1xf32> to vector<512x64xf32>
    %div3A_12 = arith.divf %concatenate3A, %div3A : vector<512x64xf32>
    %slice3A = vector.extract_strided_slice %div3A_12 {offsets = [0, 0], sizes = [512, 40], strides = [1, 1]} : vector<512x64xf32> to vector<512x40xf32>
    %reduce_max3A = arith.constant dense<0xFF800000> : vector<512xf32>
    %reduce_max3A_13 = vector.multi_reduction <maximumf>, %slice3A, %reduce_max3A [1] : vector<512x40xf32> to vector<512xf32>
    %broadcast_in_dim3A = vector.shape_cast %reduce_max3A_13 : vector<512xf32> to vector<512x1xf32>
    %sub3A = vector.broadcast %broadcast_in_dim3A : vector<512x1xf32> to vector<512x40xf32>
    %sub3A_14 = arith.subf %slice3A, %sub3A : vector<512x40xf32>
    %exp3A = math.exp %sub3A_14 : vector<512x40xf32>
    %reduce_sum3A = arith.constant dense<0.000000e+00> : vector<512xf32>
    %reduce_sum3A_15 = vector.multi_reduction <add>, %exp3A, %reduce_sum3A [1] : vector<512x40xf32> to vector<512xf32>
    %broadcast_in_dim3A_16 = vector.shape_cast %reduce_sum3A_15 : vector<512xf32> to vector<512x1xf32>
    %sub3A_17 = vector.broadcast %broadcast_in_dim3A : vector<512x1xf32> to vector<512x40xf32>
    %sub3A_18 = arith.subf %slice3A, %sub3A_17 : vector<512x40xf32>
    %log3A = math.log %broadcast_in_dim3A_16 : vector<512x1xf32>
    %sub3A_19 = vector.broadcast %log3A : vector<512x1xf32> to vector<512x40xf32>
    %sub3A_20 = arith.subf %sub3A_18, %sub3A_19 : vector<512x40xf32>
    %swap3A = arith.constant 0 : index
    %swap3A_21 = arith.constant 0 : index
    %swap3A_22 = vector.load %arg3[%swap3A, %swap3A_21] : memref<512x40xf32, #tpu.memory_space<vmem>>, vector<512x40xf32>
    tpu.vector_store %arg3[%swap3A, %swap3A_21], %sub3A_20 {strides = array<i32>} : memref<512x40xf32, #tpu.memory_space<vmem>>, vector<512x40xf32>,
    return
  }
  func.func @transform_0(%arg0: i32) -> (i32, i32, i32) {
    %c0_i32 = arith.constant 0 : i32
    %c0_i32_0 = arith.constant 0 : i32
    %c0_i32_1 = arith.constant 0 : i32
    return %c0_i32, %arg0, %c0_i32_0 : i32, i32, i32
  }
  func.func @transform_1(%arg0: i32) -> (i32, i32) {
    %c0_i32 = arith.constant 0 : i32
    %c0_i32_0 = arith.constant 0 : i32
    return %arg0, %c0_i32 : i32, i32
  }
  func.func @transform_2(%arg0: i32) -> (i32, i32) {
    %c0_i32 = arith.constant 0 : i32
    %c0_i32_0 = arith.constant 0 : i32
    return %arg0, %c0_i32 : i32, i32
  }
}

</mosaic_0001>

<sc_bundles>
// kernel: kernel.10.cloned.1.call-start
scs
__scs_entry_jumppad:
0x0: {  	(pc) =	sbr.rel $0x88, $3  }
0x1: {  	(tag) =	ssettag $0x0;
	lr =	simm.s32 $0x1  }
0x2: {  	[smem:$0x3F9B] =	sst lr;
	_ =	strace $0xD0000000  }
0x3: {  	_ = 	snop  }
0x4: {  	_ = 	snop  }
0x5: {  	_ = 	snop  }
0x6: {  	_ = 	snop  }
0x7: {  	_ = 	snop  }
__scs_overlays_trampoline_lowered:
0x8: {  	[smem:$0x3FAA] =	sst s0  }
0x9: {  	[smem:$0x3FAB] =	sst s1  }
0xa: {  	[smem:$0x3FAC] =	sst s2  }
0xb: {  	[smem:$0x3FAD] =	sst s3  }
0xc: {  	[smem:$0x3FAE] =	sst s4  }
0xd: {  	[smem:$0x3FAF] =	sst s5  }
0xe: {  	[smem:$0x3FB0] =	sst s6  }
0xf: {  	[smem:$0x3FB1] =	sst s7  }
0x10: {  	[smem:$0x3FB2] =	sst s8  }
0x11: {  	[smem:$0x3FB3] =	sst s9;
	s0 =	simm.s32 @!p0 $0x0  }
0x12: {  	s1 =	sld [smem:$0x3F99];
	s0 =	simm.s32 @p0 $0x1  }
0x13: {  	[smem:$0x3FB4] =	sst s0;
	s0 =	simm.s32 @!p1 $0x0  }
0x14: {  	s2 =	sld [smem:$0x3F98];
	s0 =	simm.s32 @p1 $0x1  }
0x15: {  	[smem:$0x3FB5] =	sst s0;
	s0 =	simm.s32 @!p2 $0x0  }
0x16: {  	s3 =	sld [smem:$0x3FDB];
	s0 =	simm.s32 @p2 $0x1  }
0x17: {  	s4 =	simm.s32 $0x1BF5;
	[smem:$0x3FB7] =	sst s0  }
0x18: {  	s0 =	sld [smem:$0x3F9A];
	_ =	swait.ge [sflag:s4], $0x0  }
0x19: {  	s7 =	sld [smem:$0x3F9B]  }
0x1a: {  	s8 =	sadd.s32 $0xFFFFE003, lr  }
0x1b: {  	s9 =	sadd.s32 $0xFFFFFEF7, lr;
	s5 =	simm.s32 $0xFFFFFFFF;
	p2 =	slt.u32 s8, $0xFFFFF086  }
0x1c: {  	p1 =	slt.u32 s9, $0xF7A;
	s5 =	simm.s32 @!p2 $0x0  }
0x1d: {  	s5 =	simm.s32 @p1 $0x1;
	p0 =	seq.s32 s7, s2  }
0x1e: {  	s7 =	smul.u32 @!p0 $0xF7A, s2;
	p2 =	seq.s32 @!p0 s5, $0x0  }
0x1f: {  	s9 =	smul.u32 $0xF7A, s1;
	s8 =	simm.s32 @!p0 $0x1BF5;
	p2 =	por !p2, p0  }
0x20: {  	[sflag:s8] =	ssyncset.s32 @!p0 $0xFFFFF086;
	s6 =	sadd.s32 @!p0 s3, s7;
	s7 =	simm.s32 @!p0 $0x108  }
0x21: {  	s3 =	sadd.s32 s3, s9;
	s6 =	sadd.s32 @!p0 $0x88, s6;
	s7 =	simm.s32 @p2 $0x1082  }
0x22: {  	[simem:s7], [sflag:s8] =	dma.local @!p0 [hbm:s6], $0xF7A  }
0x23: {  	s9 =	sor.u32 $0xD0000000, s2;
	s6 =	simm.s32 $0x108;
	_ =	swait.ge @!p0 [sflag:s8], $0x0  }
0x24: {  	s3 =	sadd.s32 $0x88, s3;
	s6 =	simm.s32 @!p1 $0x1082;
	[sflag:s4] =	ssyncset.s32 $0xFFFFF086  }
0x25: {  	[simem:s6], [sflag:s4] =	dma.local [hbm:s3], $0xF7A  }
0x26: {  	[smem:$0x3F9B] =	sst s1;
	(tag) =	ssettag s2;
	_ =	strace s9  }
0x27: {  	s1 =	sld [smem:$0x3FAB]  }
0x28: {  	s2 =	sld [smem:$0x3FAC]  }
0x29: {  	s4 =	sld [smem:$0x3FAE]  }
0x2a: {  	p0 =	seq.s32 s5, $0x0;
	s5 =	sld [smem:$0x3FAF]  }
0x2b: {  	s6 =	sld [smem:$0x3FB0]  }
0x2c: {  	s7 =	sld [smem:$0x3FB1]  }
0x2d: {  	s3 =	simm.s32 $0x108;
	s8 =	sld [smem:$0x3FB2]  }
0x2e: {  	s3 =	simm.s32 @!p0 $0x1082;
	s9 =	sld [smem:$0x3FB3]  }
0x2f: {  	lr =	sadd.s32 s0, s3;
	s0 =	sld [smem:$0x3FAA]  }
0x30: {  	s3 =	sld [smem:$0x3FAD]  }
0x31: {  	[smem:$0x3FB6] =	sst s10  }
0x32: {  	s10 =	sld [smem:$0x3FB4];
	_ =	sdelay $0x3  }
0x33: {  	p0 =	seq.s32 s10, $0x1;
	s10 =	sld [smem:$0x3FB6];
	_ =	sdelay $0x3  }
0x34: {  	[smem:$0x3FB6] =	sst s10  }
0x35: {  	s10 =	sld [smem:$0x3FB5];
	_ =	sdelay $0x3  }
0x36: {  	p1 =	seq.s32 s10, $0x1;
	s10 =	sld [smem:$0x3FB6];
	_ =	sdelay $0x3  }
0x37: {  	[smem:$0x3FB6] =	sst s10  }
0x38: {  	s10 =	sld [smem:$0x3FB7]  }
0x39: {  	_ = 	snop;
	(pc) =	sbr.ind lr, $3  }
0x3a: {  	_ = 	snop  }
0x3b: {  	_ = 	snop  }
0x3c: {  	p2 =	seq.s32 s10, $0x1;
	s10 =	sld [smem:$0x3FB6]  }
0x3d: {  	_ =	shalt  }
0x3e: {  	_ =	shalt  }
0x3f: {  	_ =	shalt  }
0x40: {  	_ =	shalt  }
0x41: {  	_ =	shalt  }
0x42: {  	_ =	shalt  }
0x43: {  	_ =	shalt  }
0x44: {  	_ =	shalt  }
0x45: {  	_ =	shalt  }
0x46: {  	_ =	shalt  }
0x47: {  	_ =	shalt  }
0x48: {  	_ =	shalt  }
0x49: {  	_ =	shalt  }
0x4a: {  	_ =	shalt  }
0x4b: {  	_ =	shalt  }
0x4c: {  	_ =	shalt  }
0x4d: {  	_ =	shalt  }
0x4e: {  	_ =	shalt  }
0x4f: {  	_ =	shalt  }
0x50: {  	_ =	shalt  }
0x51: {  	_ =	shalt  }
0x52: {  	_ =	shalt  }
0x53: {  	_ =	shalt  }
0x54: {  	_ =	shalt  }
0x55: {  	_ =	shalt  }
0x56: {  	_ =	shalt  }
0x57: {  	_ =	shalt  }
0x58: {  	_ =	shalt  }
0x59: {  	_ =	shalt  }
0x5a: {  	_ =	shalt  }
0x5b: {  	_ =	shalt  }
0x5c: {  	_ =	shalt  }
0x5d: {  	_ =	shalt  }
0x5e: {  	_ =	shalt  }
0x5f: {  	_ =	shalt  }
0x60: {  	_ =	shalt  }
0x61: {  	_ =	shalt  }
0x62: {  	_ =	shalt  }
0x63: {  	_ =	shalt  }
0x64: {  	_ =	shalt  }
0x65: {  	_ =	shalt  }
0x66: {  	_ =	shalt  }
0x67: {  	_ =	shalt  }
0x68: {  	_ =	shalt  }
0x69: {  	_ =	shalt  }
0x6a: {  	_ =	shalt  }
0x6b: {  	_ =	shalt  }
0x6c: {  	_ =	shalt  }
0x6d: {  	_ =	shalt  }
0x6e: {  	_ =	shalt  }
0x6f: {  	_ =	shalt  }
0x70: {  	_ =	shalt  }
0x71: {  	_ =	shalt  }
0x72: {  	_ =	shalt  }
0x73: {  	_ =	shalt  }
0x74: {  	_ =	shalt  }
0x75: {  	_ =	shalt  }
0x76: {  	_ =	shalt  }
0x77: {  	_ =	shalt  }
0x78: {  	_ =	shalt  }
0x79: {  	_ =	shalt  }
0x7a: {  	_ =	shalt  }
0x7b: {  	_ =	shalt  }
0x7c: {  	_ =	shalt  }
0x7d: {  	_ =	shalt  }
0x7e: {  	_ =	shalt  }
0x7f: {  	_ =	shalt  }
0x80: {  	_ =	shalt  }
0x81: {  	_ =	shalt  }
0x82: {  	_ =	shalt  }
0x83: {  	_ =	shalt  }
0x84: {  	_ =	shalt  }
0x85: {  	_ =	shalt  }
0x86: {  	_ =	shalt  }
0x87: {  	_ =	shalt  }
.Lfunc_end0:
.L_simem_size_0:
called_computation.1_lowered:
.L_overlay_start_0:
0x88: {  	s2 =	sld [smem:$0x3FD9]  }
0x89: {  	s3 =	sld [smem:$0x3FFE];
	_ =	sdelay $0x1  }
0x8a: {  	s1 =	srdreg.scid  }
0x8b: {  	s0 =	sand.u32 $0x1, s1  }
0x8c: {  	s17 =	sshll.u32 s0, $0xA;
	s2 =	sadd.s32 s3, s2  }
0x8d: {  	s2 =	sadd.s32 s2, s17  }
0x8e: {  	[smem:$0x3FC2] =	sst s2  }
0x8f: {  	_ = 	snop  }
0x90: {  	s2 =	sld [smem:$0x3FD0];
	(tm) =	ssettm $0x1  }
0x91: {  	s18 =	sld [smem:$0x3FFB];
	_ =	sdelay $0x3  }
0x92: {  	_ =	strace s18  }
0x93: {  	s3 =	sld [smem:$0x3FFC];
	_ =	sdelay $0x3  }
0x94: {  	_ =	strace s3  }
0x95: {  	s3 =	sld [smem:$0x3FFD];
	_ =	sdelay $0x3  }
0x96: {  	_ =	strace s3  }
0x97: {  	_ =	strace $0x8FFFFFFF  }
0x98: {  	s19 =	sld [smem:$0x3FDB];
	_ =	sdelay $0x1  }
0x99: {  	s4 =	simm.s32 $_scs_section_size  }
0x9a: {  	s5 =	simm.s32 $_size__tile_overlayer_lowered;
	s6 =	simm.s32 $_tile_overlayer_lowered  }
0x9b: {  	s22 =	simm.s32 $0x1BFF;
	s21 =	sshll.u32 s6, $0x1;
	s3 =	sadd.s32 s4, s19  }
0x9c: {  	s7 =	simm.s32 $0x0;
	s20 =	sshll.u32 s5, $0x1;
	s5 =	sadd.s32 s21, s3  }
0x9d: {  	[timem:s7], [sflag:s22] =	dma.local [hbm:s5], s20  }
0x9e: {  	_ =	swait.ge [sflag:s22], s20  }
0x9f: {  	s4 =	ssub.s32 $0x0, s20;
	[sflag:s22] =	ssyncset.done $0x0  }
0xa0: {  	[sflag:s22] =	ssyncadd.s32 s4;
	_ =	sdelay $0x1  }
0xa1: {  	s23 =	simm.s32 $0x1B8B  }
0xa2: {  	_ =	swait.ge [sflag:s23], $0x1  }
0xa3: {  	[sflag:s23] =	ssyncset.done $0x0  }
0xa4: {  	s25 =	simm.s32 $0x1B8E;
	s24 =	sld [smem:$0x3FFE];
	[sflag:s23] =	ssyncadd.s32 $0xFFFFFFFF  }
0xa5: {  	s26 =	simm.s32 $execute0_lowered;
	[smem:$0x3FD2] =	sst s25  }
0xa6: {  	s5 =	sshll.u32 s26, $0x1;
	_ =	strace $0x80000049;
	[dreg:$0x1] =	wrdreg $0xFFFFFFFF  }
0xa7: {  	s28 =	simm.s32 $_size_execute0_lowered;
	s3 =	sadd.s32 s3, s5;
	[dreg:$0x0] =	wrdreg $0x0  }
0xa8: {  	s5 =	sshll.u32 s28, $0x1;
	[dreg:$0x2] =	wrdreg s3  }
0xa9: {  	[dreg:$0x3] =	wrdreg s5  }
0xaa: {  	[dreg:$0x4] =	wrdreg $0xC0  }
0xab: {  	_ =	task [dreg:s7], $0x5FFFF  }
0xac: {  	[dreg:$0x1] =	wrdreg $0xFFFFFFFF  }
0xad: {  	[dreg:$0x0] =	wrdreg $0x60  }
0xae: {  	[dreg:$0x2] =	wrdreg s24  }
0xaf: {  	[dreg:$0x3] =	wrdreg s2  }
0xb0: {  	[dreg:$0x4] =	wrdreg $0x6AC00  }
0xb1: {  	[dreg:$0x5] =	wrdreg $0x9  }
0xb2: {  	_ =	task.clear_ibuf [dreg:s7], $0x6FFFF;
	_ =	strace $0x90000049  }
0xb3: {  	s29 =	simm.s32 $0x9;
	_ =	strace $0x8000004E  }
0xb4: {  	_ =	swait.ge [sflag:s29], $0x1  }
0xb5: {  	[sflag:s29] =	ssyncadd.s32 $0xFFFFFFFF  }
0xb6: {  	_ =	strace $0x9000004E  }
0xb7: {  	_ =	sfence  }
0xb8: {  	s30 =	sld [smem:$0x0];
	_ =	sdelay $0x2  }
0xb9: {  	s31 =	sshll.u32 s1, $0xD;
	s1 =	sshrl.u32 s1, $0x2  }
0xba: {  	s3 =	sand.u32 $0x4000, s31;
	s1 =	sadd.s32 s1, s30  }
0xbb: {  	s0 =	sor.u32 s3, s0;
	s1 =	sshll.u32 s1, $0x11  }
0xbc: {  	s0 =	sor.u32 s1, s0  }
0xbd: {  	s0 =	sadd.s32 $0x8F2B, s0  }
0xbe: {  	[sflag:s0] =	ssyncadd.remote.s32 $0x1  }
0xbf: {  	_ =	sfence.sel $0xFFFF  }
0xc0: {  	[dreg:$0x0] =	wrdreg $0xFFFFFFFF;
	(pc) =	sbr.abs _section_cstart, $3  }
0xc1: {  	[dreg:$0x1] =	wrdreg $0xFFFFFFFF  }
0xc2: {  	_ =	task.clear_ibuf [dreg:s7], $0x2FFFF;
	_ =	strace $0x9FFFFFFF  }
0xc3: {  	(tm) =	ssettm $0x7FFFFFFF  }
tec
execute0_lowered:
.L_overlay_start_1:
0x0: {  	(tag) =	ssettag $0x1  }
0x1: {  	s0 =	rddreg [dreg:$0x0]  }
0x2: {  	s2 =	rddreg [dreg:$0x1]  }
0x3: {  	s1 =	rddreg [dreg:$0x2]  }
0x4: {  	s3 =	simm.s32 $0x0;
	s4 =	srdreg.scid;
	s6 =	stileid.u32  }
0x5: {  	s15 =	simm.s32 $0x5E80;
	s16 =	simm.s32 $0x6;
	s17 =	simm.s32 $0x4600  }
0x6: {  	s18 =	simm.s32 $0x1;
	s19 =	simm.s32 $0x80;
	s20 =	simm.s32 $0x600  }
0x7: {  	s28 =	simm.s32 $0x200;
	s30 =	simm.s32 $0x180;
	s14 =	simm.s32 $0x4  }
0x8: {  	[smem:$0x7FF] =	sst s3;
	s7 =	sand.u32 $0x1, s4;
	s4 =	smul.u32 $0xC40, s6  }
0x9: {  	s5 =	sadd.s32 $0x208200, s0;
	s9 =	sadd.s32 $0x1C200, s0;
	s11 =	smul.u32 $0x19000, s6  }
0xa: {  	s6 =	sadd.s32 $0x80200, s0;
	s8 =	smul.u32 $0x190000, s7;
	s10 =	ssub.s32 $0x2, s7  }
0xb: {  	_ =	strace $0x8000004A;
	s7 =	smul.u32 $0xC400, s7;
	s21 =	sshrl.u32 s10, $0x1  }
0xc: {  	s22 =	sshrl.u32 s4, $0x3;
	s0 =	ssub.s32 s10, s21;
	s8 =	sadd.s32 s11, s8  }
0xd: {  	s2 =	sadd.s32 s2, s22;
	s24 =	sadd.s32 s4, s7;
	s22 =	simm.s32 $0x1600  }
0xe: {  	s10 =	simm.s32 $0x5;
	[dreg:$0x4] =	wrdreg s2;
	s23 =	sshrl.u32 s8, $0x3  }
0xf: {  	s26 =	sshll.u32 s24, $0x2;
	s8 =	sor.u32 $0x400, s8;
	s12 =	sor.u32 $0x31, s24  }
0x10: {  	s0 =	smax.u32 s0, $0x1;
	s24 =	simm.s32 $0x3;
	s25 =	sadd.s32 s9, s23  }
.Ltmp0:
0x11: {  	s2 =	sadd.s32 s5, s26;
	[dreg:$0x8] =	wrdreg s0;
	(pc) =	sbr.rel .LBB2_1-.Ltmp0, $4  }
0x12: {  	s29 =	sshrl.u32 s8, $0x3;
	s26 =	simm.s32 $0x100;
	[dreg:$0x5] =	wrdreg s25  }
0x13: {  	s8 =	simm.s32 $0x5860;
	s11 =	sadd.s32 $0x40, s25;
	[dreg:$0x7] =	wrdreg s2  }
0x14: {  	s31 =	sadd.s32 s29, s9;
	s25 =	simm.s32 $0x2;
	[dreg:$0x6] =	wrdreg s11  }
0x15: {  	s2 =	simm.s32 $0x0;
	[dreg:$0x9] =	wrdreg s31;
	s11 =	simm.s32 $0x4C20  }
.LBB2_45:
0x16: {  	s2 =	rddreg [dreg:$0xa]  }
0x17: {  	s0 =	rddreg [dreg:$0x8];
	s2 =	sadd.s32 $0x1, s2  }
0x18: {  	p0 =	sne.s32 s2, s0  }
.Ltmp1:
0x19: {  	_ = 	snop;
	(pc) =	sbr.rel @!p0 .LBB2_46-.Ltmp1, $1  }
0x1a: {  	_ =	sdelay $0x3  }
.LBB2_1:
0x1b: {  	[dreg:$0xa] =	wrdreg s2  }
0x1c: {  	s0 =	rddreg [dreg:$0x4]  }
0x1d: {  	[tilespmem:s15], [sflag:$0x6] =	stream.linear.gather [hbm4b:s0+s3], $0xC40, $0x38;
	[tilespmem:$0x1F2C0] =	vst v63  }
0x1e: {  	_ =	swait.ge [sflag:s16], $0xC40  }
0x1f: {  	[sflag:s16] =	ssyncset.done $0x0  }
0x20: {  	s0 =	simm.s32 $0x0;
	[sflag:s16] =	ssyncadd.s32 $0xFFFFF3C0  }
.LBB2_2:
0x21: {  	s2 =	smul.u32 $0x31, s0;
	_ =	sdelay $0x1  }
0x22: {  	s2 =	sadd.s32 s4, s2  }
0x23: {  	s9 =	sadd.s32 s7, s2  }
0x24: {  	s9 =	sshll.u32 s9, $0x2  }
0x25: {  	s21 =	simm.s32 $0x0;
	s13 =	sadd.s32 s5, s9  }
0x26: {  	[tilespmem:s17], [sflag:$0x6] =	stream.linear.gather [hbm4b:s13+s21], $0x620, $0x38;
	[tilespmem:$0x1F2C0] =	vst v63  }
0x27: {  	_ =	swait.ge [sflag:s16], $0x620  }
0x28: {  	[sflag:s16] =	ssyncset.done $0x0  }
0x29: {  	s13 =	simm.s32 $0x0;
	[sflag:s16] =	ssyncadd.s32 $0xFFFFF9E0  }
0x2a: {  	s21 =	simm.s32 $0x80;
	v0 =	vld [tilespmem:s13+$0x4600]  }
.LBB2_3:
0x2b: {  	p0 =	sne.s32 s21, $0x1800;
	v1 =	vld [tilespmem:s13+$0x4610];
	_ =	sdelay $0x2  }
.Ltmp2:
0x2c: {  	(pc) =	sbr.rel @p0 .LBB2_3-.Ltmp2, $4  }
0x2d: {  	v0 =	vmul.f32 $1.000000000e+01, v0  }
0x2e: {  	v1 =	vmul.f32 $1.000000000e+01, v1  }
0x2f: {  	s23 =	sshra.s32 s21, $0x2;
	[tilespmem:s13+$0x4600] =	vst v0  }
0x30: {  	s21 =	sadd.s32 $0x80, s21;
	v0 =	vld [tilespmem:s23+$0x4600];
	[tilespmem:s13+$0x4610] =	vst v1;
	s13 =	smov.u32 s23  }
0x31: {  	v1 =	vld [tilespmem:s13+$0x4610];
	_ =	sdelay $0x3  }
0x32: {  	v0 =	vmul.f32 $1.000000000e+01, v0  }
0x33: {  	v1 =	vmul.f32 $1.000000000e+01, v1  }
0x34: {  	[tilespmem:s13+$0x4600] =	vst v0  }
0x35: {  	s9 =	sadd.s32 s6, s9;
	[tilespmem:s13+$0x4610] =	vst v1  }
0x36: {  	[hbm4b:s9+s3] =	stream.linear.scatter [tilespmem:s17], [sflag:$0x6], $0x620, $0x38;
	[tilespmem:$0x1F2C0] =	vst v63  }
0x37: {  	s2 =	sshll.u32 s2, $0x5;
	s0 =	sadd.s32 $0x1, s0;
	_ =	swait.ge [sflag:s16], $0x620  }
0x38: {  	s2 =	sand.u32 $0x3FFFFFE0, s2;
	p0 =	sne.s32 s0, $0x40;
	[sflag:s16] =	ssyncset.done $0x0  }
.Ltmp3:
0x39: {  	s2 =	sadd.s32 s2, s1;
	[sflag:s16] =	ssyncadd.s32 $0xFFFFF9E0;
	(pc) =	sbr.rel @p0 .LBB2_2-.Ltmp3, $4  }
0x3a: {  	[spmem:s2] =	stream.linear.scatter [tilespmem:s17], [sflag:$0x6], $0x620, $0x38;
	[tilespmem:$0x1F2C0] =	vst v63  }
0x3b: {  	_ =	swait.ge [sflag:s16], $0x620  }
0x3c: {  	[sflag:s16] =	ssyncset.done $0x0  }
0x3d: {  	[sflag:s16] =	ssyncadd.s32 $0xFFFFF9E0  }
.Ltmp4:
0x3e: {  	(pc) =	sbr.rel .LBB2_6-.Ltmp4, $3  }
0x3f: {  	_ =	sdelay $0x1  }
0x40: {  	[bflag:$0x0] =	sbarrier.arrive $0xFFFF  }
0x41: {  	s21 =	simm.s32 $0x0  }
.LBB2_44:
0x42: {  	s21 =	sadd.s32 $0x1, s21  }
0x43: {  	p0 =	sne.s32 s21, $0xA  }
.Ltmp5:
0x44: {  	_ =	swait.ge [sflag:s10], $0x620;
	(pc) =	sbr.rel @!p0 .LBB2_45-.Ltmp5, $4  }
0x45: {  	[sflag:s10] =	ssyncset.done $0x0  }
0x46: {  	[sflag:s10] =	ssyncadd.s32 $0xFFFFF9E0  }
0x47: {  	s26 =	simm.s32 $0x100;
	[bflag:$0x0] =	sbarrier.arrive $0xFFFF  }
0x48: {  	s28 =	simm.s32 $0x200;
	s30 =	simm.s32 $0x180;
	_ =	strace $0x9000004D  }
.LBB2_6:
0x49: {  	_ =	strace $0x8000004B  }
0x4a: {  	s2 =	simm.s32 $0x0;
	s0 =	rddreg [dreg:$0x5]  }
0x4b: {  	[tilespmem:s2], [sflag:$0x1] =	stream.linear.gather [hbm4b:s0+s2], $0x200, $0x200038;
	[tilespmem:$0x1F2C0] =	vst v63  }
0x4c: {  	_ =	swait.ge [sflag:s18], $0x200  }
0x4d: {  	[sflag:s18] =	ssyncset.done $0x0  }
0x4e: {  	[sflag:s18] =	ssyncadd.s32 $0xFFFFFE00  }
0x4f: {  	[tilespmem:s20], [sflag:$0x2] =	stream.indirect.gather [hbm4b:s6+s19], $0x20, s2, s19, $0x2000b8;
	[tilespmem:$0x1F2C0] =	vst v63  }
0x50: {  	_ = 	snop  }
0x51: {  	[tilespmem:s22], [sflag:$0x2] =	stream.indirect.gather [hbm4b:s6+s19], $0x20, s26, s19, $0x2000b8;
	[tilespmem:$0x1F2C0] =	vst v63  }
.Ltmp6:
0x52: {  	s31 =	rddreg [dreg:$0x6];
	(pc) =	sbr.rel .LBB2_7-.Ltmp6, $4  }
0x53: {  	[tilespmem:s28], [sflag:$0x1] =	stream.linear.gather [hbm4b:s31+s2], $0x200, $0x200038;
	[tilespmem:$0x1F2C0] =	vst v63  }
0x54: {  	_ =	strace $0x9000004B  }
0x55: {  	_ =	strace $0x8000004C  }
0x56: {  	s23 =	simm.s32 $0x2600;
	s0 =	simm.s32 $0x0;
	s29 =	rddreg [dreg:$0x9]  }
.LBB2_12:
0x57: {  	p0 =	seq.s32 s2, $0x3  }
.Ltmp7:
0x58: {  	_ = 	snop;
	(pc) =	sbr.rel @p0 .LBB2_29-.Ltmp7, $1  }
0x59: {  	_ =	sdelay $0x3  }
0x5a: {  	p0 =	seq.s32 s2, $0x4  }
0x5b: {  	p1 =	sne.s32 @p0 s0, $0xC7  }
0x5c: {  	p2 =	por !p1, !p0  }
0x5d: {  	s2 =	simm.s32 @!p2 $0x1  }
0x5e: {  	_ =	swait.ge @!p2 [sflag:s2], $0x200  }
0x5f: {  	[sflag:s2] =	ssyncset.done @!p2 $0x0  }
0x60: {  	[sflag:s2] =	ssyncadd.s32 @!p2 $0xFFFFFE00;
	s2 =	simm.s32 @!p2 $0x3  }
0x61: {  	_ =	swait.ge @!p2 [sflag:s2], $0x2000  }
0x62: {  	s9 =	simm.s32 @!p2 $0x400;
	[sflag:s2] =	ssyncset.done @!p2 $0x0  }
0x63: {  	s13 =	simm.s32 @!p2 $0x2600;
	[sflag:s2] =	ssyncadd.s32 @!p2 $0xFFFFE000;
	s2 =	simm.s32 @!p2 $0x80  }
0x64: {  	[tilespmem:s13], [sflag:$0x2] =	stream.indirect.gather @!p2 [hbm4b:s6+s2], $0x20, s9, s2, $0x2000b8;
	[tilespmem:$0x1F2C0] =	vst v63  }
0x65: {  	s9 =	simm.s32 @!p2 $0x500;
	s13 =	simm.s32 @!p2 $0x3600  }
0x66: {  	[tilespmem:s13], [sflag:$0x2] =	stream.indirect.gather @!p2 [hbm4b:s6+s2], $0x20, s9, s2, $0x2000b8;
	[tilespmem:$0x1F2C0] =	vst v63  }
0x67: {  	p2 =	sgt.u32 @!p2 s0, $0xC5  }
0x68: {  	p2 =	por @p0 p2, !p1  }
0x69: {  	p2 =	por p2, !p0  }
0x6a: {  	p1 =	por p1, !p0;
	s2 =	simm.s32 @!p2 $0x0  }
0x6b: {  	[tilespmem:s2], [sflag:$0x1] =	stream.linear.gather @!p2 [hbm4b:s29+s2], $0x200, $0x200038;
	[tilespmem:$0x1F2C0] =	vst v63  }
0x6c: {  	s2 =	simm.s32 @!p1 $0x3  }
0x6d: {  	_ =	swait.ge @!p1 [sflag:s2], $0x2000  }
0x6e: {  	[sflag:s2] =	ssyncset.done @!p1 $0x0  }
0x6f: {  	[sflag:s2] =	ssyncadd.s32 @!p1 $0xFFFFE000;
	s2 =	simm.s32 @p0 $0x2  }
0x70: {  	_ =	swait.ge @p0 [sflag:s2], $0x2000  }
0x71: {  	s9 =	simm.s32 @p0 $0x280;
	s13 =	simm.s32 @p0 $0x600;
	[sflag:s2] =	ssyncset.done @p0 $0x0  }
0x72: {  	p1 =	sne.s32 @!p0 s0, $0xC7;
	[sflag:s2] =	ssyncadd.s32 @p0 $0xFFFFE000;
	s2 =	simm.s32 @p0 $0x80  }
0x73: {  	[spmem:s1] =	stream.indirect.scatter.add.f32 @p0 [tilespmem:s13], [sflag:$0x3], $0x20, s9, s2, $0x2000b8;
	[tilespmem:$0x1F2C0] =	vst v63  }
0x74: {  	p2 =	por !p1, p0;
	s9 =	simm.s32 @p0 $0x380;
	s13 =	simm.s32 @p0 $0x1600  }
0x75: {  	[spmem:s1] =	stream.indirect.scatter.add.f32 @p0 [tilespmem:s13], [sflag:$0x3], $0x20, s9, s2, $0x2000b8;
	[tilespmem:$0x1F2C0] =	vst v63  }
0x76: {  	s2 =	simm.s32 @!p2 $0x1  }
0x77: {  	_ =	swait.ge @!p2 [sflag:s2], $0x200  }
0x78: {  	[sflag:s2] =	ssyncset.done @!p2 $0x0  }
0x79: {  	[sflag:s2] =	ssyncadd.s32 @!p2 $0xFFFFFE00;
	s2 =	simm.s32 @!p2 $0x3  }
0x7a: {  	_ =	swait.ge @!p2 [sflag:s2], $0x2000  }
0x7b: {  	s9 =	simm.s32 @!p2 $0x0;
	[sflag:s2] =	ssyncset.done @!p2 $0x0  }
0x7c: {  	s13 =	simm.s32 @!p2 $0x600;
	[sflag:s2] =	ssyncadd.s32 @!p2 $0xFFFFE000;
	s2 =	simm.s32 @!p2 $0x80  }
0x7d: {  	[tilespmem:s13], [sflag:$0x2] =	stream.indirect.gather @!p2 [hbm4b:s6+s2], $0x20, s9, s2, $0x2000b8;
	[tilespmem:$0x1F2C0] =	vst v63  }
0x7e: {  	s9 =	simm.s32 @!p2 $0x100;
	s13 =	simm.s32 @!p2 $0x1600  }
0x7f: {  	[tilespmem:s13], [sflag:$0x2] =	stream.indirect.gather @!p2 [hbm4b:s6+s2], $0x20, s9, s2, $0x2000b8;
	[tilespmem:$0x1F2C0] =	vst v63  }
0x80: {  	p2 =	sgt.u32 @!p2 s0, $0xC5  }
0x81: {  	p2 =	por @!p0 p2, !p1  }
0x82: {  	p2 =	por p2, p0  }
0x83: {  	p1 =	por p1, p0;
	s2 =	simm.s32 @!p2 $0x0;
	s9 =	simm.s32 @!p2 $0x200  }
0x84: {  	[tilespmem:s9], [sflag:$0x1] =	stream.linear.gather @!p2 [hbm4b:s29+s2], $0x200, $0x200038;
	[tilespmem:$0x1F2C0] =	vst v63  }
0x85: {  	s2 =	simm.s32 @!p1 $0x3  }
0x86: {  	_ =	swait.ge @!p1 [sflag:s2], $0x2000  }
0x87: {  	[sflag:s2] =	ssyncset.done @!p1 $0x0  }
0x88: {  	[sflag:s2] =	ssyncadd.s32 @!p1 $0xFFFFE000;
	s2 =	simm.s32 @!p0 $0x2  }
0x89: {  	_ =	swait.ge @!p0 [sflag:s2], $0x2000  }
0x8a: {  	s13 =	simm.s32 @!p0 $0x2600;
	[sflag:s2] =	ssyncset.done @!p0 $0x0  }
0x8b: {  	s9 =	simm.s32 @!p0 $0x480;
	[sflag:s2] =	ssyncadd.s32 @!p0 $0xFFFFE000;
	s2 =	simm.s32 @!p0 $0x80  }
0x8c: {  	[spmem:s1] =	stream.indirect.scatter.add.f32 @!p0 [tilespmem:s13], [sflag:$0x3], $0x20, s9, s2, $0x2000b8;
	[tilespmem:$0x1F2C0] =	vst v63  }
0x8d: {  	s9 =	simm.s32 @!p0 $0x580;
	s13 =	simm.s32 @!p0 $0x3600  }
0x8e: {  	[spmem:s1] =	stream.indirect.scatter.add.f32 @!p0 [tilespmem:s13], [sflag:$0x3], $0x20, s9, s2, $0x2000b8;
	[tilespmem:$0x1F2C0] =	vst v63  }
.LBB2_34:
0x8f: {  	s0 =	sadd.s32 $0x1, s0  }
0x90: {  	p0 =	sne.s32 s0, $0xC8  }
.Ltmp8:
0x91: {  	_ = 	snop;
	(pc) =	sbr.rel @!p0 .LBB2_35-.Ltmp8, $2  }
0x92: {  	_ =	sdelay $0x2  }
0x93: {  	s29 =	sadd.s32 $0x40, s29  }
.LBB2_7:
0x94: {  	s2 =	smul.u32 $0xAB, s0;
	_ =	sdelay $0x1  }
0x95: {  	s2 =	sshrl.u32 s2, $0xA  }
0x96: {  	s2 =	sand.u32 $0x3F, s2  }
0x97: {  	s2 =	smul.u32 $0x6, s2;
	_ =	sdelay $0x1  }
0x98: {  	s2 =	ssub.s32 s0, s2  }
0x99: {  	s2 =	sand.u32 $0xFF, s2  }
0x9a: {  	p0 =	sgt.s32 s2, $0x2  }
.Ltmp9:
0x9b: {  	_ = 	snop;
	(pc) =	sbr.rel @p0 .LBB2_12-.Ltmp9, $1  }
0x9c: {  	_ =	sdelay $0x3  }
0x9d: {  	p0 =	seq.s32 s2, $0x0  }
.Ltmp10:
0x9e: {  	_ = 	snop;
	(pc) =	sbr.rel @p0 .LBB2_14-.Ltmp10, $1  }
0x9f: {  	_ =	sdelay $0x3  }
0xa0: {  	p0 =	seq.s32 s2, $0x1  }
.Ltmp11:
0xa1: {  	_ = 	snop;
	(pc) =	sbr.rel @!p0 .LBB2_24-.Ltmp11, $1  }
0xa2: {  	_ =	sdelay $0x3  }
0xa3: {  	p0 =	sne.s32 s0, $0xC7  }
.Ltmp12:
0xa4: {  	_ = 	snop;
	(pc) =	sbr.rel @p0 .LBB2_21-.Ltmp12, $1  }
0xa5: {  	_ =	sdelay $0x3  }
.Ltmp13:
0xa6: {  	(pc) =	sbr.rel .LBB2_22-.Ltmp13, $4  }
0xa7: {  	_ = 	snop  }
0xa8: {  	_ =	swait.ge [sflag:s24], $0x2000  }
0xa9: {  	[sflag:s24] =	ssyncset.done $0x0  }
0xaa: {  	[sflag:s24] =	ssyncadd.s32 $0xFFFFE000  }
.LBB2_29:
0xab: {  	p0 =	sne.s32 s0, $0xC7  }
.Ltmp14:
0xac: {  	_ = 	snop;
	(pc) =	sbr.rel @p0 .LBB2_31-.Ltmp14, $1  }
0xad: {  	_ =	sdelay $0x3  }
.Ltmp15:
0xae: {  	(pc) =	sbr.rel .LBB2_32-.Ltmp15, $4  }
0xaf: {  	_ = 	snop  }
0xb0: {  	_ =	swait.ge [sflag:s24], $0x2000  }
0xb1: {  	[sflag:s24] =	ssyncset.done $0x0  }
0xb2: {  	[sflag:s24] =	ssyncadd.s32 $0xFFFFE000  }
.LBB2_14:
0xb3: {  	p0 =	sne.s32 s0, $0xC7  }
.Ltmp16:
0xb4: {  	_ = 	snop;
	(pc) =	sbr.rel @p0 .LBB2_16-.Ltmp16, $1  }
0xb5: {  	_ =	sdelay $0x3  }
.Ltmp17:
0xb6: {  	(pc) =	sbr.rel .LBB2_20-.Ltmp17, $4  }
0xb7: {  	_ = 	snop  }
0xb8: {  	_ =	swait.ge [sflag:s24], $0x2000  }
0xb9: {  	[sflag:s24] =	ssyncset.done $0x0  }
0xba: {  	[sflag:s24] =	ssyncadd.s32 $0xFFFFE000  }
.LBB2_24:
0xbb: {  	p0 =	sne.s32 s0, $0xC7  }
.Ltmp18:
0xbc: {  	_ = 	snop;
	(pc) =	sbr.rel @p0 .LBB2_26-.Ltmp18, $1  }
0xbd: {  	_ =	sdelay $0x3  }
.Ltmp19:
0xbe: {  	(pc) =	sbr.rel .LBB2_27-.Ltmp19, $4  }
0xbf: {  	_ = 	snop  }
0xc0: {  	_ =	swait.ge [sflag:s24], $0x2000  }
0xc1: {  	[sflag:s24] =	ssyncset.done $0x0  }
0xc2: {  	[sflag:s24] =	ssyncadd.s32 $0xFFFFE000  }
.LBB2_31:
0xc3: {  	_ =	swait.ge [sflag:s18], $0x200  }
0xc4: {  	[sflag:s18] =	ssyncset.done $0x0  }
0xc5: {  	[sflag:s18] =	ssyncadd.s32 $0xFFFFFE00  }
0xc6: {  	p0 =	slt.u32 s0, $0xC6;
	_ =	swait.ge [sflag:s24], $0x2000  }
.Ltmp20:
0xc7: {  	[sflag:s24] =	ssyncset.done $0x0;
	(pc) =	sbr.rel @!p0 .LBB2_32-.Ltmp20, $4  }
0xc8: {  	[sflag:s24] =	ssyncadd.s32 $0xFFFFE000  }
0xc9: {  	[tilespmem:s20], [sflag:$0x2] =	stream.indirect.gather [hbm4b:s6+s19], $0x20, s28, s19, $0x2000b8;
	[tilespmem:$0x1F2C0] =	vst v63  }
0xca: {  	s2 =	simm.s32 $0x300  }
0xcb: {  	[tilespmem:s22], [sflag:$0x2] =	stream.indirect.gather [hbm4b:s6+s19], $0x20, s2, s19, $0x2000b8;
	[tilespmem:$0x1F2C0] =	vst v63  }
0xcc: {  	s2 =	simm.s32 $0x400  }
0xcd: {  	[tilespmem:s2], [sflag:$0x1] =	stream.linear.gather [hbm4b:s29+s3], $0x200, $0x200038;
	[tilespmem:$0x1F2C0] =	vst v63  }
0xce: {  	_ =	swait.ge [sflag:s25], $0x2000  }
.Ltmp21:
0xcf: {  	[sflag:s25] =	ssyncset.done $0x0;
	(pc) =	sbr.rel .LBB2_34-.Ltmp21, $4  }
0xd0: {  	[sflag:s25] =	ssyncadd.s32 $0xFFFFE000  }
0xd1: {  	[spmem:s1] =	stream.indirect.scatter.add.f32 [tilespmem:s23], [sflag:$0x3], $0x20, s19, s19, $0x2000b8;
	[tilespmem:$0x1F2C0] =	vst v63  }
0xd2: {  	s31 =	simm.s32 $0x3600  }
0xd3: {  	[spmem:s1] =	stream.indirect.scatter.add.f32 [tilespmem:s31], [sflag:$0x3], $0x20, s30, s19, $0x2000b8;
	[tilespmem:$0x1F2C0] =	vst v63  }
.LBB2_32:
0xd4: {  	_ =	swait.ge [sflag:s25], $0x2000  }
.Ltmp22:
0xd5: {  	[sflag:s25] =	ssyncset.done $0x0;
	(pc) =	sbr.rel .LBB2_34-.Ltmp22, $4  }
0xd6: {  	[sflag:s25] =	ssyncadd.s32 $0xFFFFE000  }
0xd7: {  	[spmem:s1] =	stream.indirect.scatter.add.f32 [tilespmem:s23], [sflag:$0x3], $0x20, s19, s19, $0x2000b8;
	[tilespmem:$0x1F2C0] =	vst v63  }
0xd8: {  	s2 =	simm.s32 $0x3600  }
0xd9: {  	[spmem:s1] =	stream.indirect.scatter.add.f32 [tilespmem:s2], [sflag:$0x3], $0x20, s30, s19, $0x2000b8;
	[tilespmem:$0x1F2C0] =	vst v63  }
.LBB2_16:
0xda: {  	p0 =	sne.s32 s0, $0x0  }
.Ltmp23:
0xdb: {  	_ = 	snop;
	(pc) =	sbr.rel @!p0 .LBB2_17-.Ltmp23, $4  }
0xdc: {  	_ = 	snop  }
0xdd: {  	_ =	swait.ge [sflag:s18], $0x200  }
0xde: {  	[sflag:s18] =	ssyncset.done $0x0  }
0xdf: {  	[sflag:s18] =	ssyncadd.s32 $0xFFFFFE00  }
0xe0: {  	_ =	swait.ge [sflag:s24], $0x2000;
	p0 =	sgt.u32 s0, $0xC5  }
.Ltmp24:
0xe1: {  	[sflag:s24] =	ssyncset.done $0x0;
	(pc) =	sbr.rel @p0 .LBB2_20-.Ltmp24, $4  }
.Ltmp25:
0xe2: {  	[sflag:s24] =	ssyncadd.s32 $0xFFFFE000;
	(pc) =	sbr.rel @!p0 .LBB2_19-.Ltmp25, $4  }
0xe3: {  	[tilespmem:s23], [sflag:$0x2] =	stream.indirect.gather [hbm4b:s6+s19], $0x20, s28, s19, $0x2000b8;
	[tilespmem:$0x1F2C0] =	vst v63  }
0xe4: {  	s2 =	simm.s32 $0x300;
	s9 =	simm.s32 $0x3600  }
0xe5: {  	[tilespmem:s9], [sflag:$0x2] =	stream.indirect.gather [hbm4b:s6+s19], $0x20, s2, s19, $0x2000b8;
	[tilespmem:$0x1F2C0] =	vst v63  }
0xe6: {  	_ = 	snop  }
.LBB2_21:
0xe7: {  	_ =	swait.ge [sflag:s18], $0x200  }
0xe8: {  	[sflag:s18] =	ssyncset.done $0x0  }
0xe9: {  	[sflag:s18] =	ssyncadd.s32 $0xFFFFFE00  }
0xea: {  	p0 =	slt.u32 s0, $0xC6;
	_ =	swait.ge [sflag:s24], $0x2000  }
.Ltmp26:
0xeb: {  	[sflag:s24] =	ssyncset.done $0x0;
	(pc) =	sbr.rel @!p0 .LBB2_22-.Ltmp26, $4  }
0xec: {  	s2 =	simm.s32 $0x400;
	[sflag:s24] =	ssyncadd.s32 $0xFFFFE000  }
0xed: {  	[tilespmem:s20], [sflag:$0x2] =	stream.indirect.gather [hbm4b:s6+s19], $0x20, s2, s19, $0x2000b8;
	[tilespmem:$0x1F2C0] =	vst v63  }
0xee: {  	s31 =	simm.s32 $0x500  }
0xef: {  	[tilespmem:s22], [sflag:$0x2] =	stream.indirect.gather [hbm4b:s6+s19], $0x20, s31, s19, $0x2000b8;
	[tilespmem:$0x1F2C0] =	vst v63  }
0xf0: {  	[tilespmem:s3], [sflag:$0x1] =	stream.linear.gather [hbm4b:s29+s3], $0x200, $0x200038;
	[tilespmem:$0x1F2C0] =	vst v63  }
0xf1: {  	_ =	swait.ge [sflag:s25], $0x2000  }
.Ltmp27:
0xf2: {  	[sflag:s25] =	ssyncset.done $0x0;
	(pc) =	sbr.rel .LBB2_34-.Ltmp27, $4  }
0xf3: {  	s2 =	simm.s32 $0x280;
	[sflag:s25] =	ssyncadd.s32 $0xFFFFE000  }
0xf4: {  	[spmem:s1] =	stream.indirect.scatter.add.f32 [tilespmem:s23], [sflag:$0x3], $0x20, s2, s19, $0x2000b8;
	[tilespmem:$0x1F2C0] =	vst v63  }
0xf5: {  	s31 =	simm.s32 $0x3600;
	s9 =	simm.s32 $0x380  }
0xf6: {  	[spmem:s1] =	stream.indirect.scatter.add.f32 [tilespmem:s31], [sflag:$0x3], $0x20, s9, s19, $0x2000b8;
	[tilespmem:$0x1F2C0] =	vst v63  }
.LBB2_22:
0xf7: {  	_ =	swait.ge [sflag:s25], $0x2000  }
.Ltmp28:
0xf8: {  	[sflag:s25] =	ssyncset.done $0x0;
	(pc) =	sbr.rel .LBB2_34-.Ltmp28, $4  }
0xf9: {  	s2 =	simm.s32 $0x280;
	[sflag:s25] =	ssyncadd.s32 $0xFFFFE000  }
0xfa: {  	[spmem:s1] =	stream.indirect.scatter.add.f32 [tilespmem:s23], [sflag:$0x3], $0x20, s2, s19, $0x2000b8;
	[tilespmem:$0x1F2C0] =	vst v63  }
0xfb: {  	s31 =	simm.s32 $0x3600;
	s9 =	simm.s32 $0x380  }
0xfc: {  	[spmem:s1] =	stream.indirect.scatter.add.f32 [tilespmem:s31], [sflag:$0x3], $0x20, s9, s19, $0x2000b8;
	[tilespmem:$0x1F2C0] =	vst v63  }
.LBB2_26:
0xfd: {  	_ =	swait.ge [sflag:s18], $0x200  }
0xfe: {  	[sflag:s18] =	ssyncset.done $0x0  }
0xff: {  	[sflag:s18] =	ssyncadd.s32 $0xFFFFFE00  }
0x100: {  	p0 =	slt.u32 s0, $0xC6;
	_ =	swait.ge [sflag:s24], $0x2000  }
.Ltmp29:
0x101: {  	[sflag:s24] =	ssyncset.done $0x0;
	(pc) =	sbr.rel @!p0 .LBB2_27-.Ltmp29, $4  }
0x102: {  	[sflag:s24] =	ssyncadd.s32 $0xFFFFE000  }
0x103: {  	[tilespmem:s23], [sflag:$0x2] =	stream.indirect.gather [hbm4b:s6+s19], $0x20, s3, s19, $0x2000b8;
	[tilespmem:$0x1F2C0] =	vst v63  }
0x104: {  	s2 =	simm.s32 $0x3600  }
0x105: {  	[tilespmem:s2], [sflag:$0x2] =	stream.indirect.gather [hbm4b:s6+s19], $0x20, s26, s19, $0x2000b8;
	[tilespmem:$0x1F2C0] =	vst v63  }
0x106: {  	[tilespmem:s28], [sflag:$0x1] =	stream.linear.gather [hbm4b:s29+s3], $0x200, $0x200038;
	[tilespmem:$0x1F2C0] =	vst v63  }
0x107: {  	_ =	swait.ge [sflag:s25], $0x2000  }
.Ltmp30:
0x108: {  	[sflag:s25] =	ssyncset.done $0x0;
	(pc) =	sbr.rel .LBB2_34-.Ltmp30, $4  }
0x109: {  	s2 =	simm.s32 $0x480;
	[sflag:s25] =	ssyncadd.s32 $0xFFFFE000  }
0x10a: {  	[spmem:s1] =	stream.indirect.scatter.add.f32 [tilespmem:s20], [sflag:$0x3], $0x20, s2, s19, $0x2000b8;
	[tilespmem:$0x1F2C0] =	vst v63  }
0x10b: {  	s31 =	simm.s32 $0x580  }
0x10c: {  	[spmem:s1] =	stream.indirect.scatter.add.f32 [tilespmem:s22], [sflag:$0x3], $0x20, s31, s19, $0x2000b8;
	[tilespmem:$0x1F2C0] =	vst v63  }
.LBB2_27:
0x10d: {  	_ =	swait.ge [sflag:s25], $0x2000  }
.Ltmp31:
0x10e: {  	[sflag:s25] =	ssyncset.done $0x0;
	(pc) =	sbr.rel .LBB2_34-.Ltmp31, $4  }
0x10f: {  	s2 =	simm.s32 $0x480;
	[sflag:s25] =	ssyncadd.s32 $0xFFFFE000  }
0x110: {  	[spmem:s1] =	stream.indirect.scatter.add.f32 [tilespmem:s20], [sflag:$0x3], $0x20, s2, s19, $0x2000b8;
	[tilespmem:$0x1F2C0] =	vst v63  }
0x111: {  	s31 =	simm.s32 $0x580  }
0x112: {  	[spmem:s1] =	stream.indirect.scatter.add.f32 [tilespmem:s22], [sflag:$0x3], $0x20, s31, s19, $0x2000b8;
	[tilespmem:$0x1F2C0] =	vst v63  }
.LBB2_17:
0x113: {  	[tilespmem:s23], [sflag:$0x2] =	stream.indirect.gather [hbm4b:s6+s19], $0x20, s28, s19, $0x2000b8;
	[tilespmem:$0x1F2C0] =	vst v63  }
0x114: {  	s2 =	simm.s32 $0x300;
	s9 =	simm.s32 $0x3600  }
0x115: {  	[tilespmem:s9], [sflag:$0x2] =	stream.indirect.gather [hbm4b:s6+s19], $0x20, s2, s19, $0x2000b8;
	[tilespmem:$0x1F2C0] =	vst v63  }
.LBB2_19:
0x116: {  	s2 =	simm.s32 $0x400  }
0x117: {  	[tilespmem:s2], [sflag:$0x1] =	stream.linear.gather [hbm4b:s29+s3], $0x200, $0x200038;
	[tilespmem:$0x1F2C0] =	vst v63  }
.LBB2_20:
0x118: {  	_ =	swait.ge [sflag:s25], $0x2000  }
.Ltmp32:
0x119: {  	[sflag:s25] =	ssyncset.done $0x0;
	(pc) =	sbr.rel .LBB2_34-.Ltmp32, $4  }
0x11a: {  	[sflag:s25] =	ssyncadd.s32 $0xFFFFE000  }
0x11b: {  	[spmem:s1] =	stream.indirect.scatter.add.f32 [tilespmem:s20], [sflag:$0x3], $0x20, s19, s19, $0x2000b8;
	[tilespmem:$0x1F2C0] =	vst v63  }
0x11c: {  	_ = 	snop  }
0x11d: {  	[spmem:s1] =	stream.indirect.scatter.add.f32 [tilespmem:s22], [sflag:$0x3], $0x20, s30, s19, $0x2000b8;
	[tilespmem:$0x1F2C0] =	vst v63  }
.LBB2_35:
0x11e: {  	_ =	swait.ge [sflag:s24], $0x2000  }
0x11f: {  	[sflag:s24] =	ssyncset.done $0x0  }
0x120: {  	[sflag:s24] =	ssyncadd.s32 $0xFFFFE000  }
.Ltmp33:
0x121: {  	[bflag:$0x0] =	sbarrier.arrive $0xFFFF;
	(pc) =	sbr.rel .LBB2_36-.Ltmp33, $4  }
0x122: {  	_ =	strace $0x9000004C  }
0x123: {  	s0 =	simm.s32 $0x0;
	_ =	strace $0x8000004D  }
0x124: {  	s9 =	simm.s32 $0x5240;
	s29 =	simm.s32 $0x0;
	s2 =	rddreg [dreg:$0x7]  }
0x125: {  	[tilespmem:s9], [sflag:$0x4] =	stream.linear.gather [hbm4b:s2+s0], $0x620, $0x200038;
	[tilespmem:$0x1F2C0] =	vst v63  }
.LBB2_42:
0x126: {  	_ =	sdelay $0x1  }
0x127: {  	[tilespmem:s23+$0x4C20] =	vst v2  }
0x128: {  	v2 =	vld [tilespmem:s13+$0x4C20];
	[tilespmem:s23+$0x4C30] =	vst v1  }
0x129: {  	v0 =	vld.idx.msk [tilespmem:v0+s15+$0x0], $0xffff  }
0x12a: {  	v1 =	vld [tilespmem:s13+$0x4C30]  }
0x12b: {  	v3 =	vld [tilespmem:s13+$0x5860]  }
0x12c: {  	v4 =	vld [tilespmem:s13+$0x5870];
	_ =	sdelay $0x1  }
0x12d: {  	v2 =	vmul.f32 v2, v0  }
0x12e: {  	v0 =	vmul.f32 v1, v0  }
0x12f: {  	v63 =	vadd.f32 v3, v2  }
0x130: {  	v0 =	vadd.f32 v4, v0  }
0x131: {  	[tilespmem:s13+$0x4C20] =	vst v63  }
0x132: {  	[tilespmem:s13+$0x4C30] =	vst v0  }
0x133: {  	[spmem:s9] =	stream.linear.scatter [tilespmem:s11], [sflag:$0x6], $0x620, $0x200038;
	[tilespmem:$0x1F2C0] =	vst v63  }
0x134: {  	s2 =	sadd.s32 s7, s2;
	_ =	swait.ge [sflag:s16], $0x620  }
0x135: {  	s2 =	sshll.u32 s2, $0x2;
	[sflag:s16] =	ssyncset.done $0x0  }
0x136: {  	s2 =	sadd.s32 s6, s2;
	[sflag:s16] =	ssyncadd.s32 $0xFFFFF9E0  }
0x137: {  	[hbm4b:s2+s3] =	stream.linear.scatter [tilespmem:s11], [sflag:$0x5], $0x620, $0x200038;
	[tilespmem:$0x1F2C0] =	vst v63  }
.LBB2_43:
0x138: {  	s29 =	sadd.s32 $0x1, s29  }
0x139: {  	p0 =	sne.s32 s29, $0x40  }
.Ltmp34:
0x13a: {  	_ = 	snop;
	(pc) =	sbr.rel @!p0 .LBB2_44-.Ltmp34, $2  }
0x13b: {  	_ =	sdelay $0x2  }
0x13c: {  	s0 =	sadd.s32 $0x31, s0  }
.LBB2_36:
0x13d: {  	s2 =	sand.u32 $0x1, s29  }
0x13e: {  	p0 =	seq.s32 s2, $0x1  }
.Ltmp35:
0x13f: {  	_ = 	snop;
	(pc) =	sbr.rel @p0 .LBB2_40-.Ltmp35, $1  }
0x140: {  	_ =	sdelay $0x3  }
0x141: {  	s9 =	smul.u32 $0x31, s29;
	p0 =	seq.s32 s29, $0x0  }
0x142: {  	s13 =	simm.s32 @!p0 $0x5  }
0x143: {  	s23 =	sadd.s32 s9, s12;
	_ =	swait.ge @!p0 [sflag:s13], $0x620  }
0x144: {  	s23 =	sshll.u32 s23, $0x2;
	[sflag:s13] =	ssyncset.done @!p0 $0x0  }
0x145: {  	s23 =	sand.u32 $0x1FFFFFFC, s23;
	[sflag:s13] =	ssyncadd.s32 @!p0 $0xFFFFF9E0;
	s13 =	sadd.s32 s4, s9  }
0x146: {  	s30 =	simm.s32 $0x0;
	s26 =	sadd.s32 s5, s23;
	s9 =	sshll.u32 s13, $0x5  }
0x147: {  	[tilespmem:s8], [sflag:$0x4] =	stream.linear.gather [hbm4b:s26+s30], $0x620, $0x200038;
	[tilespmem:$0x1F2C0] =	vst v63  }
0x148: {  	s9 =	sand.u32 $0x3FFFFFE0, s9  }
0x149: {  	s9 =	sadd.s32 s9, s1  }
0x14a: {  	[tilespmem:s17], [sflag:$0x6] =	stream.linear.gather [spmem:s9], $0x620, $0x200038;
	[tilespmem:$0x1F2C0] =	vst v63  }
0x14b: {  	_ =	swait.ge [sflag:s16], $0x620  }
0x14c: {  	[sflag:s16] =	ssyncset.done $0x0  }
0x14d: {  	v0 =	vmov s0;
	[sflag:s16] =	ssyncadd.s32 $0xFFFFF9E0  }
0x14e: {  	_ =	swait.ge [sflag:s14], $0x620  }
0x14f: {  	[sflag:s14] =	ssyncset.done $0x0  }
0x150: {  	s23 =	simm.s32 $0x0;
	[sflag:s14] =	ssyncadd.s32 $0xFFFFF9E0  }
0x151: {  	v1 =	vld [tilespmem:s23+$0x4600]  }
0x152: {  	v0 =	vld.idx.msk [tilespmem:v0+s15+$0x0], $0xffff  }
0x153: {  	v2 =	vld [tilespmem:s23+$0x4610]  }
0x154: {  	v3 =	vld [tilespmem:s23+$0x5250]  }
0x155: {  	v4 =	vld [tilespmem:s23+$0x5240];
	_ =	sdelay $0x2  }
0x156: {  	s26 =	sadd.s32 $0x1, s0;
	v1 =	vmul.f32 v1, v0;
	v5 =	vmul.f32 v2, v0  }
0x157: {  	v0 =	vmov s26  }
0x158: {  	s31 =	simm.s32 $0x20;
	s28 =	simm.s32 $0x100;
	v2 =	vadd.f32 v4, v1;
	v1 =	vadd.f32 v3, v5  }
.LBB2_38:
0x159: {  	_ = 	snop  }
0x15a: {  	s30 =	sshra.s32 s28, $0x2;
	p0 =	sne.s32 s28, $0x1800;
	s28 =	sadd.s32 $0x80, s28;
	[tilespmem:s23+$0x4600] =	vst v2  }
0x15b: {  	v2 =	vld [tilespmem:s31+$0x4600];
	[tilespmem:s23+$0x4610] =	vst v1;
	s23 =	smov.u32 s31;
	s31 =	smov.u32 s30  }
0x15c: {  	v0 =	vld.idx.msk [tilespmem:v0+s15+$0x0], $0xffff  }
0x15d: {  	v1 =	vld [tilespmem:s23+$0x4610]  }
0x15e: {  	v3 =	vld [tilespmem:s23+$0x5250]  }
0x15f: {  	v4 =	vld [tilespmem:s23+$0x5240]  }
.Ltmp36:
0x160: {  	(pc) =	sbr.rel @p0 .LBB2_38-.Ltmp36, $4  }
0x161: {  	_ = 	snop  }
0x162: {  	s26 =	sadd.s32 $0x1, s26;
	v2 =	vmul.f32 v2, v0;
	v1 =	vmul.f32 v1, v0  }
0x163: {  	v0 =	vmov s26  }
0x164: {  	v2 =	vadd.f32 v4, v2;
	v1 =	vadd.f32 v3, v1  }
0x165: {  	_ =	sdelay $0x1  }
0x166: {  	[tilespmem:s23+$0x4600] =	vst v2  }
0x167: {  	v2 =	vld [tilespmem:s31+$0x4600];
	[tilespmem:s23+$0x4610] =	vst v1  }
0x168: {  	v0 =	vld.idx.msk [tilespmem:v0+s15+$0x0], $0xffff  }
0x169: {  	v1 =	vld [tilespmem:s31+$0x4610]  }
0x16a: {  	v3 =	vld [tilespmem:s31+$0x5240]  }
0x16b: {  	v4 =	vld [tilespmem:s31+$0x5250];
	_ =	sdelay $0x1  }
0x16c: {  	v2 =	vmul.f32 v2, v0  }
0x16d: {  	v0 =	vmul.f32 v1, v0  }
0x16e: {  	v63 =	vadd.f32 v3, v2  }
0x16f: {  	v0 =	vadd.f32 v4, v0  }
0x170: {  	[tilespmem:s31+$0x4600] =	vst v63  }
0x171: {  	p0 =	seq.s32 s2, $0x0;
	[tilespmem:s31+$0x4610] =	vst v0  }
0x172: {  	[spmem:s9] =	stream.linear.scatter [tilespmem:s17], [sflag:$0x6], $0x620, $0x200038;
	[tilespmem:$0x1F2C0] =	vst v63  }
.Ltmp37:
0x173: {  	_ = 	snop;
	(pc) =	sbr.rel @p0 .LBB2_43-.Ltmp37, $4  }
0x174: {  	s31 =	sadd.s32 s7, s13;
	_ =	swait.ge [sflag:s16], $0x620  }
0x175: {  	s9 =	sshll.u32 s31, $0x2;
	[sflag:s16] =	ssyncset.done $0x0  }
0x176: {  	s9 =	sadd.s32 s6, s9;
	[sflag:s16] =	ssyncadd.s32 $0xFFFFF9E0  }
0x177: {  	[hbm4b:s9+s3] =	stream.linear.scatter [tilespmem:s17], [sflag:$0x5], $0x620, $0x200038;
	[tilespmem:$0x1F2C0] =	vst v63  }
.LBB2_40:
0x178: {  	p0 =	seq.s32 s29, $0x3F  }
0x179: {  	s13 =	smul.u32 @!p0 $0x31, s29;
	_ =	sdelay $0x1  }
0x17a: {  	_ =	swait.ge [sflag:s10], $0x620;
	s2 =	sadd.s32 @!p0 s13, s12  }
0x17b: {  	[sflag:s10] =	ssyncset.done $0x0;
	s2 =	sshll.u32 @!p0 s2, $0x2  }
0x17c: {  	s9 =	simm.s32 @!p0 $0x0;
	s23 =	simm.s32 @!p0 $0x5240;
	s2 =	sand.u32 @!p0 $0x1FFFFFFC, s2  }
0x17d: {  	[sflag:s10] =	ssyncadd.s32 $0xFFFFF9E0;
	s13 =	simm.s32 @p0 $0xC0F;
	s2 =	sadd.s32 @!p0 s5, s2  }
0x17e: {  	[tilespmem:s23], [sflag:$0x4] =	stream.linear.gather @!p0 [hbm4b:s2+s9], $0x620, $0x200038;
	[tilespmem:$0x1F2C0] =	vst v63  }
0x17f: {  	s2 =	sadd.s32 s4, s13  }
0x180: {  	s31 =	sshll.u32 s2, $0x5  }
0x181: {  	s9 =	sand.u32 $0x3FFFFFE0, s31  }
0x182: {  	s9 =	sadd.s32 s9, s1  }
0x183: {  	[tilespmem:s11], [sflag:$0x6] =	stream.linear.gather [spmem:s9], $0x620, $0x200038;
	[tilespmem:$0x1F2C0] =	vst v63  }
0x184: {  	_ =	swait.ge [sflag:s16], $0x620  }
0x185: {  	[sflag:s16] =	ssyncset.done $0x0  }
0x186: {  	v0 =	vmov s13;
	[sflag:s16] =	ssyncadd.s32 $0xFFFFF9E0  }
0x187: {  	_ =	swait.ge [sflag:s14], $0x620  }
0x188: {  	[sflag:s14] =	ssyncset.done $0x0  }
0x189: {  	s23 =	simm.s32 $0x0;
	[sflag:s14] =	ssyncadd.s32 $0xFFFFF9E0  }
0x18a: {  	v1 =	vld [tilespmem:s23+$0x4C20]  }
0x18b: {  	v0 =	vld.idx.msk [tilespmem:v0+s15+$0x0], $0xffff  }
0x18c: {  	v2 =	vld [tilespmem:s23+$0x4C30]  }
0x18d: {  	v4 =	vld [tilespmem:s23+$0x5860]  }
0x18e: {  	v3 =	vld [tilespmem:s23+$0x5870];
	_ =	sdelay $0x1  }
0x18f: {  	s26 =	sadd.s32 $0x1, s13;
	v1 =	vmul.f32 v1, v0  }
0x190: {  	v5 =	vmul.f32 v2, v0;
	v0 =	vmov s26  }
0x191: {  	v2 =	vadd.f32 v4, v1  }
0x192: {  	s28 =	simm.s32 $0x100;
	s13 =	simm.s32 $0x20;
	v1 =	vadd.f32 v3, v5  }
.LBB2_41:
0x193: {  	s30 =	sshra.s32 s28, $0x2;
	p0 =	sne.s32 s28, $0x1800;
	s28 =	sadd.s32 $0x80, s28;
	[tilespmem:s23+$0x4C20] =	vst v2  }
0x194: {  	v2 =	vld [tilespmem:s13+$0x4C20];
	[tilespmem:s23+$0x4C30] =	vst v1;
	s23 =	smov.u32 s13;
	s13 =	smov.u32 s30  }
0x195: {  	v0 =	vld.idx.msk [tilespmem:v0+s15+$0x0], $0xffff  }
0x196: {  	v1 =	vld [tilespmem:s23+$0x4C30]  }
0x197: {  	v3 =	vld [tilespmem:s23+$0x5870]  }
0x198: {  	v4 =	vld [tilespmem:s23+$0x5860]  }
.Ltmp38:
0x199: {  	(pc) =	sbr.rel @p0 .LBB2_41-.Ltmp38, $4  }
0x19a: {  	_ = 	snop  }
0x19b: {  	s26 =	sadd.s32 $0x1, s26;
	v2 =	vmul.f32 v2, v0;
	v1 =	vmul.f32 v1, v0  }
0x19c: {  	v0 =	vmov s26  }
0x19d: {  	v2 =	vadd.f32 v4, v2;
	v1 =	vadd.f32 v3, v1  }
.Ltmp39:
0x19e: {  	_ = 	snop;
	(pc) =	sbr.rel .LBB2_42-.Ltmp39, $1  }
0x19f: {  	_ =	sdelay $0x3  }
.LBB2_46:
0x1a0: {  	_ =	sfence.sel $0x180000  }
0x1a1: {  	[bflag:$0x0] =	sbarrier.arrive $0xFFFF  }
0x1a2: {  	_ =	strace $0x9000004A  }
0x1a3: {  	s0 =	stileid.u32;
	[bflag:$0x2] =	sbarrier.arrive $0xFFFF  }
0x1a4: {  	p0 =	sne.s32 s0, $0x0;
	s0 =	rddreg [dreg:$0x3]  }
0x1a5: {  	s0 =	sadd.s32 @!p0 $0x100000, s0  }
0x1a6: {  	[sflag:s0] =	ssyncadd.tile.s32 @!p0 $0x1;
	_ =	shalt  }
.Lfunc_end2:
_tile_overlayer_lowered:
.L_overlay_start_2:
0x1a7: {  	(tag) =	ssettag $0x2  }
0x1a8: {  	s0 =	rddreg [dreg:$0x0];
	s2 =	stileid.u32  }
0x1a9: {  	s1 =	rddreg [dreg:$0x1];
	p0 =	sne.s32 s2, $0x0  }
0x1aa: {  	s3 =	rddreg [dreg:$0x2];
	[bflag:$0x3] =	sbarrier.arrive $0xFFFF;
	s2 =	simm.s32 @!p0 $0x1C06  }
0x1ab: {  	[timem:s3], [sflag:s2] =	dma.local @!p0 [hbm:s0], s1  }
0x1ac: {  	s0 =	simm.s32 @!p0 $0x6  }
0x1ad: {  	_ =	swait.ge @!p0 [sflag:s0], s1  }
0x1ae: {  	s1 =	ssub.s32 @!p0 $0x0, s1;
	[sflag:s0] =	ssyncset.done @!p0 $0x0  }
0x1af: {  	[sflag:s0] =	ssyncadd.s32 @!p0 s1  }
0x1b0: {  	[bflag:$0x3] =	sbarrier.arrive $0xFFFF  }
0x1b1: {  	_ =	shalt  }

// kernel: kernel.7.cloned.1.call-start
scs
__scs_entry_jumppad:
0x0: {  	(pc) =	sbr.rel $0x88, $3  }
0x1: {  	(tag) =	ssettag $0x0;
	lr =	simm.s32 $0x1  }
0x2: {  	[smem:$0x3F9B] =	sst lr;
	_ =	strace $0xD0000000  }
0x3: {  	_ = 	snop  }
0x4: {  	_ = 	snop  }
0x5: {  	_ = 	snop  }
0x6: {  	_ = 	snop  }
0x7: {  	_ = 	snop  }
__scs_overlays_trampoline_lowered:
0x8: {  	[smem:$0x3FAA] =	sst s0  }
0x9: {  	[smem:$0x3FAB] =	sst s1  }
0xa: {  	[smem:$0x3FAC] =	sst s2  }
0xb: {  	[smem:$0x3FAD] =	sst s3  }
0xc: {  	[smem:$0x3FAE] =	sst s4  }
0xd: {  	[smem:$0x3FAF] =	sst s5  }
0xe: {  	[smem:$0x3FB0] =	sst s6  }
0xf: {  	[smem:$0x3FB1] =	sst s7  }
0x10: {  	[smem:$0x3FB2] =	sst s8  }
0x11: {  	[smem:$0x3FB3] =	sst s9;
	s0 =	simm.s32 @!p0 $0x0  }
0x12: {  	s1 =	sld [smem:$0x3F99];
	s0 =	simm.s32 @p0 $0x1  }
0x13: {  	[smem:$0x3FB4] =	sst s0;
	s0 =	simm.s32 @!p1 $0x0  }
0x14: {  	s2 =	sld [smem:$0x3F98];
	s0 =	simm.s32 @p1 $0x1  }
0x15: {  	[smem:$0x3FB5] =	sst s0;
	s0 =	simm.s32 @!p2 $0x0  }
0x16: {  	s3 =	sld [smem:$0x3FDB];
	s0 =	simm.s32 @p2 $0x1  }
0x17: {  	s4 =	simm.s32 $0x1BF5;
	[smem:$0x3FB7] =	sst s0  }
0x18: {  	s0 =	sld [smem:$0x3F9A];
	_ =	swait.ge [sflag:s4], $0x0  }
0x19: {  	s7 =	sld [smem:$0x3F9B]  }
0x1a: {  	s8 =	sadd.s32 $0xFFFFE003, lr  }
0x1b: {  	s9 =	sadd.s32 $0xFFFFFEF7, lr;
	s5 =	simm.s32 $0xFFFFFFFF;
	p2 =	slt.u32 s8, $0xFFFFF086  }
0x1c: {  	p1 =	slt.u32 s9, $0xF7A;
	s5 =	simm.s32 @!p2 $0x0  }
0x1d: {  	s5 =	simm.s32 @p1 $0x1;
	p0 =	seq.s32 s7, s2  }
0x1e: {  	s7 =	smul.u32 @!p0 $0xF7A, s2;
	p2 =	seq.s32 @!p0 s5, $0x0  }
0x1f: {  	s9 =	smul.u32 $0xF7A, s1;
	s8 =	simm.s32 @!p0 $0x1BF5;
	p2 =	por !p2, p0  }
0x20: {  	[sflag:s8] =	ssyncset.s32 @!p0 $0xFFFFF086;
	s6 =	sadd.s32 @!p0 s3, s7;
	s7 =	simm.s32 @!p0 $0x108  }
0x21: {  	s3 =	sadd.s32 s3, s9;
	s6 =	sadd.s32 @!p0 $0x88, s6;
	s7 =	simm.s32 @p2 $0x1082  }
0x22: {  	[simem:s7], [sflag:s8] =	dma.local @!p0 [hbm:s6], $0xF7A  }
0x23: {  	s9 =	sor.u32 $0xD0000000, s2;
	s6 =	simm.s32 $0x108;
	_ =	swait.ge @!p0 [sflag:s8], $0x0  }
0x24: {  	s3 =	sadd.s32 $0x88, s3;
	s6 =	simm.s32 @!p1 $0x1082;
	[sflag:s4] =	ssyncset.s32 $0xFFFFF086  }
0x25: {  	[simem:s6], [sflag:s4] =	dma.local [hbm:s3], $0xF7A  }
0x26: {  	[smem:$0x3F9B] =	sst s1;
	(tag) =	ssettag s2;
	_ =	strace s9  }
0x27: {  	s1 =	sld [smem:$0x3FAB]  }
0x28: {  	s2 =	sld [smem:$0x3FAC]  }
0x29: {  	s4 =	sld [smem:$0x3FAE]  }
0x2a: {  	p0 =	seq.s32 s5, $0x0;
	s5 =	sld [smem:$0x3FAF]  }
0x2b: {  	s6 =	sld [smem:$0x3FB0]  }
0x2c: {  	s7 =	sld [smem:$0x3FB1]  }
0x2d: {  	s3 =	simm.s32 $0x108;
	s8 =	sld [smem:$0x3FB2]  }
0x2e: {  	s3 =	simm.s32 @!p0 $0x1082;
	s9 =	sld [smem:$0x3FB3]  }
0x2f: {  	lr =	sadd.s32 s0, s3;
	s0 =	sld [smem:$0x3FAA]  }
0x30: {  	s3 =	sld [smem:$0x3FAD]  }
0x31: {  	[smem:$0x3FB6] =	sst s10  }
0x32: {  	s10 =	sld [smem:$0x3FB4];
	_ =	sdelay $0x3  }
0x33: {  	p0 =	seq.s32 s10, $0x1;
	s10 =	sld [smem:$0x3FB6];
	_ =	sdelay $0x3  }
0x34: {  	[smem:$0x3FB6] =	sst s10  }
0x35: {  	s10 =	sld [smem:$0x3FB5];
	_ =	sdelay $0x3  }
0x36: {  	p1 =	seq.s32 s10, $0x1;
	s10 =	sld [smem:$0x3FB6];
	_ =	sdelay $0x3  }
0x37: {  	[smem:$0x3FB6] =	sst s10  }
0x38: {  	s10 =	sld [smem:$0x3FB7]  }
0x39: {  	_ = 	snop;
	(pc) =	sbr.ind lr, $3  }
0x3a: {  	_ = 	snop  }
0x3b: {  	_ = 	snop  }
0x3c: {  	p2 =	seq.s32 s10, $0x1;
	s10 =	sld [smem:$0x3FB6]  }
0x3d: {  	_ =	shalt  }
0x3e: {  	_ =	shalt  }
0x3f: {  	_ =	shalt  }
0x40: {  	_ =	shalt  }
0x41: {  	_ =	shalt  }
0x42: {  	_ =	shalt  }
0x43: {  	_ =	shalt  }
0x44: {  	_ =	shalt  }
0x45: {  	_ =	shalt  }
0x46: {  	_ =	shalt  }
0x47: {  	_ =	shalt  }
0x48: {  	_ =	shalt  }
0x49: {  	_ =	shalt  }
0x4a: {  	_ =	shalt  }
0x4b: {  	_ =	shalt  }
0x4c: {  	_ =	shalt  }
0x4d: {  	_ =	shalt  }
0x4e: {  	_ =	shalt  }
0x4f: {  	_ =	shalt  }
0x50: {  	_ =	shalt  }
0x51: {  	_ =	shalt  }
0x52: {  	_ =	shalt  }
0x53: {  	_ =	shalt  }
0x54: {  	_ =	shalt  }
0x55: {  	_ =	shalt  }
0x56: {  	_ =	shalt  }
0x57: {  	_ =	shalt  }
0x58: {  	_ =	shalt  }
0x59: {  	_ =	shalt  }
0x5a: {  	_ =	shalt  }
0x5b: {  	_ =	shalt  }
0x5c: {  	_ =	shalt  }
0x5d: {  	_ =	shalt  }
0x5e: {  	_ =	shalt  }
0x5f: {  	_ =	shalt  }
0x60: {  	_ =	shalt  }
0x61: {  	_ =	shalt  }
0x62: {  	_ =	shalt  }
0x63: {  	_ =	shalt  }
0x64: {  	_ =	shalt  }
0x65: {  	_ =	shalt  }
0x66: {  	_ =	shalt  }
0x67: {  	_ =	shalt  }
0x68: {  	_ =	shalt  }
0x69: {  	_ =	shalt  }
0x6a: {  	_ =	shalt  }
0x6b: {  	_ =	shalt  }
0x6c: {  	_ =	shalt  }
0x6d: {  	_ =	shalt  }
0x6e: {  	_ =	shalt  }
0x6f: {  	_ =	shalt  }
0x70: {  	_ =	shalt  }
0x71: {  	_ =	shalt  }
0x72: {  	_ =	shalt  }
0x73: {  	_ =	shalt  }
0x74: {  	_ =	shalt  }
0x75: {  	_ =	shalt  }
0x76: {  	_ =	shalt  }
0x77: {  	_ =	shalt  }
0x78: {  	_ =	shalt  }
0x79: {  	_ =	shalt  }
0x7a: {  	_ =	shalt  }
0x7b: {  	_ =	shalt  }
0x7c: {  	_ =	shalt  }
0x7d: {  	_ =	shalt  }
0x7e: {  	_ =	shalt  }
0x7f: {  	_ =	shalt  }
0x80: {  	_ =	shalt  }
0x81: {  	_ =	shalt  }
0x82: {  	_ =	shalt  }
0x83: {  	_ =	shalt  }
0x84: {  	_ =	shalt  }
0x85: {  	_ =	shalt  }
0x86: {  	_ =	shalt  }
0x87: {  	_ =	shalt  }
.Lfunc_end0:
.L_simem_size_0:
called_computation_lowered:
.L_overlay_start_0:
0x88: {  	s2 =	sld [smem:$0x3FD9]  }
0x89: {  	s3 =	sld [smem:$0x3FFE];
	_ =	sdelay $0x1  }
0x8a: {  	s1 =	srdreg.scid  }
0x8b: {  	s0 =	sand.u32 $0x1, s1  }
0x8c: {  	s17 =	sshll.u32 s0, $0xA;
	s2 =	sadd.s32 s3, s2  }
0x8d: {  	s2 =	sadd.s32 s2, s17  }
0x8e: {  	[smem:$0x3FC2] =	sst s2  }
0x8f: {  	_ = 	snop  }
0x90: {  	s2 =	sld [smem:$0x3FD0];
	(tm) =	ssettm $0x1  }
0x91: {  	s18 =	sld [smem:$0x3FFB];
	_ =	sdelay $0x3  }
0x92: {  	_ =	strace s18  }
0x93: {  	s3 =	sld [smem:$0x3FFC];
	_ =	sdelay $0x3  }
0x94: {  	_ =	strace s3  }
0x95: {  	s3 =	sld [smem:$0x3FFD];
	_ =	sdelay $0x3  }
0x96: {  	_ =	strace s3  }
0x97: {  	_ =	strace $0x8FFFFFFF  }
0x98: {  	s19 =	sld [smem:$0x3FDB];
	_ =	sdelay $0x1  }
0x99: {  	s4 =	simm.s32 $_scs_section_size  }
0x9a: {  	s5 =	simm.s32 $_size__tile_overlayer_lowered;
	s6 =	simm.s32 $_tile_overlayer_lowered  }
0x9b: {  	s22 =	simm.s32 $0x1BFF;
	s21 =	sshll.u32 s6, $0x1;
	s3 =	sadd.s32 s4, s19  }
0x9c: {  	s7 =	simm.s32 $0x0;
	s20 =	sshll.u32 s5, $0x1;
	s5 =	sadd.s32 s21, s3  }
0x9d: {  	[timem:s7], [sflag:s22] =	dma.local [hbm:s5], s20  }
0x9e: {  	_ =	swait.ge [sflag:s22], s20  }
0x9f: {  	s4 =	ssub.s32 $0x0, s20;
	[sflag:s22] =	ssyncset.done $0x0  }
0xa0: {  	[sflag:s22] =	ssyncadd.s32 s4;
	_ =	sdelay $0x1  }
0xa1: {  	s23 =	simm.s32 $0x1B8B  }
0xa2: {  	_ =	swait.ge [sflag:s23], $0x1  }
0xa3: {  	[sflag:s23] =	ssyncset.done $0x0  }
0xa4: {  	s25 =	simm.s32 $0x1B8E;
	s24 =	sld [smem:$0x3FFE];
	[sflag:s23] =	ssyncadd.s32 $0xFFFFFFFF  }
0xa5: {  	s26 =	simm.s32 $execute0_lowered;
	[smem:$0x3FD2] =	sst s25  }
0xa6: {  	s5 =	sshll.u32 s26, $0x1;
	_ =	strace $0x80000046;
	[dreg:$0x1] =	wrdreg $0xFFFFFFFF  }
0xa7: {  	s28 =	simm.s32 $_size_execute0_lowered;
	s3 =	sadd.s32 s3, s5;
	[dreg:$0x0] =	wrdreg $0x0  }
0xa8: {  	s5 =	sshll.u32 s28, $0x1;
	[dreg:$0x2] =	wrdreg s3  }
0xa9: {  	[dreg:$0x3] =	wrdreg s5  }
0xaa: {  	[dreg:$0x4] =	wrdreg $0xC0  }
0xab: {  	_ =	task [dreg:s7], $0x5FFFF  }
0xac: {  	[dreg:$0x1] =	wrdreg $0xFFFFFFFF  }
0xad: {  	[dreg:$0x0] =	wrdreg $0x60  }
0xae: {  	[dreg:$0x2] =	wrdreg s24  }
0xaf: {  	[dreg:$0x3] =	wrdreg s2  }
0xb0: {  	[dreg:$0x4] =	wrdreg $0x9  }
0xb1: {  	_ =	task.clear_ibuf [dreg:s7], $0x5FFFF;
	_ =	strace $0x90000046  }
0xb2: {  	s29 =	simm.s32 $0x9;
	_ =	strace $0x80000048  }
0xb3: {  	_ =	swait.ge [sflag:s29], $0x1  }
0xb4: {  	[sflag:s29] =	ssyncadd.s32 $0xFFFFFFFF  }
0xb5: {  	_ =	strace $0x90000048  }
0xb6: {  	_ =	sfence  }
0xb7: {  	s30 =	sld [smem:$0x0];
	_ =	sdelay $0x2  }
0xb8: {  	s31 =	sshll.u32 s1, $0xD;
	s1 =	sshrl.u32 s1, $0x2  }
0xb9: {  	s3 =	sand.u32 $0x4000, s31;
	s1 =	sadd.s32 s1, s30  }
0xba: {  	s0 =	sor.u32 s3, s0;
	s1 =	sshll.u32 s1, $0x11  }
0xbb: {  	s0 =	sor.u32 s1, s0  }
0xbc: {  	s0 =	sadd.s32 $0x8F2B, s0  }
0xbd: {  	[sflag:s0] =	ssyncadd.remote.s32 $0x1  }
0xbe: {  	_ =	sfence.sel $0xFFFF  }
0xbf: {  	[dreg:$0x0] =	wrdreg $0xFFFFFFFF;
	(pc) =	sbr.abs _section_cstart, $3  }
0xc0: {  	[dreg:$0x1] =	wrdreg $0xFFFFFFFF  }
0xc1: {  	_ =	task.clear_ibuf [dreg:s7], $0x2FFFF;
	_ =	strace $0x9FFFFFFF  }
0xc2: {  	(tm) =	ssettm $0x7FFFFFFF  }
0xc3: {  	_ =	shalt  }
tec
execute0_lowered:
.L_overlay_start_1:
0x0: {  	(tag) =	ssettag $0x1  }
0x1: {  	s3 =	rddreg [dreg:$0x0];
	s0 =	srdreg.scid  }
0x2: {  	s4 =	rddreg [dreg:$0x1];
	s1 =	stileid.u32;
	s2 =	simm.s32 $0x0  }
0x3: {  	s5 =	sand.u32 $0x1, s0;
	s0 =	rddreg [dreg:$0x2];
	s7 =	smul.u32 $0x6400, s1  }
0x4: {  	[smem:$0x7FF] =	sst s2;
	s6 =	smul.u32 $0x64000, s5;
	s8 =	sshll.u32 s5, $0x4  }
0x5: {  	s5 =	ssub.s32 $0x2, s5;
	_ =	strace $0x80000047;
	s30 =	sor.u32 s1, s8  }
0x6: {  	s31 =	sshrl.u32 s5, $0x1;
	s6 =	sadd.s32 s7, s6;
	s7 =	smul.u32 $0x1880, s30  }
0x7: {  	s8 =	simm.s32 $0x0;
	s5 =	ssub.s32 s5, s31;
	s6 =	sshrl.u32 s6, $0x3  }
0x8: {  	s6 =	sadd.s32 s6, s3;
	s3 =	sadd.s32 s4, s7;
	s4 =	smax.u32 s5, $0x1  }
0x9: {  	v0 =	vimm.f32 $0.0e+00;
	v1 =	vimm.f32 $1.000000000e+00;
	s7 =	simm.s32 $0x1;
	s5 =	sadd.s32 $0x2600, s6;
	s6 =	simm.s32 $0xC400  }
.LBB2_1:
0xa: {  	s9 =	simm.s32 $0x0  }
.LBB2_2:
0xb: {  	p0 =	sne.s32 s9, $0x30FC0  }
.Ltmp0:
0xc: {  	_ = 	snop;
	(pc) =	sbr.rel @p0 .LBB2_2-.Ltmp0, $3  }
0xd: {  	_ =	sdelay $0x1  }
0xe: {  	s10 =	sshra.s32 s9, $0x2  }
0xf: {  	s9 =	sadd.s32 $0x40, s9;
	[tilespmem:s10+$0x0] =	vst v0  }
0x10: {  	s9 =	simm.s32 $0x0  }
.LBB2_4:
0x11: {  	s10 =	sadd.s32 s9, s5  }
0x12: {  	[tilespmem:s6], [sflag:$0x1] =	stream.linear.gather [hbm4b:s10+s2], $0x400, $0x38;
	[tilespmem:$0xC800] =	vst v63  }
0x13: {  	_ =	swait.ge [sflag:s7], $0x400  }
0x14: {  	[sflag:s7] =	ssyncset.done $0x0  }
0x15: {  	[sflag:s7] =	ssyncadd.s32 $0xFFFFFC00  }
0x16: {  	v2 =	vld [tilespmem:$0xC400];
	_ =	sdelay $0x7  }
0x17: {  	[tilespmem:v2+s2+$0x0] =	vst.idx.add.f32.msk $0xffff, v1  }
0x18: {  	v2 =	vld [tilespmem:$0xC410];
	_ =	sdelay $0x7  }
0x19: {  	[tilespmem:v2+s2+$0x0] =	vst.idx.add.f32.msk $0xffff, v1  }
0x1a: {  	v2 =	vld [tilespmem:$0xC420];
	_ =	sdelay $0x7  }
0x1b: {  	[tilespmem:v2+s2+$0x0] =	vst.idx.add.f32.msk $0xffff, v1  }
0x1c: {  	v2 =	vld [tilespmem:$0xC430];
	_ =	sdelay $0x7  }
0x1d: {  	[tilespmem:v2+s2+$0x0] =	vst.idx.add.f32.msk $0xffff, v1  }
0x1e: {  	v2 =	vld [tilespmem:$0xC440];
	_ =	sdelay $0x7  }
0x1f: {  	[tilespmem:v2+s2+$0x0] =	vst.idx.add.f32.msk $0xffff, v1  }
0x20: {  	v2 =	vld [tilespmem:$0xC450];
	_ =	sdelay $0x7  }
0x21: {  	[tilespmem:v2+s2+$0x0] =	vst.idx.add.f32.msk $0xffff, v1  }
0x22: {  	v2 =	vld [tilespmem:$0xC460];
	_ =	sdelay $0x7  }
0x23: {  	[tilespmem:v2+s2+$0x0] =	vst.idx.add.f32.msk $0xffff, v1  }
0x24: {  	v2 =	vld [tilespmem:$0xC470];
	_ =	sdelay $0x7  }
0x25: {  	[tilespmem:v2+s2+$0x0] =	vst.idx.add.f32.msk $0xffff, v1  }
0x26: {  	v2 =	vld [tilespmem:$0xC480];
	_ =	sdelay $0x7  }
0x27: {  	[tilespmem:v2+s2+$0x0] =	vst.idx.add.f32.msk $0xffff, v1  }
0x28: {  	v2 =	vld [tilespmem:$0xC490];
	_ =	sdelay $0x7  }
0x29: {  	[tilespmem:v2+s2+$0x0] =	vst.idx.add.f32.msk $0xffff, v1  }
0x2a: {  	v2 =	vld [tilespmem:$0xC4A0];
	_ =	sdelay $0x7  }
0x2b: {  	[tilespmem:v2+s2+$0x0] =	vst.idx.add.f32.msk $0xffff, v1  }
0x2c: {  	v2 =	vld [tilespmem:$0xC4B0];
	_ =	sdelay $0x7  }
0x2d: {  	[tilespmem:v2+s2+$0x0] =	vst.idx.add.f32.msk $0xffff, v1  }
0x2e: {  	v2 =	vld [tilespmem:$0xC4C0];
	_ =	sdelay $0x7  }
0x2f: {  	[tilespmem:v2+s2+$0x0] =	vst.idx.add.f32.msk $0xffff, v1  }
0x30: {  	v2 =	vld [tilespmem:$0xC4D0];
	_ =	sdelay $0x7  }
0x31: {  	[tilespmem:v2+s2+$0x0] =	vst.idx.add.f32.msk $0xffff, v1  }
0x32: {  	v2 =	vld [tilespmem:$0xC4E0];
	_ =	sdelay $0x7  }
0x33: {  	[tilespmem:v2+s2+$0x0] =	vst.idx.add.f32.msk $0xffff, v1  }
0x34: {  	v2 =	vld [tilespmem:$0xC4F0];
	_ =	sdelay $0x7  }
0x35: {  	[tilespmem:v2+s2+$0x0] =	vst.idx.add.f32.msk $0xffff, v1  }
0x36: {  	v2 =	vld [tilespmem:$0xC500];
	_ =	sdelay $0x7  }
0x37: {  	[tilespmem:v2+s2+$0x0] =	vst.idx.add.f32.msk $0xffff, v1  }
0x38: {  	v2 =	vld [tilespmem:$0xC510];
	_ =	sdelay $0x7  }
0x39: {  	[tilespmem:v2+s2+$0x0] =	vst.idx.add.f32.msk $0xffff, v1  }
0x3a: {  	v2 =	vld [tilespmem:$0xC520];
	_ =	sdelay $0x7  }
0x3b: {  	[tilespmem:v2+s2+$0x0] =	vst.idx.add.f32.msk $0xffff, v1  }
0x3c: {  	v2 =	vld [tilespmem:$0xC530];
	_ =	sdelay $0x7  }
0x3d: {  	[tilespmem:v2+s2+$0x0] =	vst.idx.add.f32.msk $0xffff, v1  }
0x3e: {  	v2 =	vld [tilespmem:$0xC540];
	_ =	sdelay $0x7  }
0x3f: {  	[tilespmem:v2+s2+$0x0] =	vst.idx.add.f32.msk $0xffff, v1  }
0x40: {  	v2 =	vld [tilespmem:$0xC550];
	_ =	sdelay $0x7  }
0x41: {  	[tilespmem:v2+s2+$0x0] =	vst.idx.add.f32.msk $0xffff, v1  }
0x42: {  	v2 =	vld [tilespmem:$0xC560];
	_ =	sdelay $0x7  }
0x43: {  	[tilespmem:v2+s2+$0x0] =	vst.idx.add.f32.msk $0xffff, v1  }
0x44: {  	v2 =	vld [tilespmem:$0xC570];
	_ =	sdelay $0x7  }
0x45: {  	[tilespmem:v2+s2+$0x0] =	vst.idx.add.f32.msk $0xffff, v1  }
0x46: {  	v2 =	vld [tilespmem:$0xC580];
	_ =	sdelay $0x7  }
0x47: {  	[tilespmem:v2+s2+$0x0] =	vst.idx.add.f32.msk $0xffff, v1  }
0x48: {  	v2 =	vld [tilespmem:$0xC590];
	_ =	sdelay $0x7  }
0x49: {  	[tilespmem:v2+s2+$0x0] =	vst.idx.add.f32.msk $0xffff, v1  }
0x4a: {  	v2 =	vld [tilespmem:$0xC5A0];
	_ =	sdelay $0x7  }
0x4b: {  	[tilespmem:v2+s2+$0x0] =	vst.idx.add.f32.msk $0xffff, v1  }
0x4c: {  	v2 =	vld [tilespmem:$0xC5B0];
	_ =	sdelay $0x7  }
0x4d: {  	[tilespmem:v2+s2+$0x0] =	vst.idx.add.f32.msk $0xffff, v1  }
0x4e: {  	v2 =	vld [tilespmem:$0xC5C0];
	_ =	sdelay $0x7  }
0x4f: {  	[tilespmem:v2+s2+$0x0] =	vst.idx.add.f32.msk $0xffff, v1  }
0x50: {  	v2 =	vld [tilespmem:$0xC5D0];
	_ =	sdelay $0x7  }
0x51: {  	[tilespmem:v2+s2+$0x0] =	vst.idx.add.f32.msk $0xffff, v1  }
0x52: {  	v2 =	vld [tilespmem:$0xC5E0];
	_ =	sdelay $0x7  }
0x53: {  	[tilespmem:v2+s2+$0x0] =	vst.idx.add.f32.msk $0xffff, v1  }
0x54: {  	v2 =	vld [tilespmem:$0xC5F0];
	_ =	sdelay $0x7  }
0x55: {  	[tilespmem:v2+s2+$0x0] =	vst.idx.add.f32.msk $0xffff, v1  }
0x56: {  	v2 =	vld [tilespmem:$0xC600];
	_ =	sdelay $0x7  }
0x57: {  	[tilespmem:v2+s2+$0x0] =	vst.idx.add.f32.msk $0xffff, v1  }
0x58: {  	v2 =	vld [tilespmem:$0xC610];
	_ =	sdelay $0x7  }
0x59: {  	[tilespmem:v2+s2+$0x0] =	vst.idx.add.f32.msk $0xffff, v1  }
0x5a: {  	v2 =	vld [tilespmem:$0xC620];
	_ =	sdelay $0x7  }
0x5b: {  	[tilespmem:v2+s2+$0x0] =	vst.idx.add.f32.msk $0xffff, v1  }
0x5c: {  	v2 =	vld [tilespmem:$0xC630];
	_ =	sdelay $0x7  }
0x5d: {  	[tilespmem:v2+s2+$0x0] =	vst.idx.add.f32.msk $0xffff, v1  }
0x5e: {  	v2 =	vld [tilespmem:$0xC640];
	_ =	sdelay $0x7  }
0x5f: {  	[tilespmem:v2+s2+$0x0] =	vst.idx.add.f32.msk $0xffff, v1  }
0x60: {  	v2 =	vld [tilespmem:$0xC650];
	_ =	sdelay $0x7  }
0x61: {  	[tilespmem:v2+s2+$0x0] =	vst.idx.add.f32.msk $0xffff, v1  }
0x62: {  	v2 =	vld [tilespmem:$0xC660];
	_ =	sdelay $0x7  }
0x63: {  	[tilespmem:v2+s2+$0x0] =	vst.idx.add.f32.msk $0xffff, v1  }
0x64: {  	v2 =	vld [tilespmem:$0xC670];
	_ =	sdelay $0x7  }
0x65: {  	[tilespmem:v2+s2+$0x0] =	vst.idx.add.f32.msk $0xffff, v1  }
0x66: {  	v2 =	vld [tilespmem:$0xC680];
	_ =	sdelay $0x7  }
0x67: {  	[tilespmem:v2+s2+$0x0] =	vst.idx.add.f32.msk $0xffff, v1  }
0x68: {  	v2 =	vld [tilespmem:$0xC690];
	_ =	sdelay $0x7  }
0x69: {  	[tilespmem:v2+s2+$0x0] =	vst.idx.add.f32.msk $0xffff, v1  }
0x6a: {  	v2 =	vld [tilespmem:$0xC6A0];
	_ =	sdelay $0x7  }
0x6b: {  	[tilespmem:v2+s2+$0x0] =	vst.idx.add.f32.msk $0xffff, v1  }
0x6c: {  	v2 =	vld [tilespmem:$0xC6B0];
	_ =	sdelay $0x7  }
0x6d: {  	[tilespmem:v2+s2+$0x0] =	vst.idx.add.f32.msk $0xffff, v1  }
0x6e: {  	v2 =	vld [tilespmem:$0xC6C0];
	_ =	sdelay $0x7  }
0x6f: {  	[tilespmem:v2+s2+$0x0] =	vst.idx.add.f32.msk $0xffff, v1  }
0x70: {  	v2 =	vld [tilespmem:$0xC6D0];
	_ =	sdelay $0x7  }
0x71: {  	[tilespmem:v2+s2+$0x0] =	vst.idx.add.f32.msk $0xffff, v1  }
0x72: {  	v2 =	vld [tilespmem:$0xC6E0];
	_ =	sdelay $0x7  }
0x73: {  	[tilespmem:v2+s2+$0x0] =	vst.idx.add.f32.msk $0xffff, v1  }
0x74: {  	v2 =	vld [tilespmem:$0xC6F0];
	_ =	sdelay $0x7  }
0x75: {  	[tilespmem:v2+s2+$0x0] =	vst.idx.add.f32.msk $0xffff, v1  }
0x76: {  	v2 =	vld [tilespmem:$0xC700];
	_ =	sdelay $0x7  }
0x77: {  	[tilespmem:v2+s2+$0x0] =	vst.idx.add.f32.msk $0xffff, v1  }
0x78: {  	v2 =	vld [tilespmem:$0xC710];
	_ =	sdelay $0x7  }
0x79: {  	[tilespmem:v2+s2+$0x0] =	vst.idx.add.f32.msk $0xffff, v1  }
0x7a: {  	v2 =	vld [tilespmem:$0xC720];
	_ =	sdelay $0x7  }
0x7b: {  	[tilespmem:v2+s2+$0x0] =	vst.idx.add.f32.msk $0xffff, v1  }
0x7c: {  	v2 =	vld [tilespmem:$0xC730];
	_ =	sdelay $0x7  }
0x7d: {  	[tilespmem:v2+s2+$0x0] =	vst.idx.add.f32.msk $0xffff, v1  }
0x7e: {  	v2 =	vld [tilespmem:$0xC740];
	_ =	sdelay $0x7  }
0x7f: {  	[tilespmem:v2+s2+$0x0] =	vst.idx.add.f32.msk $0xffff, v1  }
0x80: {  	v2 =	vld [tilespmem:$0xC750];
	_ =	sdelay $0x7  }
0x81: {  	[tilespmem:v2+s2+$0x0] =	vst.idx.add.f32.msk $0xffff, v1  }
0x82: {  	v2 =	vld [tilespmem:$0xC760];
	_ =	sdelay $0x7  }
0x83: {  	[tilespmem:v2+s2+$0x0] =	vst.idx.add.f32.msk $0xffff, v1  }
0x84: {  	v2 =	vld [tilespmem:$0xC770];
	_ =	sdelay $0x7  }
0x85: {  	[tilespmem:v2+s2+$0x0] =	vst.idx.add.f32.msk $0xffff, v1  }
0x86: {  	v2 =	vld [tilespmem:$0xC780];
	_ =	sdelay $0x7  }
0x87: {  	[tilespmem:v2+s2+$0x0] =	vst.idx.add.f32.msk $0xffff, v1  }
0x88: {  	v2 =	vld [tilespmem:$0xC790];
	_ =	sdelay $0x7  }
0x89: {  	[tilespmem:v2+s2+$0x0] =	vst.idx.add.f32.msk $0xffff, v1  }
0x8a: {  	v2 =	vld [tilespmem:$0xC7A0];
	_ =	sdelay $0x7  }
0x8b: {  	[tilespmem:v2+s2+$0x0] =	vst.idx.add.f32.msk $0xffff, v1  }
0x8c: {  	v2 =	vld [tilespmem:$0xC7B0];
	_ =	sdelay $0x7  }
0x8d: {  	[tilespmem:v2+s2+$0x0] =	vst.idx.add.f32.msk $0xffff, v1  }
0x8e: {  	v2 =	vld [tilespmem:$0xC7C0];
	_ =	sdelay $0x7  }
0x8f: {  	[tilespmem:v2+s2+$0x0] =	vst.idx.add.f32.msk $0xffff, v1  }
0x90: {  	v2 =	vld [tilespmem:$0xC7D0];
	_ =	sdelay $0x7  }
0x91: {  	[tilespmem:v2+s2+$0x0] =	vst.idx.add.f32.msk $0xffff, v1  }
0x92: {  	v2 =	vld [tilespmem:$0xC7E0];
	_ =	sdelay $0x7  }
0x93: {  	[tilespmem:v2+s2+$0x0] =	vst.idx.add.f32.msk $0xffff, v1  }
0x94: {  	v2 =	vld [tilespmem:$0xC7F0];
	_ =	sdelay $0x2  }
0x95: {  	p0 =	sne.s32 s9, $0xC00  }
.Ltmp1:
0x96: {  	_ = 	snop;
	(pc) =	sbr.rel @p0 .LBB2_4-.Ltmp1, $2  }
0x97: {  	_ =	sdelay $0x2  }
0x98: {  	s9 =	sadd.s32 $0x80, s9;
	[tilespmem:v2+s2+$0x0] =	vst.idx.add.f32.msk $0xffff, v1  }
0x99: {  	s8 =	sadd.s32 $0x1, s8  }
0x9a: {  	p0 =	sne.s32 s8, s4  }
.Ltmp2:
0x9b: {  	_ = 	snop;
	(pc) =	sbr.rel @p0 .LBB2_1-.Ltmp2, $4  }
0x9c: {  	[hbm4b:s3+s2] =	stream.linear.scatter [tilespmem:s2], [sflag:$0x1], $0xC400, $0x38;
	[tilespmem:$0xC800] =	vst v63  }
0x9d: {  	_ =	swait.ge [sflag:s7], $0xC400  }
0x9e: {  	[sflag:s7] =	ssyncset.done $0x0  }
0x9f: {  	[sflag:s7] =	ssyncadd.s32 $0xFFFF3C00  }
0xa0: {  	_ =	sfence.sel $0x180000  }
0xa1: {  	[bflag:$0x0] =	sbarrier.arrive $0xFFFF  }
0xa2: {  	p0 =	sne.s32 s1, $0x0;
	_ =	strace $0x90000047  }
0xa3: {  	s0 =	sadd.s32 @!p0 $0x100000, s0;
	[bflag:$0x2] =	sbarrier.arrive $0xFFFF  }
0xa4: {  	[sflag:s0] =	ssyncadd.tile.s32 @!p0 $0x1;
	_ =	shalt  }
.Lfunc_end2:
_tile_overlayer_lowered:
.L_overlay_start_2:
0xa5: {  	(tag) =	ssettag $0x2  }
0xa6: {  	s0 =	rddreg [dreg:$0x0];
	s2 =	stileid.u32  }
0xa7: {  	s1 =	rddreg [dreg:$0x1];
	p0 =	sne.s32 s2, $0x0  }
0xa8: {  	s3 =	rddreg [dreg:$0x2];
	[bflag:$0x3] =	sbarrier.arrive $0xFFFF;
	s2 =	simm.s32 @!p0 $0x1C01  }
0xa9: {  	[timem:s3], [sflag:s2] =	dma.local @!p0 [hbm:s0], s1  }
0xaa: {  	s0 =	simm.s32 @!p0 $0x1  }
0xab: {  	_ =	swait.ge @!p0 [sflag:s0], s1  }
0xac: {  	s1 =	ssub.s32 @!p0 $0x0, s1;
	[sflag:s0] =	ssyncset.done @!p0 $0x0  }
0xad: {  	[sflag:s0] =	ssyncadd.s32 @!p0 s1  }
0xae: {  	[bflag:$0x3] =	sbarrier.arrive $0xFFFF  }
0xaf: {  	_ =	shalt  }

</sc_bundles>
